<compile_context>
chip_gen: v7x
topology: tpu7x:2x2x1
jax: 0.10.2.dev20260603
libtpu: 0.0.44.dev20260713+nightly
codegen_flags: <defaults>
</compile_context>

<pallas_src>
import functools

import jax
import jax.numpy as jnp
from jax import lax
from jax.experimental import pallas as pl
from jax.experimental.pallas import tpu as pltpu
from jax.experimental.pallas import tpu_sc as plsc

N = 10000
E = 160000
D_IN = 256
D_HID = 256
D_OUT = 16
NB = 4
NS = 4
NT = 16
NC = 2
LANES = 16

TN = 2000
GRID = N // TN

NPAD = 10240
RPT = NPAD // NT

EPT1 = E // NT
LL1 = 160
NSUP1 = 63
SLOTS1 = NSUP1 * LL1
ZR1 = 128

EPC = E // NC
EPT2 = EPC // NT
K2 = 80
SB2 = 16
NSUP2 = 4
NCH2 = NSUP2 * SB2
SLOTS2 = NCH2 * K2



def _l1_body(x_ref, w_ref, comp_ref, out_ref):
    x = x_ref[...]
    w = w_ref[...]
    comp = comp_ref[...]
    xb = [jnp.dot(x, w[b * D_IN:(b + 1) * D_IN, :],
                  preferred_element_type=jnp.float32) for b in range(NB)]
    for r in range(NS):
        acc = comp[r:r + 1, 0:1] * xb[0]
        for b in range(1, NB):
            acc = acc + comp[r:r + 1, b:b + 1] * xb[b]
        out_ref[r] = acc


def _l1_matmul(x, W1, W1_comp):
    return pl.pallas_call(
        _l1_body,
        grid=(GRID,),
        in_specs=[
            pl.BlockSpec((TN, D_IN), lambda i: (i, 0)),
            pl.BlockSpec((NB * D_IN, D_HID), lambda i: (0, 0)),
            pl.BlockSpec((NS, NB), lambda i: (0, 0)),
        ],
        out_specs=pl.BlockSpec((NS, TN, D_HID), lambda i: (0, i, 0)),
        out_shape=jax.ShapeDtypeStruct((NS, N, D_HID), jnp.float32),
    )(x, W1, W1_comp)


def _l2_body(p_ref, w_ref, comp_ref, out_ref):
    h = jnp.maximum(
        jnp.concatenate([p_ref[q] for q in range(4)], axis=1), 0.0)
    w = w_ref[...]
    comp = comp_ref[...]
    wcat = jnp.concatenate(
        [w[b * D_HID:(b + 1) * D_HID, :] for b in range(NB)], axis=1)
    hb = jnp.dot(h, wcat, preferred_element_type=jnp.float32)
    for r in range(NS):
        acc = comp[r:r + 1, 0:1] * hb[:, 0:D_OUT]
        for b in range(1, NB):
            acc = acc + comp[r:r + 1, b:b + 1] * hb[:, b * D_OUT:(b + 1) * D_OUT]
        out_ref[r] = acc


def _l2_matmul(parts, W2, W2_comp):
    return pl.pallas_call(
        _l2_body,
        grid=(GRID,),
        in_specs=[
            pl.BlockSpec((4, TN, 64), lambda i: (0, i, 0)),
            pl.BlockSpec((NB * D_HID, D_OUT), lambda i: (0, 0)),
            pl.BlockSpec((NS, NB), lambda i: (0, 0)),
        ],
        out_specs=pl.BlockSpec((NS, TN, D_OUT), lambda i: (0, i, 0)),
        out_shape=jax.ShapeDtypeStruct((NS, N, D_OUT), jnp.float32),
    )(parts, W2, W2_comp)


def _softmax_body(p_ref, out_ref):
    s = p_ref[0] + p_ref[1]
    m = jnp.max(s, axis=1, keepdims=True)
    e = jnp.exp(s - m)
    out_ref[...] = e / jnp.sum(e, axis=1, keepdims=True)


def _softmax_sum(parts):
    return pl.pallas_call(
        _softmax_body,
        grid=(GRID,),
        in_specs=[pl.BlockSpec((NC, TN, D_OUT), lambda i: (0, i, 0))],
        out_specs=pl.BlockSpec((TN, D_OUT), lambda i: (i, 0)),
        out_shape=jax.ShapeDtypeStruct((N, D_OUT), jnp.float32),
    )(parts)



_MESH = plsc.VectorSubcoreMesh(core_axis_name="c", subcore_axis_name="s")


@functools.partial(
    pl.kernel,
    out_type=jax.ShapeDtypeStruct((4, NPAD, 64), jnp.float32),
    mesh=_MESH,
    compiler_params=pltpu.CompilerParams(use_tc_tiling_on_sc=False),
    scratch_types=[
        pltpu.VMEM((SLOTS1,), jnp.int32),
        pltpu.VMEM((SLOTS1,), jnp.int32),
        pltpu.VMEM((SLOTS1,), jnp.int32),
        pltpu.VMEM((2, NSUP1, LL1), jnp.int32),
        pltpu.VMEM((NSUP1, LL1), jnp.int32),
        pltpu.VMEM((LL1, 64), jnp.float32),
        pltpu.VMEM((ZR1, 64), jnp.float32),
        pltpu.VMEM_SHARED((NPAD + NT, 64), jnp.float32),
        pltpu.SemaphoreType.DMA,
    ],
)
def _agg1(y1_hbm, src_hbm, dst_hbm, type_hbm, out_hbm,
          srcv, dstv, typev, gidx, didx, rows, zbuf, acc, sem):
    c = lax.axis_index("c")
    s = lax.axis_index("s")
    ebase = s * EPT1

    pltpu.sync_copy(src_hbm.at[pl.ds(ebase, EPT1)], srcv.at[pl.ds(0, EPT1)])
    pltpu.sync_copy(dst_hbm.at[pl.ds(ebase, EPT1)], dstv.at[pl.ds(0, EPT1)])
    pltpu.sync_copy(type_hbm.at[pl.ds(ebase, EPT1)], typev.at[pl.ds(0, EPT1)])

    lane = lax.broadcasted_iota(jnp.int32, (LANES,), 0)
    zv = jnp.zeros((LANES,), jnp.float32)

    def fill(j, carry):
        for k in range(LL1 // LANES):
            off = j * LL1 + k * LANES
            sv = srcv[pl.ds(off, LANES)]
            tv = typev[pl.ds(off, LANES)]
            dv = dstv[pl.ds(off, LANES)]
            valid = (off + lane) < EPT1
            base = (tv * N + sv) * 4 + 2 * c
            gidx[0, j, pl.ds(k * LANES, LANES)] = jnp.where(valid, base, 0)
            gidx[1, j, pl.ds(k * LANES, LANES)] = jnp.where(valid, base + 1, 0)
            didx[j, pl.ds(k * LANES, LANES)] = jnp.where(valid, dv, NPAD + s)
        return carry

    lax.fori_loop(0, NSUP1, fill, 0)

    def zfill(i, carry):
        for k in range(64 // LANES):
            zbuf[i, pl.ds(k * LANES, LANES)] = zv
        return carry

    r0 = s * RPT
    for p in range(2):
        q = 2 * c + p

        lax.fori_loop(0, ZR1, zfill, 0)
        for z in range(RPT // ZR1):
            pltpu.sync_copy(zbuf, acc.at[pl.ds(r0 + z * ZR1, ZR1)])

        plsc.subcore_barrier()

        def step(m, carry):
            pltpu.async_copy(y1_hbm.at[gidx.at[p, m]], rows, sem).wait()
            pltpu.sync_copy(rows, acc.at[didx.at[m]], add=True)
            return carry

        lax.fori_loop(0, NSUP1, step, 0)

        plsc.subcore_barrier()

        for z in range(RPT // ZR1):
            pltpu.sync_copy(acc.at[pl.ds(r0 + z * ZR1, ZR1)], zbuf)
            pltpu.sync_copy(zbuf, out_hbm.at[q, pl.ds(r0 + z * ZR1, ZR1)])


@functools.partial(
    pl.kernel,
    out_type=jax.ShapeDtypeStruct((NC, NPAD, D_OUT), jnp.float32),
    mesh=_MESH,
    compiler_params=pltpu.CompilerParams(use_tc_tiling_on_sc=False),
    scratch_types=[
        pltpu.VMEM((SLOTS2,), jnp.int32),
        pltpu.VMEM((SLOTS2,), jnp.int32),
        pltpu.VMEM((SLOTS2,), jnp.int32),
        pltpu.VMEM((NSUP2, SB2 * K2), jnp.int32),
        pltpu.VMEM((NSUP2, SB2 * K2), jnp.int32),
        pltpu.VMEM((SB2 * K2, D_OUT), jnp.float32),
        pltpu.VMEM((RPT, D_OUT), jnp.float32),
        pltpu.VMEM_SHARED((NPAD, D_OUT), jnp.float32),
        pltpu.SemaphoreType.DMA,
    ],
)
def _agg2(y2_hbm, src_hbm, dst_hbm, type_hbm, out_hbm,
          srcv, dstv, typev, gidx, didx, rows, zbuf, acc, sem):
    c = lax.axis_index("c")
    s = lax.axis_index("s")
    ebase = c * EPC + s * EPT2

    pltpu.sync_copy(src_hbm.at[pl.ds(ebase, EPT2)], srcv.at[pl.ds(0, EPT2)])
    pltpu.sync_copy(dst_hbm.at[pl.ds(ebase, EPT2)], dstv.at[pl.ds(0, EPT2)])
    pltpu.sync_copy(type_hbm.at[pl.ds(ebase, EPT2)], typev.at[pl.ds(0, EPT2)])

    lane = lax.broadcasted_iota(jnp.int32, (LANES,), 0)
    zv = jnp.zeros((LANES,), jnp.float32)

    def fill(j, carry):
        jm = j // SB2
        jp = (j % SB2) * K2
        for k in range(K2 // LANES):
            off = j * K2 + k * LANES
            sv = srcv[pl.ds(off, LANES)]
            tv = typev[pl.ds(off, LANES)]
            dv = dstv[pl.ds(off, LANES)]
            valid = (off + lane) < EPT2
            gidx[jm, pl.ds(jp + k * LANES, LANES)] = jnp.where(valid, tv * N + sv, 0)
            didx[jm, pl.ds(jp + k * LANES, LANES)] = jnp.where(valid, dv, N + s)
        return carry

    lax.fori_loop(0, NCH2, fill, 0)

    def zfill(i, carry):
        zbuf[i] = zv
        return carry

    lax.fori_loop(0, RPT, zfill, 0)
    pltpu.sync_copy(zbuf, acc.at[pl.ds(s * RPT, RPT)])

    plsc.subcore_barrier()

    def step(m, carry):
        pltpu.async_copy(y2_hbm.at[gidx.at[m]], rows, sem).wait()
        pltpu.sync_copy(rows, acc.at[didx.at[m]], add=True)
        return carry

    lax.fori_loop(0, NSUP2, step, 0)

    plsc.subcore_barrier()

    pltpu.sync_copy(acc.at[pl.ds(s * RPT, RPT)], zbuf)
    pltpu.sync_copy(zbuf, out_hbm.at[c, pl.ds(s * RPT, RPT)])



def kernel(x, edge_index, edge_type, W1, W1_comp, W2, W2_comp):
    src = edge_index[0]
    dst = edge_index[1]
    y1 = _l1_matmul(x, W1, W1_comp)
    y1s = y1.reshape(NS * N * 4, 64)
    h1p = _agg1(y1s, src, dst, edge_type)
    y2 = _l2_matmul(h1p, W2, W2_comp)
    y2s = y2.reshape(NS * N, D_OUT)
    parts = _agg2(y2s, src, dst, edge_type)
    return _softmax_sum(parts)

# --- scband reference (transcript-rebuilt; emitter-appended) ---
"""Pipeline reference for scband-graph-classifier-2121713844839 (READ-ONLY COPY).

The authoritative reference and input builder live on the scoring server;
editing this copy changes nothing except your own understanding.
"""

import jax, jax.numpy as jnp
import numpy as np

N = 10000
E = 160000
D_IN = 256
D_HID = 256
D_OUT = 16
NUM_BASES = 4
SUPPORT = 4


def setup_inputs(seed: int = 0) -> dict:
    key = jax.random.key(seed)
    ks = jax.random.split(key, 8)
    x = jax.random.normal(ks[0], (N, D_IN), dtype=jnp.float32)
    edge_index = jax.random.randint(ks[1], (2, E), 0, N, dtype=jnp.int32)
    edge_type = jax.random.randint(ks[2], (E,), 0, SUPPORT, dtype=jnp.int32)
    # learned parameters (basis decomposition, Kipf RGCN style)
    W1 = jax.random.normal(ks[3], (D_IN * NUM_BASES, D_HID), dtype=jnp.float32) * 0.05
    W1_comp = jax.random.normal(ks[4], (SUPPORT, NUM_BASES), dtype=jnp.float32) * 0.05
    W2 = jax.random.normal(ks[5], (D_HID * NUM_BASES, D_OUT), dtype=jnp.float32) * 0.05
    W2_comp = jax.random.normal(ks[6], (SUPPORT, NUM_BASES), dtype=jnp.float32) * 0.05
    return {"x": x, "edge_index": edge_index, "edge_type": edge_type,
            "W1": W1, "W1_comp": W1_comp, "W2": W2, "W2_comp": W2_comp}


def _rgcn_layer(h, edge_index, edge_type, W, W_comp, d_in, d_out):
    # supports[r] = A_r @ h for each relation r, concatenated along features.
    src = edge_index[0]
    dst = edge_index[1]
    msgs = h[src]  # gather [E, d_in]
    seg = dst * SUPPORT + edge_type  # interleave (node, relation)
    agg = jax.ops.segment_sum(msgs, seg, num_segments=N * SUPPORT)  # [N*SUPPORT, d_in]
    sup = agg.reshape(N, SUPPORT * d_in)  # == concat([A_0@h, ..., A_{S-1}@h], axis=1)
    # basis decomposition: W_r = sum_b W_comp[r, b] * V_b
    V = W.reshape(NUM_BASES, d_in, d_out)
    W_eff = jnp.einsum('rb,bio->rio', W_comp, V).reshape(SUPPORT * d_in, d_out)
    return sup @ W_eff


def reference(x, edge_index, edge_type, W1, W1_comp, W2, W2_comp):
    h1 = jax.nn.relu(_rgcn_layer(x, edge_index, edge_type, W1, W1_comp, D_IN, D_HID))
    # dropout is identity at inference
    out = jax.nn.softmax(_rgcn_layer(h1, edge_index, edge_type, W2, W2_comp, D_HID, D_OUT), axis=1)
    return out

if __name__ == "__main__":
    import jax
    _d = setup_inputs()
    print(jax.jit(kernel)(*tuple(_d.values())))

</pallas_src>

<mosaic_0001>
#map = affine_map<(d0, d1) -> (0, 0)>
#map1 = affine_map<(d0, d1) -> (0)>
#map2 = affine_map<(d0, d1) -> (0, 0, 0)>
module attributes {stable_mosaic.version = 14 : i64} {
  func.func @_agg1(%arg0: i32, %arg1: i32, %arg2: memref<160000x64xf32, #tpu.memory_space<hbm>>, %arg3: memref<160000xi32, #tpu.memory_space<hbm>>, %arg4: memref<160000xi32, #tpu.memory_space<hbm>>, %arg5: memref<160000xi32, #tpu.memory_space<hbm>>, %arg6: memref<4x10240x64xf32, #tpu.memory_space<hbm>>, %arg7: memref<10080xi32, #tpu.memory_space<vmem>>, %arg8: memref<10080xi32, #tpu.memory_space<vmem>>, %arg9: memref<10080xi32, #tpu.memory_space<vmem>>, %arg10: memref<2x63x160xi32, #tpu.memory_space<vmem>>, %arg11: memref<63x160xi32, #tpu.memory_space<vmem>>, %arg12: memref<160x64xf32, #tpu.memory_space<vmem>>, %arg13: memref<128x64xf32, #tpu.memory_space<vmem>>, %arg14: memref<10256x64xf32, #tpu.memory_space<vmem_shared>>, %arg15: memref<!tpu.dma_semaphore, #tpu.memory_space<semaphore_mem>>) attributes {dimension_semantics = [#tpu.dimension_semantics<core_parallel>, #tpu.dimension_semantics<subcore_parallel>], iteration_bounds = array<i64: 2, 16>, scalar_prefetch = 0 : i64, scratch_operands = 9 : i64, tpu.core_type = #tpu.core_type<sc_vector_subcore>, window_params = [{transform_indices = #map}, {transform_indices = #map1}, {transform_indices = #map1}, {transform_indices = #map1}, {transform_indices = #map2}]} {
    %mul3A = arith.constant 10000 : i32
    %mul3A_0 = arith.muli %arg1, %mul3A : i32
    "tpu.region"() ({
      %run_scoped3A = tpu.sem_alloc : memref<!tpu.dma_semaphore, #tpu.memory_space<semaphore_mem>>
      %dma_start3A = arith.constant 0 : i32
      %dma_start3A_103 = tpu.memref_slice %arg7[%dma_start3A] : memref<10080xi32, #tpu.memory_space<vmem>> -> memref<10000xi32, #tpu.memory_space<vmem>>
      %dma_start3A_104 = tpu.memref_slice %arg3[%mul3A_0] : memref<160000xi32, #tpu.memory_space<hbm>> -> memref<10000xi32, #tpu.memory_space<hbm>>
      %dma_start3A_105 = arith.constant 0 : i32
      %dma_start3A_106 = tpu.memref_slice %arg7[%dma_start3A_105] : memref<10080xi32, #tpu.memory_space<vmem>> -> memref<10000xi32, #tpu.memory_space<vmem>>
      %dma_start3A_107 = tpu.memref_slice %arg3[%mul3A_0] : memref<160000xi32, #tpu.memory_space<hbm>> -> memref<10000xi32, #tpu.memory_space<hbm>>
      tpu.enqueue_dma source(%dma_start3A_107 : memref<10000xi32, #tpu.memory_space<hbm>>) target(%dma_start3A_106 : memref<10000xi32, #tpu.memory_space<vmem>>) target_semaphore(%run_scoped3A : memref<!tpu.dma_semaphore, #tpu.memory_space<semaphore_mem>>)
      %dma_wait3A = arith.constant 0 : i32
      %dma_wait3A_108 = tpu.memref_slice %arg7[%dma_wait3A] : memref<10080xi32, #tpu.memory_space<vmem>> -> memref<10000xi32, #tpu.memory_space<vmem>>
      %dma_wait3A_109 = tpu.memref_slice %arg3[%mul3A_0] : memref<160000xi32, #tpu.memory_space<hbm>> -> memref<10000xi32, #tpu.memory_space<hbm>>
      %dma_wait3A_110 = arith.constant 0 : i32
      %dma_wait3A_111 = tpu.memref_slice %arg7[%dma_wait3A_110] : memref<10080xi32, #tpu.memory_space<vmem>> -> memref<10000xi32, #tpu.memory_space<vmem>>
      %dma_wait3A_112 = tpu.memref_slice %arg3[%mul3A_0] : memref<160000xi32, #tpu.memory_space<hbm>> -> memref<10000xi32, #tpu.memory_space<hbm>>
      tpu.wait_dma2 semaphore(%run_scoped3A : memref<!tpu.dma_semaphore, #tpu.memory_space<semaphore_mem>>) src(%dma_wait3A_112 : memref<10000xi32, #tpu.memory_space<hbm>>) dst(%dma_wait3A_111 : memref<10000xi32, #tpu.memory_space<vmem>>)
      tpu.yield
    }) : () -> ()
    "tpu.region"() ({
      %run_scoped3A = tpu.sem_alloc : memref<!tpu.dma_semaphore, #tpu.memory_space<semaphore_mem>>
      %dma_start3A = arith.constant 0 : i32
      %dma_start3A_103 = tpu.memref_slice %arg8[%dma_start3A] : memref<10080xi32, #tpu.memory_space<vmem>> -> memref<10000xi32, #tpu.memory_space<vmem>>
      %dma_start3A_104 = tpu.memref_slice %arg4[%mul3A_0] : memref<160000xi32, #tpu.memory_space<hbm>> -> memref<10000xi32, #tpu.memory_space<hbm>>
      %dma_start3A_105 = arith.constant 0 : i32
      %dma_start3A_106 = tpu.memref_slice %arg8[%dma_start3A_105] : memref<10080xi32, #tpu.memory_space<vmem>> -> memref<10000xi32, #tpu.memory_space<vmem>>
      %dma_start3A_107 = tpu.memref_slice %arg4[%mul3A_0] : memref<160000xi32, #tpu.memory_space<hbm>> -> memref<10000xi32, #tpu.memory_space<hbm>>
      tpu.enqueue_dma source(%dma_start3A_107 : memref<10000xi32, #tpu.memory_space<hbm>>) target(%dma_start3A_106 : memref<10000xi32, #tpu.memory_space<vmem>>) target_semaphore(%run_scoped3A : memref<!tpu.dma_semaphore, #tpu.memory_space<semaphore_mem>>)
      %dma_wait3A = arith.constant 0 : i32
      %dma_wait3A_108 = tpu.memref_slice %arg8[%dma_wait3A] : memref<10080xi32, #tpu.memory_space<vmem>> -> memref<10000xi32, #tpu.memory_space<vmem>>
      %dma_wait3A_109 = tpu.memref_slice %arg4[%mul3A_0] : memref<160000xi32, #tpu.memory_space<hbm>> -> memref<10000xi32, #tpu.memory_space<hbm>>
      %dma_wait3A_110 = arith.constant 0 : i32
      %dma_wait3A_111 = tpu.memref_slice %arg8[%dma_wait3A_110] : memref<10080xi32, #tpu.memory_space<vmem>> -> memref<10000xi32, #tpu.memory_space<vmem>>
      %dma_wait3A_112 = tpu.memref_slice %arg4[%mul3A_0] : memref<160000xi32, #tpu.memory_space<hbm>> -> memref<10000xi32, #tpu.memory_space<hbm>>
      tpu.wait_dma2 semaphore(%run_scoped3A : memref<!tpu.dma_semaphore, #tpu.memory_space<semaphore_mem>>) src(%dma_wait3A_112 : memref<10000xi32, #tpu.memory_space<hbm>>) dst(%dma_wait3A_111 : memref<10000xi32, #tpu.memory_space<vmem>>)
      tpu.yield
    }) : () -> ()
    "tpu.region"() ({
      %run_scoped3A = tpu.sem_alloc : memref<!tpu.dma_semaphore, #tpu.memory_space<semaphore_mem>>
      %dma_start3A = arith.constant 0 : i32
      %dma_start3A_103 = tpu.memref_slice %arg9[%dma_start3A] : memref<10080xi32, #tpu.memory_space<vmem>> -> memref<10000xi32, #tpu.memory_space<vmem>>
      %dma_start3A_104 = tpu.memref_slice %arg5[%mul3A_0] : memref<160000xi32, #tpu.memory_space<hbm>> -> memref<10000xi32, #tpu.memory_space<hbm>>
      %dma_start3A_105 = arith.constant 0 : i32
      %dma_start3A_106 = tpu.memref_slice %arg9[%dma_start3A_105] : memref<10080xi32, #tpu.memory_space<vmem>> -> memref<10000xi32, #tpu.memory_space<vmem>>
      %dma_start3A_107 = tpu.memref_slice %arg5[%mul3A_0] : memref<160000xi32, #tpu.memory_space<hbm>> -> memref<10000xi32, #tpu.memory_space<hbm>>
      tpu.enqueue_dma source(%dma_start3A_107 : memref<10000xi32, #tpu.memory_space<hbm>>) target(%dma_start3A_106 : memref<10000xi32, #tpu.memory_space<vmem>>) target_semaphore(%run_scoped3A : memref<!tpu.dma_semaphore, #tpu.memory_space<semaphore_mem>>)
      %dma_wait3A = arith.constant 0 : i32
      %dma_wait3A_108 = tpu.memref_slice %arg9[%dma_wait3A] : memref<10080xi32, #tpu.memory_space<vmem>> -> memref<10000xi32, #tpu.memory_space<vmem>>
      %dma_wait3A_109 = tpu.memref_slice %arg5[%mul3A_0] : memref<160000xi32, #tpu.memory_space<hbm>> -> memref<10000xi32, #tpu.memory_space<hbm>>
      %dma_wait3A_110 = arith.constant 0 : i32
      %dma_wait3A_111 = tpu.memref_slice %arg9[%dma_wait3A_110] : memref<10080xi32, #tpu.memory_space<vmem>> -> memref<10000xi32, #tpu.memory_space<vmem>>
      %dma_wait3A_112 = tpu.memref_slice %arg5[%mul3A_0] : memref<160000xi32, #tpu.memory_space<hbm>> -> memref<10000xi32, #tpu.memory_space<hbm>>
      tpu.wait_dma2 semaphore(%run_scoped3A : memref<!tpu.dma_semaphore, #tpu.memory_space<semaphore_mem>>) src(%dma_wait3A_112 : memref<10000xi32, #tpu.memory_space<hbm>>) dst(%dma_wait3A_111 : memref<10000xi32, #tpu.memory_space<vmem>>)
      tpu.yield
    }) : () -> ()
    %iota3A = tpu.iota {dimensions = array<i32: 0>} : vector<16xi32>
    %broadcast_in_dim3A = arith.constant 0.000000e+00 : f32
    %broadcast_in_dim3A_1 = vector.broadcast %broadcast_in_dim3A : f32 to vector<16xf32>
    %scan3A = arith.constant 0 : i32
    %scan3A_2 = arith.constant 0 : i32
    %scan3A_3 = arith.constant 63 : i32
    %scan3A_4 = arith.addi %scan3A_2, %scan3A_3 : i32
    %scan3A_5 = arith.constant 1 : i32
    scf.for %scan3A_103 = %scan3A_2 to %scan3A_4 step %scan3A_5  : i32 {
      %mul3A_104 = arith.constant 160 : i32
      %mul3A_105 = arith.muli %scan3A_103, %mul3A_104 : i32
      %add3A_106 = arith.constant 0 : i32
      %add3A_107 = arith.addi %mul3A_105, %add3A_106 : i32
      %get3A = arith.index_cast %add3A_107 : i32 to index
      %get3A_108 = tpu.vector_load %arg7[%get3A] {strides = array<i32>} : memref<10080xi32, #tpu.memory_space<vmem>>, vector<16xi32>,
      %get3A_109 = vector.shape_cast %get3A_108 : vector<16xi32> to vector<16xi32>
      %get3A_110 = arith.index_cast %add3A_107 : i32 to index
      %get3A_111 = tpu.vector_load %arg9[%get3A_110] {strides = array<i32>} : memref<10080xi32, #tpu.memory_space<vmem>>, vector<16xi32>,
      %get3A_112 = vector.shape_cast %get3A_111 : vector<16xi32> to vector<16xi32>
      %get3A_113 = arith.index_cast %add3A_107 : i32 to index
      %get3A_114 = tpu.vector_load %arg8[%get3A_113] {strides = array<i32>} : memref<10080xi32, #tpu.memory_space<vmem>>, vector<16xi32>,
      %get3A_115 = vector.shape_cast %get3A_114 : vector<16xi32> to vector<16xi32>
      %add3A_116 = vector.broadcast %add3A_107 : i32 to vector<16xi32>
      %add3A_117 = arith.addi %add3A_116, %iota3A : vector<16xi32>
      %lt3A = arith.constant 10000 : i32
      %lt3A_118 = vector.broadcast %lt3A : i32 to vector<16xi32>
      %lt3A_119 = arith.cmpi slt, %add3A_117, %lt3A_118 : vector<16xi32>
      %mul3A_120 = arith.constant 10000 : i32
      %mul3A_121 = vector.broadcast %mul3A_120 : i32 to vector<16xi32>
      %mul3A_122 = arith.muli %get3A_112, %mul3A_121 : vector<16xi32>
      %add3A_123 = arith.addi %mul3A_122, %get3A_109 : vector<16xi32>
      %mul3A_124 = arith.constant 4 : i32
      %mul3A_125 = vector.broadcast %mul3A_124 : i32 to vector<16xi32>
      %mul3A_126 = arith.muli %add3A_123, %mul3A_125 : vector<16xi32>
      %mul3A_127 = arith.constant 2 : i32
      %mul3A_128 = arith.muli %mul3A_127, %arg0 : i32
      %add3A_129 = vector.broadcast %mul3A_128 : i32 to vector<16xi32>
      %add3A_130 = arith.addi %mul3A_126, %add3A_129 : vector<16xi32>
      %jit3A = arith.constant 0 : i32
      %broadcast_in_dim3A_131 = vector.broadcast %jit3A : i32 to vector<16xi32>
      %select_n3A = arith.select %lt3A_119, %add3A_130, %broadcast_in_dim3A_131 : vector<16xi1>, vector<16xi32>
      %swap3A = arith.constant 0 : i32
      %swap3A_132 = arith.index_cast %swap3A : i32 to index
      %swap3A_133 = arith.index_cast %scan3A_103 : i32 to index
      %swap3A_134 = arith.constant 0 : index
      %swap3A_135 = tpu.vector_load %arg10[%swap3A_132, %swap3A_133, %swap3A_134] {strides = array<i32>} : memref<2x63x160xi32, #tpu.memory_space<vmem>>, vector<1x1x16xi32>,
      %swap3A_136 = vector.shape_cast %swap3A_135 : vector<1x1x16xi32> to vector<16xi32>
      %swap3A_137 = vector.shape_cast %select_n3A : vector<16xi32> to vector<1x1x16xi32>
      tpu.vector_store %arg10[%swap3A_132, %swap3A_133, %swap3A_134], %swap3A_137 {strides = array<i32>} : memref<2x63x160xi32, #tpu.memory_space<vmem>>, vector<1x1x16xi32>,
      %add3A_138 = arith.constant 1 : i32
      %add3A_139 = vector.broadcast %add3A_138 : i32 to vector<16xi32>
      %add3A_140 = arith.addi %add3A_130, %add3A_139 : vector<16xi32>
      %jit3A_141 = arith.constant 0 : i32
      %broadcast_in_dim3A_142 = vector.broadcast %jit3A_141 : i32 to vector<16xi32>
      %select_n3A_143 = arith.select %lt3A_119, %add3A_140, %broadcast_in_dim3A_142 : vector<16xi1>, vector<16xi32>
      %swap3A_144 = arith.constant 1 : i32
      %swap3A_145 = arith.index_cast %swap3A_144 : i32 to index
      %swap3A_146 = arith.index_cast %scan3A_103 : i32 to index
      %swap3A_147 = arith.constant 0 : index
      %swap3A_148 = tpu.vector_load %arg10[%swap3A_145, %swap3A_146, %swap3A_147] {strides = array<i32>} : memref<2x63x160xi32, #tpu.memory_space<vmem>>, vector<1x1x16xi32>,
      %swap3A_149 = vector.shape_cast %swap3A_148 : vector<1x1x16xi32> to vector<16xi32>
      %swap3A_150 = vector.shape_cast %select_n3A_143 : vector<16xi32> to vector<1x1x16xi32>
      tpu.vector_store %arg10[%swap3A_145, %swap3A_146, %swap3A_147], %swap3A_150 {strides = array<i32>} : memref<2x63x160xi32, #tpu.memory_space<vmem>>, vector<1x1x16xi32>,
      %add3A_151 = arith.constant 10240 : i32
      %add3A_152 = arith.addi %add3A_151, %arg1 : i32
      %broadcast_in_dim3A_153 = vector.broadcast %add3A_152 : i32 to vector<16xi32>
      %select_n3A_154 = arith.select %lt3A_119, %get3A_115, %broadcast_in_dim3A_153 : vector<16xi1>, vector<16xi32>
      %swap3A_155 = arith.index_cast %scan3A_103 : i32 to index
      %swap3A_156 = arith.constant 0 : index
      %swap3A_157 = tpu.vector_load %arg11[%swap3A_155, %swap3A_156] {strides = array<i32>} : memref<63x160xi32, #tpu.memory_space<vmem>>, vector<1x16xi32>,
      %swap3A_158 = vector.shape_cast %swap3A_157 : vector<1x16xi32> to vector<16xi32>
      %swap3A_159 = vector.shape_cast %select_n3A_154 : vector<16xi32> to vector<1x16xi32>
      tpu.vector_store %arg11[%swap3A_155, %swap3A_156], %swap3A_159 {strides = array<i32>} : memref<63x160xi32, #tpu.memory_space<vmem>>, vector<1x16xi32>,
      %mul3A_160 = arith.constant 160 : i32
      %mul3A_161 = arith.muli %scan3A_103, %mul3A_160 : i32
      %add3A_162 = arith.constant 16 : i32
      %add3A_163 = arith.addi %mul3A_161, %add3A_162 : i32
      %get3A_164 = arith.index_cast %add3A_163 : i32 to index
      %get3A_165 = tpu.vector_load %arg7[%get3A_164] {strides = array<i32>} : memref<10080xi32, #tpu.memory_space<vmem>>, vector<16xi32>,
      %get3A_166 = vector.shape_cast %get3A_165 : vector<16xi32> to vector<16xi32>
      %get3A_167 = arith.index_cast %add3A_163 : i32 to index
      %get3A_168 = tpu.vector_load %arg9[%get3A_167] {strides = array<i32>} : memref<10080xi32, #tpu.memory_space<vmem>>, vector<16xi32>,
      %get3A_169 = vector.shape_cast %get3A_168 : vector<16xi32> to vector<16xi32>
      %get3A_170 = arith.index_cast %add3A_163 : i32 to index
      %get3A_171 = tpu.vector_load %arg8[%get3A_170] {strides = array<i32>} : memref<10080xi32, #tpu.memory_space<vmem>>, vector<16xi32>,
      %get3A_172 = vector.shape_cast %get3A_171 : vector<16xi32> to vector<16xi32>
      %add3A_173 = vector.broadcast %add3A_163 : i32 to vector<16xi32>
      %add3A_174 = arith.addi %add3A_173, %iota3A : vector<16xi32>
      %lt3A_175 = arith.constant 10000 : i32
      %lt3A_176 = vector.broadcast %lt3A_175 : i32 to vector<16xi32>
      %lt3A_177 = arith.cmpi slt, %add3A_174, %lt3A_176 : vector<16xi32>
      %mul3A_178 = arith.constant 10000 : i32
      %mul3A_179 = vector.broadcast %mul3A_178 : i32 to vector<16xi32>
      %mul3A_180 = arith.muli %get3A_169, %mul3A_179 : vector<16xi32>
      %add3A_181 = arith.addi %mul3A_180, %get3A_166 : vector<16xi32>
      %mul3A_182 = arith.constant 4 : i32
      %mul3A_183 = vector.broadcast %mul3A_182 : i32 to vector<16xi32>
      %mul3A_184 = arith.muli %add3A_181, %mul3A_183 : vector<16xi32>
      %mul3A_185 = arith.constant 2 : i32
      %mul3A_186 = arith.muli %mul3A_185, %arg0 : i32
      %add3A_187 = vector.broadcast %mul3A_186 : i32 to vector<16xi32>
      %add3A_188 = arith.addi %mul3A_184, %add3A_187 : vector<16xi32>
      %jit3A_189 = arith.constant 0 : i32
      %broadcast_in_dim3A_190 = vector.broadcast %jit3A_189 : i32 to vector<16xi32>
      %select_n3A_191 = arith.select %lt3A_177, %add3A_188, %broadcast_in_dim3A_190 : vector<16xi1>, vector<16xi32>
      %swap3A_192 = arith.constant 0 : i32
      %swap3A_193 = arith.index_cast %swap3A_192 : i32 to index
      %swap3A_194 = arith.index_cast %scan3A_103 : i32 to index
      %swap3A_195 = arith.constant 16 : index
      %swap3A_196 = tpu.vector_load %arg10[%swap3A_193, %swap3A_194, %swap3A_195] {strides = array<i32>} : memref<2x63x160xi32, #tpu.memory_space<vmem>>, vector<1x1x16xi32>,
      %swap3A_197 = vector.shape_cast %swap3A_196 : vector<1x1x16xi32> to vector<16xi32>
      %swap3A_198 = vector.shape_cast %select_n3A_191 : vector<16xi32> to vector<1x1x16xi32>
      tpu.vector_store %arg10[%swap3A_193, %swap3A_194, %swap3A_195], %swap3A_198 {strides = array<i32>} : memref<2x63x160xi32, #tpu.memory_space<vmem>>, vector<1x1x16xi32>,
      %add3A_199 = arith.constant 1 : i32
      %add3A_200 = vector.broadcast %add3A_199 : i32 to vector<16xi32>
      %add3A_201 = arith.addi %add3A_188, %add3A_200 : vector<16xi32>
      %jit3A_202 = arith.constant 0 : i32
      %broadcast_in_dim3A_203 = vector.broadcast %jit3A_202 : i32 to vector<16xi32>
      %select_n3A_204 = arith.select %lt3A_177, %add3A_201, %broadcast_in_dim3A_203 : vector<16xi1>, vector<16xi32>
      %swap3A_205 = arith.constant 1 : i32
      %swap3A_206 = arith.index_cast %swap3A_205 : i32 to index
      %swap3A_207 = arith.index_cast %scan3A_103 : i32 to index
      %swap3A_208 = arith.constant 16 : index
      %swap3A_209 = tpu.vector_load %arg10[%swap3A_206, %swap3A_207, %swap3A_208] {strides = array<i32>} : memref<2x63x160xi32, #tpu.memory_space<vmem>>, vector<1x1x16xi32>,
      %swap3A_210 = vector.shape_cast %swap3A_209 : vector<1x1x16xi32> to vector<16xi32>
      %swap3A_211 = vector.shape_cast %select_n3A_204 : vector<16xi32> to vector<1x1x16xi32>
      tpu.vector_store %arg10[%swap3A_206, %swap3A_207, %swap3A_208], %swap3A_211 {strides = array<i32>} : memref<2x63x160xi32, #tpu.memory_space<vmem>>, vector<1x1x16xi32>,
      %add3A_212 = arith.constant 10240 : i32
      %add3A_213 = arith.addi %add3A_212, %arg1 : i32
      %broadcast_in_dim3A_214 = vector.broadcast %add3A_213 : i32 to vector<16xi32>
      %select_n3A_215 = arith.select %lt3A_177, %get3A_172, %broadcast_in_dim3A_214 : vector<16xi1>, vector<16xi32>
      %swap3A_216 = arith.index_cast %scan3A_103 : i32 to index
      %swap3A_217 = arith.constant 16 : index
      %swap3A_218 = tpu.vector_load %arg11[%swap3A_216, %swap3A_217] {strides = array<i32>} : memref<63x160xi32, #tpu.memory_space<vmem>>, vector<1x16xi32>,
      %swap3A_219 = vector.shape_cast %swap3A_218 : vector<1x16xi32> to vector<16xi32>
      %swap3A_220 = vector.shape_cast %select_n3A_215 : vector<16xi32> to vector<1x16xi32>
      tpu.vector_store %arg11[%swap3A_216, %swap3A_217], %swap3A_220 {strides = array<i32>} : memref<63x160xi32, #tpu.memory_space<vmem>>, vector<1x16xi32>,
      %mul3A_221 = arith.constant 160 : i32
      %mul3A_222 = arith.muli %scan3A_103, %mul3A_221 : i32
      %add3A_223 = arith.constant 32 : i32
      %add3A_224 = arith.addi %mul3A_222, %add3A_223 : i32
      %get3A_225 = arith.index_cast %add3A_224 : i32 to index
      %get3A_226 = tpu.vector_load %arg7[%get3A_225] {strides = array<i32>} : memref<10080xi32, #tpu.memory_space<vmem>>, vector<16xi32>,
      %get3A_227 = vector.shape_cast %get3A_226 : vector<16xi32> to vector<16xi32>
      %get3A_228 = arith.index_cast %add3A_224 : i32 to index
      %get3A_229 = tpu.vector_load %arg9[%get3A_228] {strides = array<i32>} : memref<10080xi32, #tpu.memory_space<vmem>>, vector<16xi32>,
      %get3A_230 = vector.shape_cast %get3A_229 : vector<16xi32> to vector<16xi32>
      %get3A_231 = arith.index_cast %add3A_224 : i32 to index
      %get3A_232 = tpu.vector_load %arg8[%get3A_231] {strides = array<i32>} : memref<10080xi32, #tpu.memory_space<vmem>>, vector<16xi32>,
      %get3A_233 = vector.shape_cast %get3A_232 : vector<16xi32> to vector<16xi32>
      %add3A_234 = vector.broadcast %add3A_224 : i32 to vector<16xi32>
      %add3A_235 = arith.addi %add3A_234, %iota3A : vector<16xi32>
      %lt3A_236 = arith.constant 10000 : i32
      %lt3A_237 = vector.broadcast %lt3A_236 : i32 to vector<16xi32>
      %lt3A_238 = arith.cmpi slt, %add3A_235, %lt3A_237 : vector<16xi32>
      %mul3A_239 = arith.constant 10000 : i32
      %mul3A_240 = vector.broadcast %mul3A_239 : i32 to vector<16xi32>
      %mul3A_241 = arith.muli %get3A_230, %mul3A_240 : vector<16xi32>
      %add3A_242 = arith.addi %mul3A_241, %get3A_227 : vector<16xi32>
      %mul3A_243 = arith.constant 4 : i32
      %mul3A_244 = vector.broadcast %mul3A_243 : i32 to vector<16xi32>
      %mul3A_245 = arith.muli %add3A_242, %mul3A_244 : vector<16xi32>
      %mul3A_246 = arith.constant 2 : i32
      %mul3A_247 = arith.muli %mul3A_246, %arg0 : i32
      %add3A_248 = vector.broadcast %mul3A_247 : i32 to vector<16xi32>
      %add3A_249 = arith.addi %mul3A_245, %add3A_248 : vector<16xi32>
      %jit3A_250 = arith.constant 0 : i32
      %broadcast_in_dim3A_251 = vector.broadcast %jit3A_250 : i32 to vector<16xi32>
      %select_n3A_252 = arith.select %lt3A_238, %add3A_249, %broadcast_in_dim3A_251 : vector<16xi1>, vector<16xi32>
      %swap3A_253 = arith.constant 0 : i32
      %swap3A_254 = arith.index_cast %swap3A_253 : i32 to index
      %swap3A_255 = arith.index_cast %scan3A_103 : i32 to index
      %swap3A_256 = arith.constant 32 : index
      %swap3A_257 = tpu.vector_load %arg10[%swap3A_254, %swap3A_255, %swap3A_256] {strides = array<i32>} : memref<2x63x160xi32, #tpu.memory_space<vmem>>, vector<1x1x16xi32>,
      %swap3A_258 = vector.shape_cast %swap3A_257 : vector<1x1x16xi32> to vector<16xi32>
      %swap3A_259 = vector.shape_cast %select_n3A_252 : vector<16xi32> to vector<1x1x16xi32>
      tpu.vector_store %arg10[%swap3A_254, %swap3A_255, %swap3A_256], %swap3A_259 {strides = array<i32>} : memref<2x63x160xi32, #tpu.memory_space<vmem>>, vector<1x1x16xi32>,
      %add3A_260 = arith.constant 1 : i32
      %add3A_261 = vector.broadcast %add3A_260 : i32 to vector<16xi32>
      %add3A_262 = arith.addi %add3A_249, %add3A_261 : vector<16xi32>
      %jit3A_263 = arith.constant 0 : i32
      %broadcast_in_dim3A_264 = vector.broadcast %jit3A_263 : i32 to vector<16xi32>
      %select_n3A_265 = arith.select %lt3A_238, %add3A_262, %broadcast_in_dim3A_264 : vector<16xi1>, vector<16xi32>
      %swap3A_266 = arith.constant 1 : i32
      %swap3A_267 = arith.index_cast %swap3A_266 : i32 to index
      %swap3A_268 = arith.index_cast %scan3A_103 : i32 to index
      %swap3A_269 = arith.constant 32 : index
      %swap3A_270 = tpu.vector_load %arg10[%swap3A_267, %swap3A_268, %swap3A_269] {strides = array<i32>} : memref<2x63x160xi32, #tpu.memory_space<vmem>>, vector<1x1x16xi32>,
      %swap3A_271 = vector.shape_cast %swap3A_270 : vector<1x1x16xi32> to vector<16xi32>
      %swap3A_272 = vector.shape_cast %select_n3A_265 : vector<16xi32> to vector<1x1x16xi32>
      tpu.vector_store %arg10[%swap3A_267, %swap3A_268, %swap3A_269], %swap3A_272 {strides = array<i32>} : memref<2x63x160xi32, #tpu.memory_space<vmem>>, vector<1x1x16xi32>,
      %add3A_273 = arith.constant 10240 : i32
      %add3A_274 = arith.addi %add3A_273, %arg1 : i32
      %broadcast_in_dim3A_275 = vector.broadcast %add3A_274 : i32 to vector<16xi32>
      %select_n3A_276 = arith.select %lt3A_238, %get3A_233, %broadcast_in_dim3A_275 : vector<16xi1>, vector<16xi32>
      %swap3A_277 = arith.index_cast %scan3A_103 : i32 to index
      %swap3A_278 = arith.constant 32 : index
      %swap3A_279 = tpu.vector_load %arg11[%swap3A_277, %swap3A_278] {strides = array<i32>} : memref<63x160xi32, #tpu.memory_space<vmem>>, vector<1x16xi32>,
      %swap3A_280 = vector.shape_cast %swap3A_279 : vector<1x16xi32> to vector<16xi32>
      %swap3A_281 = vector.shape_cast %select_n3A_276 : vector<16xi32> to vector<1x16xi32>
      tpu.vector_store %arg11[%swap3A_277, %swap3A_278], %swap3A_281 {strides = array<i32>} : memref<63x160xi32, #tpu.memory_space<vmem>>, vector<1x16xi32>,
      %mul3A_282 = arith.constant 160 : i32
      %mul3A_283 = arith.muli %scan3A_103, %mul3A_282 : i32
      %add3A_284 = arith.constant 48 : i32
      %add3A_285 = arith.addi %mul3A_283, %add3A_284 : i32
      %get3A_286 = arith.index_cast %add3A_285 : i32 to index
      %get3A_287 = tpu.vector_load %arg7[%get3A_286] {strides = array<i32>} : memref<10080xi32, #tpu.memory_space<vmem>>, vector<16xi32>,
      %get3A_288 = vector.shape_cast %get3A_287 : vector<16xi32> to vector<16xi32>
      %get3A_289 = arith.index_cast %add3A_285 : i32 to index
      %get3A_290 = tpu.vector_load %arg9[%get3A_289] {strides = array<i32>} : memref<10080xi32, #tpu.memory_space<vmem>>, vector<16xi32>,
      %get3A_291 = vector.shape_cast %get3A_290 : vector<16xi32> to vector<16xi32>
      %get3A_292 = arith.index_cast %add3A_285 : i32 to index
      %get3A_293 = tpu.vector_load %arg8[%get3A_292] {strides = array<i32>} : memref<10080xi32, #tpu.memory_space<vmem>>, vector<16xi32>,
      %get3A_294 = vector.shape_cast %get3A_293 : vector<16xi32> to vector<16xi32>
      %add3A_295 = vector.broadcast %add3A_285 : i32 to vector<16xi32>
      %add3A_296 = arith.addi %add3A_295, %iota3A : vector<16xi32>
      %lt3A_297 = arith.constant 10000 : i32
      %lt3A_298 = vector.broadcast %lt3A_297 : i32 to vector<16xi32>
      %lt3A_299 = arith.cmpi slt, %add3A_296, %lt3A_298 : vector<16xi32>
      %mul3A_300 = arith.constant 10000 : i32
      %mul3A_301 = vector.broadcast %mul3A_300 : i32 to vector<16xi32>
      %mul3A_302 = arith.muli %get3A_291, %mul3A_301 : vector<16xi32>
      %add3A_303 = arith.addi %mul3A_302, %get3A_288 : vector<16xi32>
      %mul3A_304 = arith.constant 4 : i32
      %mul3A_305 = vector.broadcast %mul3A_304 : i32 to vector<16xi32>
      %mul3A_306 = arith.muli %add3A_303, %mul3A_305 : vector<16xi32>
      %mul3A_307 = arith.constant 2 : i32
      %mul3A_308 = arith.muli %mul3A_307, %arg0 : i32
      %add3A_309 = vector.broadcast %mul3A_308 : i32 to vector<16xi32>
      %add3A_310 = arith.addi %mul3A_306, %add3A_309 : vector<16xi32>
      %jit3A_311 = arith.constant 0 : i32
      %broadcast_in_dim3A_312 = vector.broadcast %jit3A_311 : i32 to vector<16xi32>
      %select_n3A_313 = arith.select %lt3A_299, %add3A_310, %broadcast_in_dim3A_312 : vector<16xi1>, vector<16xi32>
      %swap3A_314 = arith.constant 0 : i32
      %swap3A_315 = arith.index_cast %swap3A_314 : i32 to index
      %swap3A_316 = arith.index_cast %scan3A_103 : i32 to index
      %swap3A_317 = arith.constant 48 : index
      %swap3A_318 = tpu.vector_load %arg10[%swap3A_315, %swap3A_316, %swap3A_317] {strides = array<i32>} : memref<2x63x160xi32, #tpu.memory_space<vmem>>, vector<1x1x16xi32>,
      %swap3A_319 = vector.shape_cast %swap3A_318 : vector<1x1x16xi32> to vector<16xi32>
      %swap3A_320 = vector.shape_cast %select_n3A_313 : vector<16xi32> to vector<1x1x16xi32>
      tpu.vector_store %arg10[%swap3A_315, %swap3A_316, %swap3A_317], %swap3A_320 {strides = array<i32>} : memref<2x63x160xi32, #tpu.memory_space<vmem>>, vector<1x1x16xi32>,
      %add3A_321 = arith.constant 1 : i32
      %add3A_322 = vector.broadcast %add3A_321 : i32 to vector<16xi32>
      %add3A_323 = arith.addi %add3A_310, %add3A_322 : vector<16xi32>
      %jit3A_324 = arith.constant 0 : i32
      %broadcast_in_dim3A_325 = vector.broadcast %jit3A_324 : i32 to vector<16xi32>
      %select_n3A_326 = arith.select %lt3A_299, %add3A_323, %broadcast_in_dim3A_325 : vector<16xi1>, vector<16xi32>
      %swap3A_327 = arith.constant 1 : i32
      %swap3A_328 = arith.index_cast %swap3A_327 : i32 to index
      %swap3A_329 = arith.index_cast %scan3A_103 : i32 to index
      %swap3A_330 = arith.constant 48 : index
      %swap3A_331 = tpu.vector_load %arg10[%swap3A_328, %swap3A_329, %swap3A_330] {strides = array<i32>} : memref<2x63x160xi32, #tpu.memory_space<vmem>>, vector<1x1x16xi32>,
      %swap3A_332 = vector.shape_cast %swap3A_331 : vector<1x1x16xi32> to vector<16xi32>
      %swap3A_333 = vector.shape_cast %select_n3A_326 : vector<16xi32> to vector<1x1x16xi32>
      tpu.vector_store %arg10[%swap3A_328, %swap3A_329, %swap3A_330], %swap3A_333 {strides = array<i32>} : memref<2x63x160xi32, #tpu.memory_space<vmem>>, vector<1x1x16xi32>,
      %add3A_334 = arith.constant 10240 : i32
      %add3A_335 = arith.addi %add3A_334, %arg1 : i32
      %broadcast_in_dim3A_336 = vector.broadcast %add3A_335 : i32 to vector<16xi32>
      %select_n3A_337 = arith.select %lt3A_299, %get3A_294, %broadcast_in_dim3A_336 : vector<16xi1>, vector<16xi32>
      %swap3A_338 = arith.index_cast %scan3A_103 : i32 to index
      %swap3A_339 = arith.constant 48 : index
      %swap3A_340 = tpu.vector_load %arg11[%swap3A_338, %swap3A_339] {strides = array<i32>} : memref<63x160xi32, #tpu.memory_space<vmem>>, vector<1x16xi32>,
      %swap3A_341 = vector.shape_cast %swap3A_340 : vector<1x16xi32> to vector<16xi32>
      %swap3A_342 = vector.shape_cast %select_n3A_337 : vector<16xi32> to vector<1x16xi32>
      tpu.vector_store %arg11[%swap3A_338, %swap3A_339], %swap3A_342 {strides = array<i32>} : memref<63x160xi32, #tpu.memory_space<vmem>>, vector<1x16xi32>,
      %mul3A_343 = arith.constant 160 : i32
      %mul3A_344 = arith.muli %scan3A_103, %mul3A_343 : i32
      %add3A_345 = arith.constant 64 : i32
      %add3A_346 = arith.addi %mul3A_344, %add3A_345 : i32
      %get3A_347 = arith.index_cast %add3A_346 : i32 to index
      %get3A_348 = tpu.vector_load %arg7[%get3A_347] {strides = array<i32>} : memref<10080xi32, #tpu.memory_space<vmem>>, vector<16xi32>,
      %get3A_349 = vector.shape_cast %get3A_348 : vector<16xi32> to vector<16xi32>
      %get3A_350 = arith.index_cast %add3A_346 : i32 to index
      %get3A_351 = tpu.vector_load %arg9[%get3A_350] {strides = array<i32>} : memref<10080xi32, #tpu.memory_space<vmem>>, vector<16xi32>,
      %get3A_352 = vector.shape_cast %get3A_351 : vector<16xi32> to vector<16xi32>
      %get3A_353 = arith.index_cast %add3A_346 : i32 to index
      %get3A_354 = tpu.vector_load %arg8[%get3A_353] {strides = array<i32>} : memref<10080xi32, #tpu.memory_space<vmem>>, vector<16xi32>,
      %get3A_355 = vector.shape_cast %get3A_354 : vector<16xi32> to vector<16xi32>
      %add3A_356 = vector.broadcast %add3A_346 : i32 to vector<16xi32>
      %add3A_357 = arith.addi %add3A_356, %iota3A : vector<16xi32>
      %lt3A_358 = arith.constant 10000 : i32
      %lt3A_359 = vector.broadcast %lt3A_358 : i32 to vector<16xi32>
      %lt3A_360 = arith.cmpi slt, %add3A_357, %lt3A_359 : vector<16xi32>
      %mul3A_361 = arith.constant 10000 : i32
      %mul3A_362 = vector.broadcast %mul3A_361 : i32 to vector<16xi32>
      %mul3A_363 = arith.muli %get3A_352, %mul3A_362 : vector<16xi32>
      %add3A_364 = arith.addi %mul3A_363, %get3A_349 : vector<16xi32>
      %mul3A_365 = arith.constant 4 : i32
      %mul3A_366 = vector.broadcast %mul3A_365 : i32 to vector<16xi32>
      %mul3A_367 = arith.muli %add3A_364, %mul3A_366 : vector<16xi32>
      %mul3A_368 = arith.constant 2 : i32
      %mul3A_369 = arith.muli %mul3A_368, %arg0 : i32
      %add3A_370 = vector.broadcast %mul3A_369 : i32 to vector<16xi32>
      %add3A_371 = arith.addi %mul3A_367, %add3A_370 : vector<16xi32>
      %jit3A_372 = arith.constant 0 : i32
      %broadcast_in_dim3A_373 = vector.broadcast %jit3A_372 : i32 to vector<16xi32>
      %select_n3A_374 = arith.select %lt3A_360, %add3A_371, %broadcast_in_dim3A_373 : vector<16xi1>, vector<16xi32>
      %swap3A_375 = arith.constant 0 : i32
      %swap3A_376 = arith.index_cast %swap3A_375 : i32 to index
      %swap3A_377 = arith.index_cast %scan3A_103 : i32 to index
      %swap3A_378 = arith.constant 64 : index
      %swap3A_379 = tpu.vector_load %arg10[%swap3A_376, %swap3A_377, %swap3A_378] {strides = array<i32>} : memref<2x63x160xi32, #tpu.memory_space<vmem>>, vector<1x1x16xi32>,
      %swap3A_380 = vector.shape_cast %swap3A_379 : vector<1x1x16xi32> to vector<16xi32>
      %swap3A_381 = vector.shape_cast %select_n3A_374 : vector<16xi32> to vector<1x1x16xi32>
      tpu.vector_store %arg10[%swap3A_376, %swap3A_377, %swap3A_378], %swap3A_381 {strides = array<i32>} : memref<2x63x160xi32, #tpu.memory_space<vmem>>, vector<1x1x16xi32>,
      %add3A_382 = arith.constant 1 : i32
      %add3A_383 = vector.broadcast %add3A_382 : i32 to vector<16xi32>
      %add3A_384 = arith.addi %add3A_371, %add3A_383 : vector<16xi32>
      %jit3A_385 = arith.constant 0 : i32
      %broadcast_in_dim3A_386 = vector.broadcast %jit3A_385 : i32 to vector<16xi32>
      %select_n3A_387 = arith.select %lt3A_360, %add3A_384, %broadcast_in_dim3A_386 : vector<16xi1>, vector<16xi32>
      %swap3A_388 = arith.constant 1 : i32
      %swap3A_389 = arith.index_cast %swap3A_388 : i32 to index
      %swap3A_390 = arith.index_cast %scan3A_103 : i32 to index
      %swap3A_391 = arith.constant 64 : index
      %swap3A_392 = tpu.vector_load %arg10[%swap3A_389, %swap3A_390, %swap3A_391] {strides = array<i32>} : memref<2x63x160xi32, #tpu.memory_space<vmem>>, vector<1x1x16xi32>,
      %swap3A_393 = vector.shape_cast %swap3A_392 : vector<1x1x16xi32> to vector<16xi32>
      %swap3A_394 = vector.shape_cast %select_n3A_387 : vector<16xi32> to vector<1x1x16xi32>
      tpu.vector_store %arg10[%swap3A_389, %swap3A_390, %swap3A_391], %swap3A_394 {strides = array<i32>} : memref<2x63x160xi32, #tpu.memory_space<vmem>>, vector<1x1x16xi32>,
      %add3A_395 = arith.constant 10240 : i32
      %add3A_396 = arith.addi %add3A_395, %arg1 : i32
      %broadcast_in_dim3A_397 = vector.broadcast %add3A_396 : i32 to vector<16xi32>
      %select_n3A_398 = arith.select %lt3A_360, %get3A_355, %broadcast_in_dim3A_397 : vector<16xi1>, vector<16xi32>
      %swap3A_399 = arith.index_cast %scan3A_103 : i32 to index
      %swap3A_400 = arith.constant 64 : index
      %swap3A_401 = tpu.vector_load %arg11[%swap3A_399, %swap3A_400] {strides = array<i32>} : memref<63x160xi32, #tpu.memory_space<vmem>>, vector<1x16xi32>,
      %swap3A_402 = vector.shape_cast %swap3A_401 : vector<1x16xi32> to vector<16xi32>
      %swap3A_403 = vector.shape_cast %select_n3A_398 : vector<16xi32> to vector<1x16xi32>
      tpu.vector_store %arg11[%swap3A_399, %swap3A_400], %swap3A_403 {strides = array<i32>} : memref<63x160xi32, #tpu.memory_space<vmem>>, vector<1x16xi32>,
      %mul3A_404 = arith.constant 160 : i32
      %mul3A_405 = arith.muli %scan3A_103, %mul3A_404 : i32
      %add3A_406 = arith.constant 80 : i32
      %add3A_407 = arith.addi %mul3A_405, %add3A_406 : i32
      %get3A_408 = arith.index_cast %add3A_407 : i32 to index
      %get3A_409 = tpu.vector_load %arg7[%get3A_408] {strides = array<i32>} : memref<10080xi32, #tpu.memory_space<vmem>>, vector<16xi32>,
      %get3A_410 = vector.shape_cast %get3A_409 : vector<16xi32> to vector<16xi32>
      %get3A_411 = arith.index_cast %add3A_407 : i32 to index
      %get3A_412 = tpu.vector_load %arg9[%get3A_411] {strides = array<i32>} : memref<10080xi32, #tpu.memory_space<vmem>>, vector<16xi32>,
      %get3A_413 = vector.shape_cast %get3A_412 : vector<16xi32> to vector<16xi32>
      %get3A_414 = arith.index_cast %add3A_407 : i32 to index
      %get3A_415 = tpu.vector_load %arg8[%get3A_414] {strides = array<i32>} : memref<10080xi32, #tpu.memory_space<vmem>>, vector<16xi32>,
      %get3A_416 = vector.shape_cast %get3A_415 : vector<16xi32> to vector<16xi32>
      %add3A_417 = vector.broadcast %add3A_407 : i32 to vector<16xi32>
      %add3A_418 = arith.addi %add3A_417, %iota3A : vector<16xi32>
      %lt3A_419 = arith.constant 10000 : i32
      %lt3A_420 = vector.broadcast %lt3A_419 : i32 to vector<16xi32>
      %lt3A_421 = arith.cmpi slt, %add3A_418, %lt3A_420 : vector<16xi32>
      %mul3A_422 = arith.constant 10000 : i32
      %mul3A_423 = vector.broadcast %mul3A_422 : i32 to vector<16xi32>
      %mul3A_424 = arith.muli %get3A_413, %mul3A_423 : vector<16xi32>
      %add3A_425 = arith.addi %mul3A_424, %get3A_410 : vector<16xi32>
      %mul3A_426 = arith.constant 4 : i32
      %mul3A_427 = vector.broadcast %mul3A_426 : i32 to vector<16xi32>
      %mul3A_428 = arith.muli %add3A_425, %mul3A_427 : vector<16xi32>
      %mul3A_429 = arith.constant 2 : i32
      %mul3A_430 = arith.muli %mul3A_429, %arg0 : i32
      %add3A_431 = vector.broadcast %mul3A_430 : i32 to vector<16xi32>
      %add3A_432 = arith.addi %mul3A_428, %add3A_431 : vector<16xi32>
      %jit3A_433 = arith.constant 0 : i32
      %broadcast_in_dim3A_434 = vector.broadcast %jit3A_433 : i32 to vector<16xi32>
      %select_n3A_435 = arith.select %lt3A_421, %add3A_432, %broadcast_in_dim3A_434 : vector<16xi1>, vector<16xi32>
      %swap3A_436 = arith.constant 0 : i32
      %swap3A_437 = arith.index_cast %swap3A_436 : i32 to index
      %swap3A_438 = arith.index_cast %scan3A_103 : i32 to index
      %swap3A_439 = arith.constant 80 : index
      %swap3A_440 = tpu.vector_load %arg10[%swap3A_437, %swap3A_438, %swap3A_439] {strides = array<i32>} : memref<2x63x160xi32, #tpu.memory_space<vmem>>, vector<1x1x16xi32>,
      %swap3A_441 = vector.shape_cast %swap3A_440 : vector<1x1x16xi32> to vector<16xi32>
      %swap3A_442 = vector.shape_cast %select_n3A_435 : vector<16xi32> to vector<1x1x16xi32>
      tpu.vector_store %arg10[%swap3A_437, %swap3A_438, %swap3A_439], %swap3A_442 {strides = array<i32>} : memref<2x63x160xi32, #tpu.memory_space<vmem>>, vector<1x1x16xi32>,
      %add3A_443 = arith.constant 1 : i32
      %add3A_444 = vector.broadcast %add3A_443 : i32 to vector<16xi32>
      %add3A_445 = arith.addi %add3A_432, %add3A_444 : vector<16xi32>
      %jit3A_446 = arith.constant 0 : i32
      %broadcast_in_dim3A_447 = vector.broadcast %jit3A_446 : i32 to vector<16xi32>
      %select_n3A_448 = arith.select %lt3A_421, %add3A_445, %broadcast_in_dim3A_447 : vector<16xi1>, vector<16xi32>
      %swap3A_449 = arith.constant 1 : i32
      %swap3A_450 = arith.index_cast %swap3A_449 : i32 to index
      %swap3A_451 = arith.index_cast %scan3A_103 : i32 to index
      %swap3A_452 = arith.constant 80 : index
      %swap3A_453 = tpu.vector_load %arg10[%swap3A_450, %swap3A_451, %swap3A_452] {strides = array<i32>} : memref<2x63x160xi32, #tpu.memory_space<vmem>>, vector<1x1x16xi32>,
      %swap3A_454 = vector.shape_cast %swap3A_453 : vector<1x1x16xi32> to vector<16xi32>
      %swap3A_455 = vector.shape_cast %select_n3A_448 : vector<16xi32> to vector<1x1x16xi32>
      tpu.vector_store %arg10[%swap3A_450, %swap3A_451, %swap3A_452], %swap3A_455 {strides = array<i32>} : memref<2x63x160xi32, #tpu.memory_space<vmem>>, vector<1x1x16xi32>,
      %add3A_456 = arith.constant 10240 : i32
      %add3A_457 = arith.addi %add3A_456, %arg1 : i32
      %broadcast_in_dim3A_458 = vector.broadcast %add3A_457 : i32 to vector<16xi32>
      %select_n3A_459 = arith.select %lt3A_421, %get3A_416, %broadcast_in_dim3A_458 : vector<16xi1>, vector<16xi32>
      %swap3A_460 = arith.index_cast %scan3A_103 : i32 to index
      %swap3A_461 = arith.constant 80 : index
      %swap3A_462 = tpu.vector_load %arg11[%swap3A_460, %swap3A_461] {strides = array<i32>} : memref<63x160xi32, #tpu.memory_space<vmem>>, vector<1x16xi32>,
      %swap3A_463 = vector.shape_cast %swap3A_462 : vector<1x16xi32> to vector<16xi32>
      %swap3A_464 = vector.shape_cast %select_n3A_459 : vector<16xi32> to vector<1x16xi32>
      tpu.vector_store %arg11[%swap3A_460, %swap3A_461], %swap3A_464 {strides = array<i32>} : memref<63x160xi32, #tpu.memory_space<vmem>>, vector<1x16xi32>,
      %mul3A_465 = arith.constant 160 : i32
      %mul3A_466 = arith.muli %scan3A_103, %mul3A_465 : i32
      %add3A_467 = arith.constant 96 : i32
      %add3A_468 = arith.addi %mul3A_466, %add3A_467 : i32
      %get3A_469 = arith.index_cast %add3A_468 : i32 to index
      %get3A_470 = tpu.vector_load %arg7[%get3A_469] {strides = array<i32>} : memref<10080xi32, #tpu.memory_space<vmem>>, vector<16xi32>,
      %get3A_471 = vector.shape_cast %get3A_470 : vector<16xi32> to vector<16xi32>
      %get3A_472 = arith.index_cast %add3A_468 : i32 to index
      %get3A_473 = tpu.vector_load %arg9[%get3A_472] {strides = array<i32>} : memref<10080xi32, #tpu.memory_space<vmem>>, vector<16xi32>,
      %get3A_474 = vector.shape_cast %get3A_473 : vector<16xi32> to vector<16xi32>
      %get3A_475 = arith.index_cast %add3A_468 : i32 to index
      %get3A_476 = tpu.vector_load %arg8[%get3A_475] {strides = array<i32>} : memref<10080xi32, #tpu.memory_space<vmem>>, vector<16xi32>,
      %get3A_477 = vector.shape_cast %get3A_476 : vector<16xi32> to vector<16xi32>
      %add3A_478 = vector.broadcast %add3A_468 : i32 to vector<16xi32>
      %add3A_479 = arith.addi %add3A_478, %iota3A : vector<16xi32>
      %lt3A_480 = arith.constant 10000 : i32
      %lt3A_481 = vector.broadcast %lt3A_480 : i32 to vector<16xi32>
      %lt3A_482 = arith.cmpi slt, %add3A_479, %lt3A_481 : vector<16xi32>
      %mul3A_483 = arith.constant 10000 : i32
      %mul3A_484 = vector.broadcast %mul3A_483 : i32 to vector<16xi32>
      %mul3A_485 = arith.muli %get3A_474, %mul3A_484 : vector<16xi32>
      %add3A_486 = arith.addi %mul3A_485, %get3A_471 : vector<16xi32>
      %mul3A_487 = arith.constant 4 : i32
      %mul3A_488 = vector.broadcast %mul3A_487 : i32 to vector<16xi32>
      %mul3A_489 = arith.muli %add3A_486, %mul3A_488 : vector<16xi32>
      %mul3A_490 = arith.constant 2 : i32
      %mul3A_491 = arith.muli %mul3A_490, %arg0 : i32
      %add3A_492 = vector.broadcast %mul3A_491 : i32 to vector<16xi32>
      %add3A_493 = arith.addi %mul3A_489, %add3A_492 : vector<16xi32>
      %jit3A_494 = arith.constant 0 : i32
      %broadcast_in_dim3A_495 = vector.broadcast %jit3A_494 : i32 to vector<16xi32>
      %select_n3A_496 = arith.select %lt3A_482, %add3A_493, %broadcast_in_dim3A_495 : vector<16xi1>, vector<16xi32>
      %swap3A_497 = arith.constant 0 : i32
      %swap3A_498 = arith.index_cast %swap3A_497 : i32 to index
      %swap3A_499 = arith.index_cast %scan3A_103 : i32 to index
      %swap3A_500 = arith.constant 96 : index
      %swap3A_501 = tpu.vector_load %arg10[%swap3A_498, %swap3A_499, %swap3A_500] {strides = array<i32>} : memref<2x63x160xi32, #tpu.memory_space<vmem>>, vector<1x1x16xi32>,
      %swap3A_502 = vector.shape_cast %swap3A_501 : vector<1x1x16xi32> to vector<16xi32>
      %swap3A_503 = vector.shape_cast %select_n3A_496 : vector<16xi32> to vector<1x1x16xi32>
      tpu.vector_store %arg10[%swap3A_498, %swap3A_499, %swap3A_500], %swap3A_503 {strides = array<i32>} : memref<2x63x160xi32, #tpu.memory_space<vmem>>, vector<1x1x16xi32>,
      %add3A_504 = arith.constant 1 : i32
      %add3A_505 = vector.broadcast %add3A_504 : i32 to vector<16xi32>
      %add3A_506 = arith.addi %add3A_493, %add3A_505 : vector<16xi32>
      %jit3A_507 = arith.constant 0 : i32
      %broadcast_in_dim3A_508 = vector.broadcast %jit3A_507 : i32 to vector<16xi32>
      %select_n3A_509 = arith.select %lt3A_482, %add3A_506, %broadcast_in_dim3A_508 : vector<16xi1>, vector<16xi32>
      %swap3A_510 = arith.constant 1 : i32
      %swap3A_511 = arith.index_cast %swap3A_510 : i32 to index
      %swap3A_512 = arith.index_cast %scan3A_103 : i32 to index
      %swap3A_513 = arith.constant 96 : index
      %swap3A_514 = tpu.vector_load %arg10[%swap3A_511, %swap3A_512, %swap3A_513] {strides = array<i32>} : memref<2x63x160xi32, #tpu.memory_space<vmem>>, vector<1x1x16xi32>,
      %swap3A_515 = vector.shape_cast %swap3A_514 : vector<1x1x16xi32> to vector<16xi32>
      %swap3A_516 = vector.shape_cast %select_n3A_509 : vector<16xi32> to vector<1x1x16xi32>
      tpu.vector_store %arg10[%swap3A_511, %swap3A_512, %swap3A_513], %swap3A_516 {strides = array<i32>} : memref<2x63x160xi32, #tpu.memory_space<vmem>>, vector<1x1x16xi32>,
      %add3A_517 = arith.constant 10240 : i32
      %add3A_518 = arith.addi %add3A_517, %arg1 : i32
      %broadcast_in_dim3A_519 = vector.broadcast %add3A_518 : i32 to vector<16xi32>
      %select_n3A_520 = arith.select %lt3A_482, %get3A_477, %broadcast_in_dim3A_519 : vector<16xi1>, vector<16xi32>
      %swap3A_521 = arith.index_cast %scan3A_103 : i32 to index
      %swap3A_522 = arith.constant 96 : index
      %swap3A_523 = tpu.vector_load %arg11[%swap3A_521, %swap3A_522] {strides = array<i32>} : memref<63x160xi32, #tpu.memory_space<vmem>>, vector<1x16xi32>,
      %swap3A_524 = vector.shape_cast %swap3A_523 : vector<1x16xi32> to vector<16xi32>
      %swap3A_525 = vector.shape_cast %select_n3A_520 : vector<16xi32> to vector<1x16xi32>
      tpu.vector_store %arg11[%swap3A_521, %swap3A_522], %swap3A_525 {strides = array<i32>} : memref<63x160xi32, #tpu.memory_space<vmem>>, vector<1x16xi32>,
      %mul3A_526 = arith.constant 160 : i32
      %mul3A_527 = arith.muli %scan3A_103, %mul3A_526 : i32
      %add3A_528 = arith.constant 112 : i32
      %add3A_529 = arith.addi %mul3A_527, %add3A_528 : i32
      %get3A_530 = arith.index_cast %add3A_529 : i32 to index
      %get3A_531 = tpu.vector_load %arg7[%get3A_530] {strides = array<i32>} : memref<10080xi32, #tpu.memory_space<vmem>>, vector<16xi32>,
      %get3A_532 = vector.shape_cast %get3A_531 : vector<16xi32> to vector<16xi32>
      %get3A_533 = arith.index_cast %add3A_529 : i32 to index
      %get3A_534 = tpu.vector_load %arg9[%get3A_533] {strides = array<i32>} : memref<10080xi32, #tpu.memory_space<vmem>>, vector<16xi32>,
      %get3A_535 = vector.shape_cast %get3A_534 : vector<16xi32> to vector<16xi32>
      %get3A_536 = arith.index_cast %add3A_529 : i32 to index
      %get3A_537 = tpu.vector_load %arg8[%get3A_536] {strides = array<i32>} : memref<10080xi32, #tpu.memory_space<vmem>>, vector<16xi32>,
      %get3A_538 = vector.shape_cast %get3A_537 : vector<16xi32> to vector<16xi32>
      %add3A_539 = vector.broadcast %add3A_529 : i32 to vector<16xi32>
      %add3A_540 = arith.addi %add3A_539, %iota3A : vector<16xi32>
      %lt3A_541 = arith.constant 10000 : i32
      %lt3A_542 = vector.broadcast %lt3A_541 : i32 to vector<16xi32>
      %lt3A_543 = arith.cmpi slt, %add3A_540, %lt3A_542 : vector<16xi32>
      %mul3A_544 = arith.constant 10000 : i32
      %mul3A_545 = vector.broadcast %mul3A_544 : i32 to vector<16xi32>
      %mul3A_546 = arith.muli %get3A_535, %mul3A_545 : vector<16xi32>
      %add3A_547 = arith.addi %mul3A_546, %get3A_532 : vector<16xi32>
      %mul3A_548 = arith.constant 4 : i32
      %mul3A_549 = vector.broadcast %mul3A_548 : i32 to vector<16xi32>
      %mul3A_550 = arith.muli %add3A_547, %mul3A_549 : vector<16xi32>
      %mul3A_551 = arith.constant 2 : i32
      %mul3A_552 = arith.muli %mul3A_551, %arg0 : i32
      %add3A_553 = vector.broadcast %mul3A_552 : i32 to vector<16xi32>
      %add3A_554 = arith.addi %mul3A_550, %add3A_553 : vector<16xi32>
      %jit3A_555 = arith.constant 0 : i32
      %broadcast_in_dim3A_556 = vector.broadcast %jit3A_555 : i32 to vector<16xi32>
      %select_n3A_557 = arith.select %lt3A_543, %add3A_554, %broadcast_in_dim3A_556 : vector<16xi1>, vector<16xi32>
      %swap3A_558 = arith.constant 0 : i32
      %swap3A_559 = arith.index_cast %swap3A_558 : i32 to index
      %swap3A_560 = arith.index_cast %scan3A_103 : i32 to index
      %swap3A_561 = arith.constant 112 : index
      %swap3A_562 = tpu.vector_load %arg10[%swap3A_559, %swap3A_560, %swap3A_561] {strides = array<i32>} : memref<2x63x160xi32, #tpu.memory_space<vmem>>, vector<1x1x16xi32>,
      %swap3A_563 = vector.shape_cast %swap3A_562 : vector<1x1x16xi32> to vector<16xi32>
      %swap3A_564 = vector.shape_cast %select_n3A_557 : vector<16xi32> to vector<1x1x16xi32>
      tpu.vector_store %arg10[%swap3A_559, %swap3A_560, %swap3A_561], %swap3A_564 {strides = array<i32>} : memref<2x63x160xi32, #tpu.memory_space<vmem>>, vector<1x1x16xi32>,
      %add3A_565 = arith.constant 1 : i32
      %add3A_566 = vector.broadcast %add3A_565 : i32 to vector<16xi32>
      %add3A_567 = arith.addi %add3A_554, %add3A_566 : vector<16xi32>
      %jit3A_568 = arith.constant 0 : i32
      %broadcast_in_dim3A_569 = vector.broadcast %jit3A_568 : i32 to vector<16xi32>
      %select_n3A_570 = arith.select %lt3A_543, %add3A_567, %broadcast_in_dim3A_569 : vector<16xi1>, vector<16xi32>
      %swap3A_571 = arith.constant 1 : i32
      %swap3A_572 = arith.index_cast %swap3A_571 : i32 to index
      %swap3A_573 = arith.index_cast %scan3A_103 : i32 to index
      %swap3A_574 = arith.constant 112 : index
      %swap3A_575 = tpu.vector_load %arg10[%swap3A_572, %swap3A_573, %swap3A_574] {strides = array<i32>} : memref<2x63x160xi32, #tpu.memory_space<vmem>>, vector<1x1x16xi32>,
      %swap3A_576 = vector.shape_cast %swap3A_575 : vector<1x1x16xi32> to vector<16xi32>
      %swap3A_577 = vector.shape_cast %select_n3A_570 : vector<16xi32> to vector<1x1x16xi32>
      tpu.vector_store %arg10[%swap3A_572, %swap3A_573, %swap3A_574], %swap3A_577 {strides = array<i32>} : memref<2x63x160xi32, #tpu.memory_space<vmem>>, vector<1x1x16xi32>,
      %add3A_578 = arith.constant 10240 : i32
      %add3A_579 = arith.addi %add3A_578, %arg1 : i32
      %broadcast_in_dim3A_580 = vector.broadcast %add3A_579 : i32 to vector<16xi32>
      %select_n3A_581 = arith.select %lt3A_543, %get3A_538, %broadcast_in_dim3A_580 : vector<16xi1>, vector<16xi32>
      %swap3A_582 = arith.index_cast %scan3A_103 : i32 to index
      %swap3A_583 = arith.constant 112 : index
      %swap3A_584 = tpu.vector_load %arg11[%swap3A_582, %swap3A_583] {strides = array<i32>} : memref<63x160xi32, #tpu.memory_space<vmem>>, vector<1x16xi32>,
      %swap3A_585 = vector.shape_cast %swap3A_584 : vector<1x16xi32> to vector<16xi32>
      %swap3A_586 = vector.shape_cast %select_n3A_581 : vector<16xi32> to vector<1x16xi32>
      tpu.vector_store %arg11[%swap3A_582, %swap3A_583], %swap3A_586 {strides = array<i32>} : memref<63x160xi32, #tpu.memory_space<vmem>>, vector<1x16xi32>,
      %mul3A_587 = arith.constant 160 : i32
      %mul3A_588 = arith.muli %scan3A_103, %mul3A_587 : i32
      %add3A_589 = arith.constant 128 : i32
      %add3A_590 = arith.addi %mul3A_588, %add3A_589 : i32
      %get3A_591 = arith.index_cast %add3A_590 : i32 to index
      %get3A_592 = tpu.vector_load %arg7[%get3A_591] {strides = array<i32>} : memref<10080xi32, #tpu.memory_space<vmem>>, vector<16xi32>,
      %get3A_593 = vector.shape_cast %get3A_592 : vector<16xi32> to vector<16xi32>
      %get3A_594 = arith.index_cast %add3A_590 : i32 to index
      %get3A_595 = tpu.vector_load %arg9[%get3A_594] {strides = array<i32>} : memref<10080xi32, #tpu.memory_space<vmem>>, vector<16xi32>,
      %get3A_596 = vector.shape_cast %get3A_595 : vector<16xi32> to vector<16xi32>
      %get3A_597 = arith.index_cast %add3A_590 : i32 to index
      %get3A_598 = tpu.vector_load %arg8[%get3A_597] {strides = array<i32>} : memref<10080xi32, #tpu.memory_space<vmem>>, vector<16xi32>,
      %get3A_599 = vector.shape_cast %get3A_598 : vector<16xi32> to vector<16xi32>
      %add3A_600 = vector.broadcast %add3A_590 : i32 to vector<16xi32>
      %add3A_601 = arith.addi %add3A_600, %iota3A : vector<16xi32>
      %lt3A_602 = arith.constant 10000 : i32
      %lt3A_603 = vector.broadcast %lt3A_602 : i32 to vector<16xi32>
      %lt3A_604 = arith.cmpi slt, %add3A_601, %lt3A_603 : vector<16xi32>
      %mul3A_605 = arith.constant 10000 : i32
      %mul3A_606 = vector.broadcast %mul3A_605 : i32 to vector<16xi32>
      %mul3A_607 = arith.muli %get3A_596, %mul3A_606 : vector<16xi32>
      %add3A_608 = arith.addi %mul3A_607, %get3A_593 : vector<16xi32>
      %mul3A_609 = arith.constant 4 : i32
      %mul3A_610 = vector.broadcast %mul3A_609 : i32 to vector<16xi32>
      %mul3A_611 = arith.muli %add3A_608, %mul3A_610 : vector<16xi32>
      %mul3A_612 = arith.constant 2 : i32
      %mul3A_613 = arith.muli %mul3A_612, %arg0 : i32
      %add3A_614 = vector.broadcast %mul3A_613 : i32 to vector<16xi32>
      %add3A_615 = arith.addi %mul3A_611, %add3A_614 : vector<16xi32>
      %jit3A_616 = arith.constant 0 : i32
      %broadcast_in_dim3A_617 = vector.broadcast %jit3A_616 : i32 to vector<16xi32>
      %select_n3A_618 = arith.select %lt3A_604, %add3A_615, %broadcast_in_dim3A_617 : vector<16xi1>, vector<16xi32>
      %swap3A_619 = arith.constant 0 : i32
      %swap3A_620 = arith.index_cast %swap3A_619 : i32 to index
      %swap3A_621 = arith.index_cast %scan3A_103 : i32 to index
      %swap3A_622 = arith.constant 128 : index
      %swap3A_623 = tpu.vector_load %arg10[%swap3A_620, %swap3A_621, %swap3A_622] {strides = array<i32>} : memref<2x63x160xi32, #tpu.memory_space<vmem>>, vector<1x1x16xi32>,
      %swap3A_624 = vector.shape_cast %swap3A_623 : vector<1x1x16xi32> to vector<16xi32>
      %swap3A_625 = vector.shape_cast %select_n3A_618 : vector<16xi32> to vector<1x1x16xi32>
      tpu.vector_store %arg10[%swap3A_620, %swap3A_621, %swap3A_622], %swap3A_625 {strides = array<i32>} : memref<2x63x160xi32, #tpu.memory_space<vmem>>, vector<1x1x16xi32>,
      %add3A_626 = arith.constant 1 : i32
      %add3A_627 = vector.broadcast %add3A_626 : i32 to vector<16xi32>
      %add3A_628 = arith.addi %add3A_615, %add3A_627 : vector<16xi32>
      %jit3A_629 = arith.constant 0 : i32
      %broadcast_in_dim3A_630 = vector.broadcast %jit3A_629 : i32 to vector<16xi32>
      %select_n3A_631 = arith.select %lt3A_604, %add3A_628, %broadcast_in_dim3A_630 : vector<16xi1>, vector<16xi32>
      %swap3A_632 = arith.constant 1 : i32
      %swap3A_633 = arith.index_cast %swap3A_632 : i32 to index
      %swap3A_634 = arith.index_cast %scan3A_103 : i32 to index
      %swap3A_635 = arith.constant 128 : index
      %swap3A_636 = tpu.vector_load %arg10[%swap3A_633, %swap3A_634, %swap3A_635] {strides = array<i32>} : memref<2x63x160xi32, #tpu.memory_space<vmem>>, vector<1x1x16xi32>,
      %swap3A_637 = vector.shape_cast %swap3A_636 : vector<1x1x16xi32> to vector<16xi32>
      %swap3A_638 = vector.shape_cast %select_n3A_631 : vector<16xi32> to vector<1x1x16xi32>
      tpu.vector_store %arg10[%swap3A_633, %swap3A_634, %swap3A_635], %swap3A_638 {strides = array<i32>} : memref<2x63x160xi32, #tpu.memory_space<vmem>>, vector<1x1x16xi32>,
      %add3A_639 = arith.constant 10240 : i32
      %add3A_640 = arith.addi %add3A_639, %arg1 : i32
      %broadcast_in_dim3A_641 = vector.broadcast %add3A_640 : i32 to vector<16xi32>
      %select_n3A_642 = arith.select %lt3A_604, %get3A_599, %broadcast_in_dim3A_641 : vector<16xi1>, vector<16xi32>
      %swap3A_643 = arith.index_cast %scan3A_103 : i32 to index
      %swap3A_644 = arith.constant 128 : index
      %swap3A_645 = tpu.vector_load %arg11[%swap3A_643, %swap3A_644] {strides = array<i32>} : memref<63x160xi32, #tpu.memory_space<vmem>>, vector<1x16xi32>,
      %swap3A_646 = vector.shape_cast %swap3A_645 : vector<1x16xi32> to vector<16xi32>
      %swap3A_647 = vector.shape_cast %select_n3A_642 : vector<16xi32> to vector<1x16xi32>
      tpu.vector_store %arg11[%swap3A_643, %swap3A_644], %swap3A_647 {strides = array<i32>} : memref<63x160xi32, #tpu.memory_space<vmem>>, vector<1x16xi32>,
      %mul3A_648 = arith.constant 160 : i32
      %mul3A_649 = arith.muli %scan3A_103, %mul3A_648 : i32
      %add3A_650 = arith.constant 144 : i32
      %add3A_651 = arith.addi %mul3A_649, %add3A_650 : i32
      %get3A_652 = arith.index_cast %add3A_651 : i32 to index
      %get3A_653 = tpu.vector_load %arg7[%get3A_652] {strides = array<i32>} : memref<10080xi32, #tpu.memory_space<vmem>>, vector<16xi32>,
      %get3A_654 = vector.shape_cast %get3A_653 : vector<16xi32> to vector<16xi32>
      %get3A_655 = arith.index_cast %add3A_651 : i32 to index
      %get3A_656 = tpu.vector_load %arg9[%get3A_655] {strides = array<i32>} : memref<10080xi32, #tpu.memory_space<vmem>>, vector<16xi32>,
      %get3A_657 = vector.shape_cast %get3A_656 : vector<16xi32> to vector<16xi32>
      %get3A_658 = arith.index_cast %add3A_651 : i32 to index
      %get3A_659 = tpu.vector_load %arg8[%get3A_658] {strides = array<i32>} : memref<10080xi32, #tpu.memory_space<vmem>>, vector<16xi32>,
      %get3A_660 = vector.shape_cast %get3A_659 : vector<16xi32> to vector<16xi32>
      %add3A_661 = vector.broadcast %add3A_651 : i32 to vector<16xi32>
      %add3A_662 = arith.addi %add3A_661, %iota3A : vector<16xi32>
      %lt3A_663 = arith.constant 10000 : i32
      %lt3A_664 = vector.broadcast %lt3A_663 : i32 to vector<16xi32>
      %lt3A_665 = arith.cmpi slt, %add3A_662, %lt3A_664 : vector<16xi32>
      %mul3A_666 = arith.constant 10000 : i32
      %mul3A_667 = vector.broadcast %mul3A_666 : i32 to vector<16xi32>
      %mul3A_668 = arith.muli %get3A_657, %mul3A_667 : vector<16xi32>
      %add3A_669 = arith.addi %mul3A_668, %get3A_654 : vector<16xi32>
      %mul3A_670 = arith.constant 4 : i32
      %mul3A_671 = vector.broadcast %mul3A_670 : i32 to vector<16xi32>
      %mul3A_672 = arith.muli %add3A_669, %mul3A_671 : vector<16xi32>
      %mul3A_673 = arith.constant 2 : i32
      %mul3A_674 = arith.muli %mul3A_673, %arg0 : i32
      %add3A_675 = vector.broadcast %mul3A_674 : i32 to vector<16xi32>
      %add3A_676 = arith.addi %mul3A_672, %add3A_675 : vector<16xi32>
      %jit3A_677 = arith.constant 0 : i32
      %broadcast_in_dim3A_678 = vector.broadcast %jit3A_677 : i32 to vector<16xi32>
      %select_n3A_679 = arith.select %lt3A_665, %add3A_676, %broadcast_in_dim3A_678 : vector<16xi1>, vector<16xi32>
      %swap3A_680 = arith.constant 0 : i32
      %swap3A_681 = arith.index_cast %swap3A_680 : i32 to index
      %swap3A_682 = arith.index_cast %scan3A_103 : i32 to index
      %swap3A_683 = arith.constant 144 : index
      %swap3A_684 = tpu.vector_load %arg10[%swap3A_681, %swap3A_682, %swap3A_683] {strides = array<i32>} : memref<2x63x160xi32, #tpu.memory_space<vmem>>, vector<1x1x16xi32>,
      %swap3A_685 = vector.shape_cast %swap3A_684 : vector<1x1x16xi32> to vector<16xi32>
      %swap3A_686 = vector.shape_cast %select_n3A_679 : vector<16xi32> to vector<1x1x16xi32>
      tpu.vector_store %arg10[%swap3A_681, %swap3A_682, %swap3A_683], %swap3A_686 {strides = array<i32>} : memref<2x63x160xi32, #tpu.memory_space<vmem>>, vector<1x1x16xi32>,
      %add3A_687 = arith.constant 1 : i32
      %add3A_688 = vector.broadcast %add3A_687 : i32 to vector<16xi32>
      %add3A_689 = arith.addi %add3A_676, %add3A_688 : vector<16xi32>
      %jit3A_690 = arith.constant 0 : i32
      %broadcast_in_dim3A_691 = vector.broadcast %jit3A_690 : i32 to vector<16xi32>
      %select_n3A_692 = arith.select %lt3A_665, %add3A_689, %broadcast_in_dim3A_691 : vector<16xi1>, vector<16xi32>
      %swap3A_693 = arith.constant 1 : i32
      %swap3A_694 = arith.index_cast %swap3A_693 : i32 to index
      %swap3A_695 = arith.index_cast %scan3A_103 : i32 to index
      %swap3A_696 = arith.constant 144 : index
      %swap3A_697 = tpu.vector_load %arg10[%swap3A_694, %swap3A_695, %swap3A_696] {strides = array<i32>} : memref<2x63x160xi32, #tpu.memory_space<vmem>>, vector<1x1x16xi32>,
      %swap3A_698 = vector.shape_cast %swap3A_697 : vector<1x1x16xi32> to vector<16xi32>
      %swap3A_699 = vector.shape_cast %select_n3A_692 : vector<16xi32> to vector<1x1x16xi32>
      tpu.vector_store %arg10[%swap3A_694, %swap3A_695, %swap3A_696], %swap3A_699 {strides = array<i32>} : memref<2x63x160xi32, #tpu.memory_space<vmem>>, vector<1x1x16xi32>,
      %add3A_700 = arith.constant 10240 : i32
      %add3A_701 = arith.addi %add3A_700, %arg1 : i32
      %broadcast_in_dim3A_702 = vector.broadcast %add3A_701 : i32 to vector<16xi32>
      %select_n3A_703 = arith.select %lt3A_665, %get3A_660, %broadcast_in_dim3A_702 : vector<16xi1>, vector<16xi32>
      %swap3A_704 = arith.index_cast %scan3A_103 : i32 to index
      %swap3A_705 = arith.constant 144 : index
      %swap3A_706 = tpu.vector_load %arg11[%swap3A_704, %swap3A_705] {strides = array<i32>} : memref<63x160xi32, #tpu.memory_space<vmem>>, vector<1x16xi32>,
      %swap3A_707 = vector.shape_cast %swap3A_706 : vector<1x16xi32> to vector<16xi32>
      %swap3A_708 = vector.shape_cast %select_n3A_703 : vector<16xi32> to vector<1x16xi32>
      tpu.vector_store %arg11[%swap3A_704, %swap3A_705], %swap3A_708 {strides = array<i32>} : memref<63x160xi32, #tpu.memory_space<vmem>>, vector<1x16xi32>,
    }
    %scan3A_6 = arith.constant 63 : i32
    %mul3A_7 = arith.constant 640 : i32
    %mul3A_8 = arith.muli %arg1, %mul3A_7 : i32
    %mul3A_9 = arith.constant 2 : i32
    %mul3A_10 = arith.muli %mul3A_9, %arg0 : i32
    %add3A = arith.constant 0 : i32
    %add3A_11 = arith.addi %mul3A_10, %add3A : i32
    %scan3A_12 = arith.constant 0 : i32
    %scan3A_13 = arith.constant 0 : i32
    %scan3A_14 = arith.constant 128 : i32
    %scan3A_15 = arith.addi %scan3A_13, %scan3A_14 : i32
    %scan3A_16 = arith.constant 1 : i32
    scf.for %scan3A_103 = %scan3A_13 to %scan3A_15 step %scan3A_16  : i32 {
      %swap3A = arith.index_cast %scan3A_103 : i32 to index
      %swap3A_104 = arith.constant 0 : index
      %swap3A_105 = tpu.vector_load %arg13[%swap3A, %swap3A_104] {strides = array<i32>} : memref<128x64xf32, #tpu.memory_space<vmem>>, vector<1x16xf32>,
      %swap3A_106 = vector.shape_cast %swap3A_105 : vector<1x16xf32> to vector<16xf32>
      %swap3A_107 = vector.shape_cast %broadcast_in_dim3A_1 : vector<16xf32> to vector<1x16xf32>
      tpu.vector_store %arg13[%swap3A, %swap3A_104], %swap3A_107 {strides = array<i32>} : memref<128x64xf32, #tpu.memory_space<vmem>>, vector<1x16xf32>,
      %swap3A_108 = arith.index_cast %scan3A_103 : i32 to index
      %swap3A_109 = arith.constant 16 : index
      %swap3A_110 = tpu.vector_load %arg13[%swap3A_108, %swap3A_109] {strides = array<i32>} : memref<128x64xf32, #tpu.memory_space<vmem>>, vector<1x16xf32>,
      %swap3A_111 = vector.shape_cast %swap3A_110 : vector<1x16xf32> to vector<16xf32>
      %swap3A_112 = vector.shape_cast %broadcast_in_dim3A_1 : vector<16xf32> to vector<1x16xf32>
      tpu.vector_store %arg13[%swap3A_108, %swap3A_109], %swap3A_112 {strides = array<i32>} : memref<128x64xf32, #tpu.memory_space<vmem>>, vector<1x16xf32>,
      %swap3A_113 = arith.index_cast %scan3A_103 : i32 to index
      %swap3A_114 = arith.constant 32 : index
      %swap3A_115 = tpu.vector_load %arg13[%swap3A_113, %swap3A_114] {strides = array<i32>} : memref<128x64xf32, #tpu.memory_space<vmem>>, vector<1x16xf32>,
      %swap3A_116 = vector.shape_cast %swap3A_115 : vector<1x16xf32> to vector<16xf32>
      %swap3A_117 = vector.shape_cast %broadcast_in_dim3A_1 : vector<16xf32> to vector<1x16xf32>
      tpu.vector_store %arg13[%swap3A_113, %swap3A_114], %swap3A_117 {strides = array<i32>} : memref<128x64xf32, #tpu.memory_space<vmem>>, vector<1x16xf32>,
      %swap3A_118 = arith.index_cast %scan3A_103 : i32 to index
      %swap3A_119 = arith.constant 48 : index
      %swap3A_120 = tpu.vector_load %arg13[%swap3A_118, %swap3A_119] {strides = array<i32>} : memref<128x64xf32, #tpu.memory_space<vmem>>, vector<1x16xf32>,
      %swap3A_121 = vector.shape_cast %swap3A_120 : vector<1x16xf32> to vector<16xf32>
      %swap3A_122 = vector.shape_cast %broadcast_in_dim3A_1 : vector<16xf32> to vector<1x16xf32>
      tpu.vector_store %arg13[%swap3A_118, %swap3A_119], %swap3A_122 {strides = array<i32>} : memref<128x64xf32, #tpu.memory_space<vmem>>, vector<1x16xf32>,
    }
    %scan3A_17 = arith.constant 128 : i32
    %add3A_18 = arith.constant 0 : i32
    %add3A_19 = arith.addi %mul3A_8, %add3A_18 : i32
    "tpu.region"() ({
      %run_scoped3A = tpu.sem_alloc : memref<!tpu.dma_semaphore, #tpu.memory_space<semaphore_mem>>
      %dma_start3A = arith.constant 0 : i32
      %dma_start3A_103 = tpu.memref_slice %arg14[%add3A_19, %dma_start3A] : memref<10256x64xf32, #tpu.memory_space<vmem_shared>> -> memref<128x64xf32, #tpu.memory_space<vmem_shared>>
      %dma_start3A_104 = arith.constant 0 : i32
      %dma_start3A_105 = tpu.memref_slice %arg14[%add3A_19, %dma_start3A_104] : memref<10256x64xf32, #tpu.memory_space<vmem_shared>> -> memref<128x64xf32, #tpu.memory_space<vmem_shared>>
      tpu.enqueue_dma source(%arg13 : memref<128x64xf32, #tpu.memory_space<vmem>>) target(%dma_start3A_105 : memref<128x64xf32, #tpu.memory_space<vmem_shared>>) target_semaphore(%run_scoped3A : memref<!tpu.dma_semaphore, #tpu.memory_space<semaphore_mem>>)
      %dma_wait3A = arith.constant 0 : i32
      %dma_wait3A_106 = tpu.memref_slice %arg14[%add3A_19, %dma_wait3A] : memref<10256x64xf32, #tpu.memory_space<vmem_shared>> -> memref<128x64xf32, #tpu.memory_space<vmem_shared>>
      %dma_wait3A_107 = arith.constant 0 : i32
      %dma_wait3A_108 = tpu.memref_slice %arg14[%add3A_19, %dma_wait3A_107] : memref<10256x64xf32, #tpu.memory_space<vmem_shared>> -> memref<128x64xf32, #tpu.memory_space<vmem_shared>>
      tpu.wait_dma2 semaphore(%run_scoped3A : memref<!tpu.dma_semaphore, #tpu.memory_space<semaphore_mem>>) src(%arg13 : memref<128x64xf32, #tpu.memory_space<vmem>>) dst(%dma_wait3A_108 : memref<128x64xf32, #tpu.memory_space<vmem_shared>>)
      tpu.yield
    }) : () -> ()
    %add3A_20 = arith.constant 128 : i32
    %add3A_21 = arith.addi %mul3A_8, %add3A_20 : i32
    "tpu.region"() ({
      %run_scoped3A = tpu.sem_alloc : memref<!tpu.dma_semaphore, #tpu.memory_space<semaphore_mem>>
      %dma_start3A = arith.constant 0 : i32
      %dma_start3A_103 = tpu.memref_slice %arg14[%add3A_21, %dma_start3A] : memref<10256x64xf32, #tpu.memory_space<vmem_shared>> -> memref<128x64xf32, #tpu.memory_space<vmem_shared>>
      %dma_start3A_104 = arith.constant 0 : i32
      %dma_start3A_105 = tpu.memref_slice %arg14[%add3A_21, %dma_start3A_104] : memref<10256x64xf32, #tpu.memory_space<vmem_shared>> -> memref<128x64xf32, #tpu.memory_space<vmem_shared>>
      tpu.enqueue_dma source(%arg13 : memref<128x64xf32, #tpu.memory_space<vmem>>) target(%dma_start3A_105 : memref<128x64xf32, #tpu.memory_space<vmem_shared>>) target_semaphore(%run_scoped3A : memref<!tpu.dma_semaphore, #tpu.memory_space<semaphore_mem>>)
      %dma_wait3A = arith.constant 0 : i32
      %dma_wait3A_106 = tpu.memref_slice %arg14[%add3A_21, %dma_wait3A] : memref<10256x64xf32, #tpu.memory_space<vmem_shared>> -> memref<128x64xf32, #tpu.memory_space<vmem_shared>>
      %dma_wait3A_107 = arith.constant 0 : i32
      %dma_wait3A_108 = tpu.memref_slice %arg14[%add3A_21, %dma_wait3A_107] : memref<10256x64xf32, #tpu.memory_space<vmem_shared>> -> memref<128x64xf32, #tpu.memory_space<vmem_shared>>
      tpu.wait_dma2 semaphore(%run_scoped3A : memref<!tpu.dma_semaphore, #tpu.memory_space<semaphore_mem>>) src(%arg13 : memref<128x64xf32, #tpu.memory_space<vmem>>) dst(%dma_wait3A_108 : memref<128x64xf32, #tpu.memory_space<vmem_shared>>)
      tpu.yield
    }) : () -> ()
    %add3A_22 = arith.constant 256 : i32
    %add3A_23 = arith.addi %mul3A_8, %add3A_22 : i32
    "tpu.region"() ({
      %run_scoped3A = tpu.sem_alloc : memref<!tpu.dma_semaphore, #tpu.memory_space<semaphore_mem>>
      %dma_start3A = arith.constant 0 : i32
      %dma_start3A_103 = tpu.memref_slice %arg14[%add3A_23, %dma_start3A] : memref<10256x64xf32, #tpu.memory_space<vmem_shared>> -> memref<128x64xf32, #tpu.memory_space<vmem_shared>>
      %dma_start3A_104 = arith.constant 0 : i32
      %dma_start3A_105 = tpu.memref_slice %arg14[%add3A_23, %dma_start3A_104] : memref<10256x64xf32, #tpu.memory_space<vmem_shared>> -> memref<128x64xf32, #tpu.memory_space<vmem_shared>>
      tpu.enqueue_dma source(%arg13 : memref<128x64xf32, #tpu.memory_space<vmem>>) target(%dma_start3A_105 : memref<128x64xf32, #tpu.memory_space<vmem_shared>>) target_semaphore(%run_scoped3A : memref<!tpu.dma_semaphore, #tpu.memory_space<semaphore_mem>>)
      %dma_wait3A = arith.constant 0 : i32
      %dma_wait3A_106 = tpu.memref_slice %arg14[%add3A_23, %dma_wait3A] : memref<10256x64xf32, #tpu.memory_space<vmem_shared>> -> memref<128x64xf32, #tpu.memory_space<vmem_shared>>
      %dma_wait3A_107 = arith.constant 0 : i32
      %dma_wait3A_108 = tpu.memref_slice %arg14[%add3A_23, %dma_wait3A_107] : memref<10256x64xf32, #tpu.memory_space<vmem_shared>> -> memref<128x64xf32, #tpu.memory_space<vmem_shared>>
      tpu.wait_dma2 semaphore(%run_scoped3A : memref<!tpu.dma_semaphore, #tpu.memory_space<semaphore_mem>>) src(%arg13 : memref<128x64xf32, #tpu.memory_space<vmem>>) dst(%dma_wait3A_108 : memref<128x64xf32, #tpu.memory_space<vmem_shared>>)
      tpu.yield
    }) : () -> ()
    %add3A_24 = arith.constant 384 : i32
    %add3A_25 = arith.addi %mul3A_8, %add3A_24 : i32
    "tpu.region"() ({
      %run_scoped3A = tpu.sem_alloc : memref<!tpu.dma_semaphore, #tpu.memory_space<semaphore_mem>>
      %dma_start3A = arith.constant 0 : i32
      %dma_start3A_103 = tpu.memref_slice %arg14[%add3A_25, %dma_start3A] : memref<10256x64xf32, #tpu.memory_space<vmem_shared>> -> memref<128x64xf32, #tpu.memory_space<vmem_shared>>
      %dma_start3A_104 = arith.constant 0 : i32
      %dma_start3A_105 = tpu.memref_slice %arg14[%add3A_25, %dma_start3A_104] : memref<10256x64xf32, #tpu.memory_space<vmem_shared>> -> memref<128x64xf32, #tpu.memory_space<vmem_shared>>
      tpu.enqueue_dma source(%arg13 : memref<128x64xf32, #tpu.memory_space<vmem>>) target(%dma_start3A_105 : memref<128x64xf32, #tpu.memory_space<vmem_shared>>) target_semaphore(%run_scoped3A : memref<!tpu.dma_semaphore, #tpu.memory_space<semaphore_mem>>)
      %dma_wait3A = arith.constant 0 : i32
      %dma_wait3A_106 = tpu.memref_slice %arg14[%add3A_25, %dma_wait3A] : memref<10256x64xf32, #tpu.memory_space<vmem_shared>> -> memref<128x64xf32, #tpu.memory_space<vmem_shared>>
      %dma_wait3A_107 = arith.constant 0 : i32
      %dma_wait3A_108 = tpu.memref_slice %arg14[%add3A_25, %dma_wait3A_107] : memref<10256x64xf32, #tpu.memory_space<vmem_shared>> -> memref<128x64xf32, #tpu.memory_space<vmem_shared>>
      tpu.wait_dma2 semaphore(%run_scoped3A : memref<!tpu.dma_semaphore, #tpu.memory_space<semaphore_mem>>) src(%arg13 : memref<128x64xf32, #tpu.memory_space<vmem>>) dst(%dma_wait3A_108 : memref<128x64xf32, #tpu.memory_space<vmem_shared>>)
      tpu.yield
    }) : () -> ()
    %add3A_26 = arith.constant 512 : i32
    %add3A_27 = arith.addi %mul3A_8, %add3A_26 : i32
    "tpu.region"() ({
      %run_scoped3A = tpu.sem_alloc : memref<!tpu.dma_semaphore, #tpu.memory_space<semaphore_mem>>
      %dma_start3A = arith.constant 0 : i32
      %dma_start3A_103 = tpu.memref_slice %arg14[%add3A_27, %dma_start3A] : memref<10256x64xf32, #tpu.memory_space<vmem_shared>> -> memref<128x64xf32, #tpu.memory_space<vmem_shared>>
      %dma_start3A_104 = arith.constant 0 : i32
      %dma_start3A_105 = tpu.memref_slice %arg14[%add3A_27, %dma_start3A_104] : memref<10256x64xf32, #tpu.memory_space<vmem_shared>> -> memref<128x64xf32, #tpu.memory_space<vmem_shared>>
      tpu.enqueue_dma source(%arg13 : memref<128x64xf32, #tpu.memory_space<vmem>>) target(%dma_start3A_105 : memref<128x64xf32, #tpu.memory_space<vmem_shared>>) target_semaphore(%run_scoped3A : memref<!tpu.dma_semaphore, #tpu.memory_space<semaphore_mem>>)
      %dma_wait3A = arith.constant 0 : i32
      %dma_wait3A_106 = tpu.memref_slice %arg14[%add3A_27, %dma_wait3A] : memref<10256x64xf32, #tpu.memory_space<vmem_shared>> -> memref<128x64xf32, #tpu.memory_space<vmem_shared>>
      %dma_wait3A_107 = arith.constant 0 : i32
      %dma_wait3A_108 = tpu.memref_slice %arg14[%add3A_27, %dma_wait3A_107] : memref<10256x64xf32, #tpu.memory_space<vmem_shared>> -> memref<128x64xf32, #tpu.memory_space<vmem_shared>>
      tpu.wait_dma2 semaphore(%run_scoped3A : memref<!tpu.dma_semaphore, #tpu.memory_space<semaphore_mem>>) src(%arg13 : memref<128x64xf32, #tpu.memory_space<vmem>>) dst(%dma_wait3A_108 : memref<128x64xf32, #tpu.memory_space<vmem_shared>>)
      tpu.yield
    }) : () -> ()
    %barrier3A = arith.constant 0 : index
    tpu.barrier barrier_id(%barrier3A)
    %scan3A_28 = arith.constant 0 : i32
    %scan3A_29 = arith.constant 0 : i32
    %scan3A_30 = arith.constant 63 : i32
    %scan3A_31 = arith.addi %scan3A_29, %scan3A_30 : i32
    %scan3A_32 = arith.constant 1 : i32
    scf.for %scan3A_103 = %scan3A_29 to %scan3A_31 step %scan3A_32  : i32 {
      %dma_start3A = arith.constant 0 : i32
      %dma_start3A_104 = arith.constant 0 : i32
      %dma_start3A_105 = tpu.memref_slice %arg10[%dma_start3A, %scan3A_103, %dma_start3A_104] : memref<2x63x160xi32, #tpu.memory_space<vmem>> -> memref<1x1x160xi32, #tpu.memory_space<vmem>>
      %dma_start3A_106 = tpu.memref_squeeze %dma_start3A_105 : memref<1x1x160xi32, #tpu.memory_space<vmem>> -> memref<160xi32, #tpu.memory_space<vmem>>
      %dma_start3A_107 = arith.constant 0 : i32
      %dma_start3A_108 = arith.constant 0 : i32
      %dma_start3A_109 = tpu.memref_slice %arg2[%dma_start3A_107, %dma_start3A_108] : memref<160000x64xf32, #tpu.memory_space<hbm>> -> memref<160000x64xf32, #tpu.memory_space<hbm>>
      tpu.enqueue_indirect_dma source(%dma_start3A_109 : memref<160000x64xf32, #tpu.memory_space<hbm>>) target(%arg12 : memref<160x64xf32, #tpu.memory_space<vmem>>) offsets(%dma_start3A_106 : memref<160xi32, #tpu.memory_space<vmem>>) semaphore(%arg15 : memref<!tpu.dma_semaphore, #tpu.memory_space<semaphore_mem>>)
      %dma_wait3A = arith.constant 0 : i32
      %dma_wait3A_110 = arith.constant 0 : i32
      %dma_wait3A_111 = tpu.memref_slice %arg10[%dma_wait3A, %scan3A_103, %dma_wait3A_110] : memref<2x63x160xi32, #tpu.memory_space<vmem>> -> memref<1x1x160xi32, #tpu.memory_space<vmem>>
      %dma_wait3A_112 = tpu.memref_squeeze %dma_wait3A_111 : memref<1x1x160xi32, #tpu.memory_space<vmem>> -> memref<160xi32, #tpu.memory_space<vmem>>
      %dma_wait3A_113 = arith.constant 0 : i32
      %dma_wait3A_114 = arith.constant 0 : i32
      %dma_wait3A_115 = tpu.memref_slice %arg2[%dma_wait3A_113, %dma_wait3A_114] : memref<160000x64xf32, #tpu.memory_space<hbm>> -> memref<160000x64xf32, #tpu.memory_space<hbm>>
      tpu.wait_indirect_dma semaphore(%arg15 : memref<!tpu.dma_semaphore, #tpu.memory_space<semaphore_mem>>) src(%dma_wait3A_115 : memref<160000x64xf32, #tpu.memory_space<hbm>>) dst(%arg12 : memref<160x64xf32, #tpu.memory_space<vmem>>)
      "tpu.region"() ({
        %run_scoped3A = tpu.sem_alloc : memref<!tpu.dma_semaphore, #tpu.memory_space<semaphore_mem>>
        %dma_start3A_116 = arith.constant 0 : i32
        %dma_start3A_117 = tpu.memref_slice %arg11[%scan3A_103, %dma_start3A_116] : memref<63x160xi32, #tpu.memory_space<vmem>> -> memref<1x160xi32, #tpu.memory_space<vmem>>
        %dma_start3A_118 = tpu.memref_squeeze %dma_start3A_117 : memref<1x160xi32, #tpu.memory_space<vmem>> -> memref<160xi32, #tpu.memory_space<vmem>>
        %dma_start3A_119 = arith.constant 0 : i32
        %dma_start3A_120 = arith.constant 0 : i32
        %dma_start3A_121 = tpu.memref_slice %arg14[%dma_start3A_119, %dma_start3A_120] : memref<10256x64xf32, #tpu.memory_space<vmem_shared>> -> memref<10256x64xf32, #tpu.memory_space<vmem_shared>>
        tpu.enqueue_indirect_dma source(%arg12 : memref<160x64xf32, #tpu.memory_space<vmem>>) target(%dma_start3A_121 : memref<10256x64xf32, #tpu.memory_space<vmem_shared>>) offsets(%dma_start3A_118 : memref<160xi32, #tpu.memory_space<vmem>>) semaphore(%run_scoped3A : memref<!tpu.dma_semaphore, #tpu.memory_space<semaphore_mem>>) {add = true}
        %dma_wait3A_122 = arith.constant 0 : i32
        %dma_wait3A_123 = tpu.memref_slice %arg11[%scan3A_103, %dma_wait3A_122] : memref<63x160xi32, #tpu.memory_space<vmem>> -> memref<1x160xi32, #tpu.memory_space<vmem>>
        %dma_wait3A_124 = tpu.memref_squeeze %dma_wait3A_123 : memref<1x160xi32, #tpu.memory_space<vmem>> -> memref<160xi32, #tpu.memory_space<vmem>>
        %dma_wait3A_125 = arith.constant 0 : i32
        %dma_wait3A_126 = arith.constant 0 : i32
        %dma_wait3A_127 = tpu.memref_slice %arg14[%dma_wait3A_125, %dma_wait3A_126] : memref<10256x64xf32, #tpu.memory_space<vmem_shared>> -> memref<10256x64xf32, #tpu.memory_space<vmem_shared>>
        tpu.wait_indirect_dma semaphore(%run_scoped3A : memref<!tpu.dma_semaphore, #tpu.memory_space<semaphore_mem>>) src(%arg12 : memref<160x64xf32, #tpu.memory_space<vmem>>) dst(%dma_wait3A_127 : memref<10256x64xf32, #tpu.memory_space<vmem_shared>>)
        tpu.yield
      }) : () -> ()
    }
    %scan3A_33 = arith.constant 63 : i32
    %barrier3A_34 = arith.constant 0 : index
    tpu.barrier barrier_id(%barrier3A_34)
    %add3A_35 = arith.constant 0 : i32
    %add3A_36 = arith.addi %mul3A_8, %add3A_35 : i32
    "tpu.region"() ({
      %run_scoped3A = tpu.sem_alloc : memref<!tpu.dma_semaphore, #tpu.memory_space<semaphore_mem>>
      %dma_start3A = arith.constant 0 : i32
      %dma_start3A_103 = tpu.memref_slice %arg14[%add3A_36, %dma_start3A] : memref<10256x64xf32, #tpu.memory_space<vmem_shared>> -> memref<128x64xf32, #tpu.memory_space<vmem_shared>>
      %dma_start3A_104 = arith.constant 0 : i32
      %dma_start3A_105 = tpu.memref_slice %arg14[%add3A_36, %dma_start3A_104] : memref<10256x64xf32, #tpu.memory_space<vmem_shared>> -> memref<128x64xf32, #tpu.memory_space<vmem_shared>>
      tpu.enqueue_dma source(%dma_start3A_105 : memref<128x64xf32, #tpu.memory_space<vmem_shared>>) target(%arg13 : memref<128x64xf32, #tpu.memory_space<vmem>>) target_semaphore(%run_scoped3A : memref<!tpu.dma_semaphore, #tpu.memory_space<semaphore_mem>>)
      %dma_wait3A = arith.constant 0 : i32
      %dma_wait3A_106 = tpu.memref_slice %arg14[%add3A_36, %dma_wait3A] : memref<10256x64xf32, #tpu.memory_space<vmem_shared>> -> memref<128x64xf32, #tpu.memory_space<vmem_shared>>
      %dma_wait3A_107 = arith.constant 0 : i32
      %dma_wait3A_108 = tpu.memref_slice %arg14[%add3A_36, %dma_wait3A_107] : memref<10256x64xf32, #tpu.memory_space<vmem_shared>> -> memref<128x64xf32, #tpu.memory_space<vmem_shared>>
      tpu.wait_dma2 semaphore(%run_scoped3A : memref<!tpu.dma_semaphore, #tpu.memory_space<semaphore_mem>>) src(%dma_wait3A_108 : memref<128x64xf32, #tpu.memory_space<vmem_shared>>) dst(%arg13 : memref<128x64xf32, #tpu.memory_space<vmem>>)
      tpu.yield
    }) : () -> ()
    %add3A_37 = arith.constant 0 : i32
    %add3A_38 = arith.addi %mul3A_8, %add3A_37 : i32
    "tpu.region"() ({
      %run_scoped3A = tpu.sem_alloc : memref<!tpu.dma_semaphore, #tpu.memory_space<semaphore_mem>>
      %dma_start3A = arith.constant 0 : i32
      %dma_start3A_103 = tpu.memref_slice %arg6[%add3A_11, %add3A_38, %dma_start3A] : memref<4x10240x64xf32, #tpu.memory_space<hbm>> -> memref<1x128x64xf32, #tpu.memory_space<hbm>>
      %dma_start3A_104 = tpu.memref_squeeze %dma_start3A_103 : memref<1x128x64xf32, #tpu.memory_space<hbm>> -> memref<128x64xf32, #tpu.memory_space<hbm>>
      %dma_start3A_105 = arith.constant 0 : i32
      %dma_start3A_106 = tpu.memref_slice %arg6[%add3A_11, %add3A_38, %dma_start3A_105] : memref<4x10240x64xf32, #tpu.memory_space<hbm>> -> memref<1x128x64xf32, #tpu.memory_space<hbm>>
      %dma_start3A_107 = tpu.memref_squeeze %dma_start3A_106 : memref<1x128x64xf32, #tpu.memory_space<hbm>> -> memref<128x64xf32, #tpu.memory_space<hbm>>
      tpu.enqueue_dma source(%arg13 : memref<128x64xf32, #tpu.memory_space<vmem>>) target(%dma_start3A_107 : memref<128x64xf32, #tpu.memory_space<hbm>>) target_semaphore(%run_scoped3A : memref<!tpu.dma_semaphore, #tpu.memory_space<semaphore_mem>>)
      %dma_wait3A = arith.constant 0 : i32
      %dma_wait3A_108 = tpu.memref_slice %arg6[%add3A_11, %add3A_38, %dma_wait3A] : memref<4x10240x64xf32, #tpu.memory_space<hbm>> -> memref<1x128x64xf32, #tpu.memory_space<hbm>>
      %dma_wait3A_109 = tpu.memref_squeeze %dma_wait3A_108 : memref<1x128x64xf32, #tpu.memory_space<hbm>> -> memref<128x64xf32, #tpu.memory_space<hbm>>
      %dma_wait3A_110 = arith.constant 0 : i32
      %dma_wait3A_111 = tpu.memref_slice %arg6[%add3A_11, %add3A_38, %dma_wait3A_110] : memref<4x10240x64xf32, #tpu.memory_space<hbm>> -> memref<1x128x64xf32, #tpu.memory_space<hbm>>
      %dma_wait3A_112 = tpu.memref_squeeze %dma_wait3A_111 : memref<1x128x64xf32, #tpu.memory_space<hbm>> -> memref<128x64xf32, #tpu.memory_space<hbm>>
      tpu.wait_dma2 semaphore(%run_scoped3A : memref<!tpu.dma_semaphore, #tpu.memory_space<semaphore_mem>>) src(%arg13 : memref<128x64xf32, #tpu.memory_space<vmem>>) dst(%dma_wait3A_112 : memref<128x64xf32, #tpu.memory_space<hbm>>)
      tpu.yield
    }) : () -> ()
    %add3A_39 = arith.constant 128 : i32
    %add3A_40 = arith.addi %mul3A_8, %add3A_39 : i32
    "tpu.region"() ({
      %run_scoped3A = tpu.sem_alloc : memref<!tpu.dma_semaphore, #tpu.memory_space<semaphore_mem>>
      %dma_start3A = arith.constant 0 : i32
      %dma_start3A_103 = tpu.memref_slice %arg14[%add3A_40, %dma_start3A] : memref<10256x64xf32, #tpu.memory_space<vmem_shared>> -> memref<128x64xf32, #tpu.memory_space<vmem_shared>>
      %dma_start3A_104 = arith.constant 0 : i32
      %dma_start3A_105 = tpu.memref_slice %arg14[%add3A_40, %dma_start3A_104] : memref<10256x64xf32, #tpu.memory_space<vmem_shared>> -> memref<128x64xf32, #tpu.memory_space<vmem_shared>>
      tpu.enqueue_dma source(%dma_start3A_105 : memref<128x64xf32, #tpu.memory_space<vmem_shared>>) target(%arg13 : memref<128x64xf32, #tpu.memory_space<vmem>>) target_semaphore(%run_scoped3A : memref<!tpu.dma_semaphore, #tpu.memory_space<semaphore_mem>>)
      %dma_wait3A = arith.constant 0 : i32
      %dma_wait3A_106 = tpu.memref_slice %arg14[%add3A_40, %dma_wait3A] : memref<10256x64xf32, #tpu.memory_space<vmem_shared>> -> memref<128x64xf32, #tpu.memory_space<vmem_shared>>
      %dma_wait3A_107 = arith.constant 0 : i32
      %dma_wait3A_108 = tpu.memref_slice %arg14[%add3A_40, %dma_wait3A_107] : memref<10256x64xf32, #tpu.memory_space<vmem_shared>> -> memref<128x64xf32, #tpu.memory_space<vmem_shared>>
      tpu.wait_dma2 semaphore(%run_scoped3A : memref<!tpu.dma_semaphore, #tpu.memory_space<semaphore_mem>>) src(%dma_wait3A_108 : memref<128x64xf32, #tpu.memory_space<vmem_shared>>) dst(%arg13 : memref<128x64xf32, #tpu.memory_space<vmem>>)
      tpu.yield
    }) : () -> ()
    %add3A_41 = arith.constant 128 : i32
    %add3A_42 = arith.addi %mul3A_8, %add3A_41 : i32
    "tpu.region"() ({
      %run_scoped3A = tpu.sem_alloc : memref<!tpu.dma_semaphore, #tpu.memory_space<semaphore_mem>>
      %dma_start3A = arith.constant 0 : i32
      %dma_start3A_103 = tpu.memref_slice %arg6[%add3A_11, %add3A_42, %dma_start3A] : memref<4x10240x64xf32, #tpu.memory_space<hbm>> -> memref<1x128x64xf32, #tpu.memory_space<hbm>>
      %dma_start3A_104 = tpu.memref_squeeze %dma_start3A_103 : memref<1x128x64xf32, #tpu.memory_space<hbm>> -> memref<128x64xf32, #tpu.memory_space<hbm>>
      %dma_start3A_105 = arith.constant 0 : i32
      %dma_start3A_106 = tpu.memref_slice %arg6[%add3A_11, %add3A_42, %dma_start3A_105] : memref<4x10240x64xf32, #tpu.memory_space<hbm>> -> memref<1x128x64xf32, #tpu.memory_space<hbm>>
      %dma_start3A_107 = tpu.memref_squeeze %dma_start3A_106 : memref<1x128x64xf32, #tpu.memory_space<hbm>> -> memref<128x64xf32, #tpu.memory_space<hbm>>
      tpu.enqueue_dma source(%arg13 : memref<128x64xf32, #tpu.memory_space<vmem>>) target(%dma_start3A_107 : memref<128x64xf32, #tpu.memory_space<hbm>>) target_semaphore(%run_scoped3A : memref<!tpu.dma_semaphore, #tpu.memory_space<semaphore_mem>>)
      %dma_wait3A = arith.constant 0 : i32
      %dma_wait3A_108 = tpu.memref_slice %arg6[%add3A_11, %add3A_42, %dma_wait3A] : memref<4x10240x64xf32, #tpu.memory_space<hbm>> -> memref<1x128x64xf32, #tpu.memory_space<hbm>>
      %dma_wait3A_109 = tpu.memref_squeeze %dma_wait3A_108 : memref<1x128x64xf32, #tpu.memory_space<hbm>> -> memref<128x64xf32, #tpu.memory_space<hbm>>
      %dma_wait3A_110 = arith.constant 0 : i32
      %dma_wait3A_111 = tpu.memref_slice %arg6[%add3A_11, %add3A_42, %dma_wait3A_110] : memref<4x10240x64xf32, #tpu.memory_space<hbm>> -> memref<1x128x64xf32, #tpu.memory_space<hbm>>
      %dma_wait3A_112 = tpu.memref_squeeze %dma_wait3A_111 : memref<1x128x64xf32, #tpu.memory_space<hbm>> -> memref<128x64xf32, #tpu.memory_space<hbm>>
      tpu.wait_dma2 semaphore(%run_scoped3A : memref<!tpu.dma_semaphore, #tpu.memory_space<semaphore_mem>>) src(%arg13 : memref<128x64xf32, #tpu.memory_space<vmem>>) dst(%dma_wait3A_112 : memref<128x64xf32, #tpu.memory_space<hbm>>)
      tpu.yield
    }) : () -> ()
    %add3A_43 = arith.constant 256 : i32
    %add3A_44 = arith.addi %mul3A_8, %add3A_43 : i32
    "tpu.region"() ({
      %run_scoped3A = tpu.sem_alloc : memref<!tpu.dma_semaphore, #tpu.memory_space<semaphore_mem>>
      %dma_start3A = arith.constant 0 : i32
      %dma_start3A_103 = tpu.memref_slice %arg14[%add3A_44, %dma_start3A] : memref<10256x64xf32, #tpu.memory_space<vmem_shared>> -> memref<128x64xf32, #tpu.memory_space<vmem_shared>>
      %dma_start3A_104 = arith.constant 0 : i32
      %dma_start3A_105 = tpu.memref_slice %arg14[%add3A_44, %dma_start3A_104] : memref<10256x64xf32, #tpu.memory_space<vmem_shared>> -> memref<128x64xf32, #tpu.memory_space<vmem_shared>>
      tpu.enqueue_dma source(%dma_start3A_105 : memref<128x64xf32, #tpu.memory_space<vmem_shared>>) target(%arg13 : memref<128x64xf32, #tpu.memory_space<vmem>>) target_semaphore(%run_scoped3A : memref<!tpu.dma_semaphore, #tpu.memory_space<semaphore_mem>>)
      %dma_wait3A = arith.constant 0 : i32
      %dma_wait3A_106 = tpu.memref_slice %arg14[%add3A_44, %dma_wait3A] : memref<10256x64xf32, #tpu.memory_space<vmem_shared>> -> memref<128x64xf32, #tpu.memory_space<vmem_shared>>
      %dma_wait3A_107 = arith.constant 0 : i32
      %dma_wait3A_108 = tpu.memref_slice %arg14[%add3A_44, %dma_wait3A_107] : memref<10256x64xf32, #tpu.memory_space<vmem_shared>> -> memref<128x64xf32, #tpu.memory_space<vmem_shared>>
      tpu.wait_dma2 semaphore(%run_scoped3A : memref<!tpu.dma_semaphore, #tpu.memory_space<semaphore_mem>>) src(%dma_wait3A_108 : memref<128x64xf32, #tpu.memory_space<vmem_shared>>) dst(%arg13 : memref<128x64xf32, #tpu.memory_space<vmem>>)
      tpu.yield
    }) : () -> ()
    %add3A_45 = arith.constant 256 : i32
    %add3A_46 = arith.addi %mul3A_8, %add3A_45 : i32
    "tpu.region"() ({
      %run_scoped3A = tpu.sem_alloc : memref<!tpu.dma_semaphore, #tpu.memory_space<semaphore_mem>>
      %dma_start3A = arith.constant 0 : i32
      %dma_start3A_103 = tpu.memref_slice %arg6[%add3A_11, %add3A_46, %dma_start3A] : memref<4x10240x64xf32, #tpu.memory_space<hbm>> -> memref<1x128x64xf32, #tpu.memory_space<hbm>>
      %dma_start3A_104 = tpu.memref_squeeze %dma_start3A_103 : memref<1x128x64xf32, #tpu.memory_space<hbm>> -> memref<128x64xf32, #tpu.memory_space<hbm>>
      %dma_start3A_105 = arith.constant 0 : i32
      %dma_start3A_106 = tpu.memref_slice %arg6[%add3A_11, %add3A_46, %dma_start3A_105] : memref<4x10240x64xf32, #tpu.memory_space<hbm>> -> memref<1x128x64xf32, #tpu.memory_space<hbm>>
      %dma_start3A_107 = tpu.memref_squeeze %dma_start3A_106 : memref<1x128x64xf32, #tpu.memory_space<hbm>> -> memref<128x64xf32, #tpu.memory_space<hbm>>
      tpu.enqueue_dma source(%arg13 : memref<128x64xf32, #tpu.memory_space<vmem>>) target(%dma_start3A_107 : memref<128x64xf32, #tpu.memory_space<hbm>>) target_semaphore(%run_scoped3A : memref<!tpu.dma_semaphore, #tpu.memory_space<semaphore_mem>>)
      %dma_wait3A = arith.constant 0 : i32
      %dma_wait3A_108 = tpu.memref_slice %arg6[%add3A_11, %add3A_46, %dma_wait3A] : memref<4x10240x64xf32, #tpu.memory_space<hbm>> -> memref<1x128x64xf32, #tpu.memory_space<hbm>>
      %dma_wait3A_109 = tpu.memref_squeeze %dma_wait3A_108 : memref<1x128x64xf32, #tpu.memory_space<hbm>> -> memref<128x64xf32, #tpu.memory_space<hbm>>
      %dma_wait3A_110 = arith.constant 0 : i32
      %dma_wait3A_111 = tpu.memref_slice %arg6[%add3A_11, %add3A_46, %dma_wait3A_110] : memref<4x10240x64xf32, #tpu.memory_space<hbm>> -> memref<1x128x64xf32, #tpu.memory_space<hbm>>
      %dma_wait3A_112 = tpu.memref_squeeze %dma_wait3A_111 : memref<1x128x64xf32, #tpu.memory_space<hbm>> -> memref<128x64xf32, #tpu.memory_space<hbm>>
      tpu.wait_dma2 semaphore(%run_scoped3A : memref<!tpu.dma_semaphore, #tpu.memory_space<semaphore_mem>>) src(%arg13 : memref<128x64xf32, #tpu.memory_space<vmem>>) dst(%dma_wait3A_112 : memref<128x64xf32, #tpu.memory_space<hbm>>)
      tpu.yield
    }) : () -> ()
    %add3A_47 = arith.constant 384 : i32
    %add3A_48 = arith.addi %mul3A_8, %add3A_47 : i32
    "tpu.region"() ({
      %run_scoped3A = tpu.sem_alloc : memref<!tpu.dma_semaphore, #tpu.memory_space<semaphore_mem>>
      %dma_start3A = arith.constant 0 : i32
      %dma_start3A_103 = tpu.memref_slice %arg14[%add3A_48, %dma_start3A] : memref<10256x64xf32, #tpu.memory_space<vmem_shared>> -> memref<128x64xf32, #tpu.memory_space<vmem_shared>>
      %dma_start3A_104 = arith.constant 0 : i32
      %dma_start3A_105 = tpu.memref_slice %arg14[%add3A_48, %dma_start3A_104] : memref<10256x64xf32, #tpu.memory_space<vmem_shared>> -> memref<128x64xf32, #tpu.memory_space<vmem_shared>>
      tpu.enqueue_dma source(%dma_start3A_105 : memref<128x64xf32, #tpu.memory_space<vmem_shared>>) target(%arg13 : memref<128x64xf32, #tpu.memory_space<vmem>>) target_semaphore(%run_scoped3A : memref<!tpu.dma_semaphore, #tpu.memory_space<semaphore_mem>>)
      %dma_wait3A = arith.constant 0 : i32
      %dma_wait3A_106 = tpu.memref_slice %arg14[%add3A_48, %dma_wait3A] : memref<10256x64xf32, #tpu.memory_space<vmem_shared>> -> memref<128x64xf32, #tpu.memory_space<vmem_shared>>
      %dma_wait3A_107 = arith.constant 0 : i32
      %dma_wait3A_108 = tpu.memref_slice %arg14[%add3A_48, %dma_wait3A_107] : memref<10256x64xf32, #tpu.memory_space<vmem_shared>> -> memref<128x64xf32, #tpu.memory_space<vmem_shared>>
      tpu.wait_dma2 semaphore(%run_scoped3A : memref<!tpu.dma_semaphore, #tpu.memory_space<semaphore_mem>>) src(%dma_wait3A_108 : memref<128x64xf32, #tpu.memory_space<vmem_shared>>) dst(%arg13 : memref<128x64xf32, #tpu.memory_space<vmem>>)
      tpu.yield
    }) : () -> ()
    %add3A_49 = arith.constant 384 : i32
    %add3A_50 = arith.addi %mul3A_8, %add3A_49 : i32
    "tpu.region"() ({
      %run_scoped3A = tpu.sem_alloc : memref<!tpu.dma_semaphore, #tpu.memory_space<semaphore_mem>>
      %dma_start3A = arith.constant 0 : i32
      %dma_start3A_103 = tpu.memref_slice %arg6[%add3A_11, %add3A_50, %dma_start3A] : memref<4x10240x64xf32, #tpu.memory_space<hbm>> -> memref<1x128x64xf32, #tpu.memory_space<hbm>>
      %dma_start3A_104 = tpu.memref_squeeze %dma_start3A_103 : memref<1x128x64xf32, #tpu.memory_space<hbm>> -> memref<128x64xf32, #tpu.memory_space<hbm>>
      %dma_start3A_105 = arith.constant 0 : i32
      %dma_start3A_106 = tpu.memref_slice %arg6[%add3A_11, %add3A_50, %dma_start3A_105] : memref<4x10240x64xf32, #tpu.memory_space<hbm>> -> memref<1x128x64xf32, #tpu.memory_space<hbm>>
      %dma_start3A_107 = tpu.memref_squeeze %dma_start3A_106 : memref<1x128x64xf32, #tpu.memory_space<hbm>> -> memref<128x64xf32, #tpu.memory_space<hbm>>
      tpu.enqueue_dma source(%arg13 : memref<128x64xf32, #tpu.memory_space<vmem>>) target(%dma_start3A_107 : memref<128x64xf32, #tpu.memory_space<hbm>>) target_semaphore(%run_scoped3A : memref<!tpu.dma_semaphore, #tpu.memory_space<semaphore_mem>>)
      %dma_wait3A = arith.constant 0 : i32
      %dma_wait3A_108 = tpu.memref_slice %arg6[%add3A_11, %add3A_50, %dma_wait3A] : memref<4x10240x64xf32, #tpu.memory_space<hbm>> -> memref<1x128x64xf32, #tpu.memory_space<hbm>>
      %dma_wait3A_109 = tpu.memref_squeeze %dma_wait3A_108 : memref<1x128x64xf32, #tpu.memory_space<hbm>> -> memref<128x64xf32, #tpu.memory_space<hbm>>
      %dma_wait3A_110 = arith.constant 0 : i32
      %dma_wait3A_111 = tpu.memref_slice %arg6[%add3A_11, %add3A_50, %dma_wait3A_110] : memref<4x10240x64xf32, #tpu.memory_space<hbm>> -> memref<1x128x64xf32, #tpu.memory_space<hbm>>
      %dma_wait3A_112 = tpu.memref_squeeze %dma_wait3A_111 : memref<1x128x64xf32, #tpu.memory_space<hbm>> -> memref<128x64xf32, #tpu.memory_space<hbm>>
      tpu.wait_dma2 semaphore(%run_scoped3A : memref<!tpu.dma_semaphore, #tpu.memory_space<semaphore_mem>>) src(%arg13 : memref<128x64xf32, #tpu.memory_space<vmem>>) dst(%dma_wait3A_112 : memref<128x64xf32, #tpu.memory_space<hbm>>)
      tpu.yield
    }) : () -> ()
    %add3A_51 = arith.constant 512 : i32
    %add3A_52 = arith.addi %mul3A_8, %add3A_51 : i32
    "tpu.region"() ({
      %run_scoped3A = tpu.sem_alloc : memref<!tpu.dma_semaphore, #tpu.memory_space<semaphore_mem>>
      %dma_start3A = arith.constant 0 : i32
      %dma_start3A_103 = tpu.memref_slice %arg14[%add3A_52, %dma_start3A] : memref<10256x64xf32, #tpu.memory_space<vmem_shared>> -> memref<128x64xf32, #tpu.memory_space<vmem_shared>>
      %dma_start3A_104 = arith.constant 0 : i32
      %dma_start3A_105 = tpu.memref_slice %arg14[%add3A_52, %dma_start3A_104] : memref<10256x64xf32, #tpu.memory_space<vmem_shared>> -> memref<128x64xf32, #tpu.memory_space<vmem_shared>>
      tpu.enqueue_dma source(%dma_start3A_105 : memref<128x64xf32, #tpu.memory_space<vmem_shared>>) target(%arg13 : memref<128x64xf32, #tpu.memory_space<vmem>>) target_semaphore(%run_scoped3A : memref<!tpu.dma_semaphore, #tpu.memory_space<semaphore_mem>>)
      %dma_wait3A = arith.constant 0 : i32
      %dma_wait3A_106 = tpu.memref_slice %arg14[%add3A_52, %dma_wait3A] : memref<10256x64xf32, #tpu.memory_space<vmem_shared>> -> memref<128x64xf32, #tpu.memory_space<vmem_shared>>
      %dma_wait3A_107 = arith.constant 0 : i32
      %dma_wait3A_108 = tpu.memref_slice %arg14[%add3A_52, %dma_wait3A_107] : memref<10256x64xf32, #tpu.memory_space<vmem_shared>> -> memref<128x64xf32, #tpu.memory_space<vmem_shared>>
      tpu.wait_dma2 semaphore(%run_scoped3A : memref<!tpu.dma_semaphore, #tpu.memory_space<semaphore_mem>>) src(%dma_wait3A_108 : memref<128x64xf32, #tpu.memory_space<vmem_shared>>) dst(%arg13 : memref<128x64xf32, #tpu.memory_space<vmem>>)
      tpu.yield
    }) : () -> ()
    %add3A_53 = arith.constant 512 : i32
    %add3A_54 = arith.addi %mul3A_8, %add3A_53 : i32
    "tpu.region"() ({
      %run_scoped3A = tpu.sem_alloc : memref<!tpu.dma_semaphore, #tpu.memory_space<semaphore_mem>>
      %dma_start3A = arith.constant 0 : i32
      %dma_start3A_103 = tpu.memref_slice %arg6[%add3A_11, %add3A_54, %dma_start3A] : memref<4x10240x64xf32, #tpu.memory_space<hbm>> -> memref<1x128x64xf32, #tpu.memory_space<hbm>>
      %dma_start3A_104 = tpu.memref_squeeze %dma_start3A_103 : memref<1x128x64xf32, #tpu.memory_space<hbm>> -> memref<128x64xf32, #tpu.memory_space<hbm>>
      %dma_start3A_105 = arith.constant 0 : i32
      %dma_start3A_106 = tpu.memref_slice %arg6[%add3A_11, %add3A_54, %dma_start3A_105] : memref<4x10240x64xf32, #tpu.memory_space<hbm>> -> memref<1x128x64xf32, #tpu.memory_space<hbm>>
      %dma_start3A_107 = tpu.memref_squeeze %dma_start3A_106 : memref<1x128x64xf32, #tpu.memory_space<hbm>> -> memref<128x64xf32, #tpu.memory_space<hbm>>
      tpu.enqueue_dma source(%arg13 : memref<128x64xf32, #tpu.memory_space<vmem>>) target(%dma_start3A_107 : memref<128x64xf32, #tpu.memory_space<hbm>>) target_semaphore(%run_scoped3A : memref<!tpu.dma_semaphore, #tpu.memory_space<semaphore_mem>>)
      %dma_wait3A = arith.constant 0 : i32
      %dma_wait3A_108 = tpu.memref_slice %arg6[%add3A_11, %add3A_54, %dma_wait3A] : memref<4x10240x64xf32, #tpu.memory_space<hbm>> -> memref<1x128x64xf32, #tpu.memory_space<hbm>>
      %dma_wait3A_109 = tpu.memref_squeeze %dma_wait3A_108 : memref<1x128x64xf32, #tpu.memory_space<hbm>> -> memref<128x64xf32, #tpu.memory_space<hbm>>
      %dma_wait3A_110 = arith.constant 0 : i32
      %dma_wait3A_111 = tpu.memref_slice %arg6[%add3A_11, %add3A_54, %dma_wait3A_110] : memref<4x10240x64xf32, #tpu.memory_space<hbm>> -> memref<1x128x64xf32, #tpu.memory_space<hbm>>
      %dma_wait3A_112 = tpu.memref_squeeze %dma_wait3A_111 : memref<1x128x64xf32, #tpu.memory_space<hbm>> -> memref<128x64xf32, #tpu.memory_space<hbm>>
      tpu.wait_dma2 semaphore(%run_scoped3A : memref<!tpu.dma_semaphore, #tpu.memory_space<semaphore_mem>>) src(%arg13 : memref<128x64xf32, #tpu.memory_space<vmem>>) dst(%dma_wait3A_112 : memref<128x64xf32, #tpu.memory_space<hbm>>)
      tpu.yield
    }) : () -> ()
    %mul3A_55 = arith.constant 2 : i32
    %mul3A_56 = arith.muli %mul3A_55, %arg0 : i32
    %add3A_57 = arith.constant 1 : i32
    %add3A_58 = arith.addi %mul3A_56, %add3A_57 : i32
    %scan3A_59 = arith.constant 0 : i32
    %scan3A_60 = arith.constant 0 : i32
    %scan3A_61 = arith.constant 128 : i32
    %scan3A_62 = arith.addi %scan3A_60, %scan3A_61 : i32
    %scan3A_63 = arith.constant 1 : i32
    scf.for %scan3A_103 = %scan3A_60 to %scan3A_62 step %scan3A_63  : i32 {
      %swap3A = arith.index_cast %scan3A_103 : i32 to index
      %swap3A_104 = arith.constant 0 : index
      %swap3A_105 = tpu.vector_load %arg13[%swap3A, %swap3A_104] {strides = array<i32>} : memref<128x64xf32, #tpu.memory_space<vmem>>, vector<1x16xf32>,
      %swap3A_106 = vector.shape_cast %swap3A_105 : vector<1x16xf32> to vector<16xf32>
      %swap3A_107 = vector.shape_cast %broadcast_in_dim3A_1 : vector<16xf32> to vector<1x16xf32>
      tpu.vector_store %arg13[%swap3A, %swap3A_104], %swap3A_107 {strides = array<i32>} : memref<128x64xf32, #tpu.memory_space<vmem>>, vector<1x16xf32>,
      %swap3A_108 = arith.index_cast %scan3A_103 : i32 to index
      %swap3A_109 = arith.constant 16 : index
      %swap3A_110 = tpu.vector_load %arg13[%swap3A_108, %swap3A_109] {strides = array<i32>} : memref<128x64xf32, #tpu.memory_space<vmem>>, vector<1x16xf32>,
      %swap3A_111 = vector.shape_cast %swap3A_110 : vector<1x16xf32> to vector<16xf32>
      %swap3A_112 = vector.shape_cast %broadcast_in_dim3A_1 : vector<16xf32> to vector<1x16xf32>
      tpu.vector_store %arg13[%swap3A_108, %swap3A_109], %swap3A_112 {strides = array<i32>} : memref<128x64xf32, #tpu.memory_space<vmem>>, vector<1x16xf32>,
      %swap3A_113 = arith.index_cast %scan3A_103 : i32 to index
      %swap3A_114 = arith.constant 32 : index
      %swap3A_115 = tpu.vector_load %arg13[%swap3A_113, %swap3A_114] {strides = array<i32>} : memref<128x64xf32, #tpu.memory_space<vmem>>, vector<1x16xf32>,
      %swap3A_116 = vector.shape_cast %swap3A_115 : vector<1x16xf32> to vector<16xf32>
      %swap3A_117 = vector.shape_cast %broadcast_in_dim3A_1 : vector<16xf32> to vector<1x16xf32>
      tpu.vector_store %arg13[%swap3A_113, %swap3A_114], %swap3A_117 {strides = array<i32>} : memref<128x64xf32, #tpu.memory_space<vmem>>, vector<1x16xf32>,
      %swap3A_118 = arith.index_cast %scan3A_103 : i32 to index
      %swap3A_119 = arith.constant 48 : index
      %swap3A_120 = tpu.vector_load %arg13[%swap3A_118, %swap3A_119] {strides = array<i32>} : memref<128x64xf32, #tpu.memory_space<vmem>>, vector<1x16xf32>,
      %swap3A_121 = vector.shape_cast %swap3A_120 : vector<1x16xf32> to vector<16xf32>
      %swap3A_122 = vector.shape_cast %broadcast_in_dim3A_1 : vector<16xf32> to vector<1x16xf32>
      tpu.vector_store %arg13[%swap3A_118, %swap3A_119], %swap3A_122 {strides = array<i32>} : memref<128x64xf32, #tpu.memory_space<vmem>>, vector<1x16xf32>,
    }
    %scan3A_64 = arith.constant 128 : i32
    %add3A_65 = arith.constant 0 : i32
    %add3A_66 = arith.addi %mul3A_8, %add3A_65 : i32
    "tpu.region"() ({
      %run_scoped3A = tpu.sem_alloc : memref<!tpu.dma_semaphore, #tpu.memory_space<semaphore_mem>>
      %dma_start3A = arith.constant 0 : i32
      %dma_start3A_103 = tpu.memref_slice %arg14[%add3A_66, %dma_start3A] : memref<10256x64xf32, #tpu.memory_space<vmem_shared>> -> memref<128x64xf32, #tpu.memory_space<vmem_shared>>
      %dma_start3A_104 = arith.constant 0 : i32
      %dma_start3A_105 = tpu.memref_slice %arg14[%add3A_66, %dma_start3A_104] : memref<10256x64xf32, #tpu.memory_space<vmem_shared>> -> memref<128x64xf32, #tpu.memory_space<vmem_shared>>
      tpu.enqueue_dma source(%arg13 : memref<128x64xf32, #tpu.memory_space<vmem>>) target(%dma_start3A_105 : memref<128x64xf32, #tpu.memory_space<vmem_shared>>) target_semaphore(%run_scoped3A : memref<!tpu.dma_semaphore, #tpu.memory_space<semaphore_mem>>)
      %dma_wait3A = arith.constant 0 : i32
      %dma_wait3A_106 = tpu.memref_slice %arg14[%add3A_66, %dma_wait3A] : memref<10256x64xf32, #tpu.memory_space<vmem_shared>> -> memref<128x64xf32, #tpu.memory_space<vmem_shared>>
      %dma_wait3A_107 = arith.constant 0 : i32
      %dma_wait3A_108 = tpu.memref_slice %arg14[%add3A_66, %dma_wait3A_107] : memref<10256x64xf32, #tpu.memory_space<vmem_shared>> -> memref<128x64xf32, #tpu.memory_space<vmem_shared>>
      tpu.wait_dma2 semaphore(%run_scoped3A : memref<!tpu.dma_semaphore, #tpu.memory_space<semaphore_mem>>) src(%arg13 : memref<128x64xf32, #tpu.memory_space<vmem>>) dst(%dma_wait3A_108 : memref<128x64xf32, #tpu.memory_space<vmem_shared>>)
      tpu.yield
    }) : () -> ()
    %add3A_67 = arith.constant 128 : i32
    %add3A_68 = arith.addi %mul3A_8, %add3A_67 : i32
    "tpu.region"() ({
      %run_scoped3A = tpu.sem_alloc : memref<!tpu.dma_semaphore, #tpu.memory_space<semaphore_mem>>
      %dma_start3A = arith.constant 0 : i32
      %dma_start3A_103 = tpu.memref_slice %arg14[%add3A_68, %dma_start3A] : memref<10256x64xf32, #tpu.memory_space<vmem_shared>> -> memref<128x64xf32, #tpu.memory_space<vmem_shared>>
      %dma_start3A_104 = arith.constant 0 : i32
      %dma_start3A_105 = tpu.memref_slice %arg14[%add3A_68, %dma_start3A_104] : memref<10256x64xf32, #tpu.memory_space<vmem_shared>> -> memref<128x64xf32, #tpu.memory_space<vmem_shared>>
      tpu.enqueue_dma source(%arg13 : memref<128x64xf32, #tpu.memory_space<vmem>>) target(%dma_start3A_105 : memref<128x64xf32, #tpu.memory_space<vmem_shared>>) target_semaphore(%run_scoped3A : memref<!tpu.dma_semaphore, #tpu.memory_space<semaphore_mem>>)
      %dma_wait3A = arith.constant 0 : i32
      %dma_wait3A_106 = tpu.memref_slice %arg14[%add3A_68, %dma_wait3A] : memref<10256x64xf32, #tpu.memory_space<vmem_shared>> -> memref<128x64xf32, #tpu.memory_space<vmem_shared>>
      %dma_wait3A_107 = arith.constant 0 : i32
      %dma_wait3A_108 = tpu.memref_slice %arg14[%add3A_68, %dma_wait3A_107] : memref<10256x64xf32, #tpu.memory_space<vmem_shared>> -> memref<128x64xf32, #tpu.memory_space<vmem_shared>>
      tpu.wait_dma2 semaphore(%run_scoped3A : memref<!tpu.dma_semaphore, #tpu.memory_space<semaphore_mem>>) src(%arg13 : memref<128x64xf32, #tpu.memory_space<vmem>>) dst(%dma_wait3A_108 : memref<128x64xf32, #tpu.memory_space<vmem_shared>>)
      tpu.yield
    }) : () -> ()
    %add3A_69 = arith.constant 256 : i32
    %add3A_70 = arith.addi %mul3A_8, %add3A_69 : i32
    "tpu.region"() ({
      %run_scoped3A = tpu.sem_alloc : memref<!tpu.dma_semaphore, #tpu.memory_space<semaphore_mem>>
      %dma_start3A = arith.constant 0 : i32
      %dma_start3A_103 = tpu.memref_slice %arg14[%add3A_70, %dma_start3A] : memref<10256x64xf32, #tpu.memory_space<vmem_shared>> -> memref<128x64xf32, #tpu.memory_space<vmem_shared>>
      %dma_start3A_104 = arith.constant 0 : i32
      %dma_start3A_105 = tpu.memref_slice %arg14[%add3A_70, %dma_start3A_104] : memref<10256x64xf32, #tpu.memory_space<vmem_shared>> -> memref<128x64xf32, #tpu.memory_space<vmem_shared>>
      tpu.enqueue_dma source(%arg13 : memref<128x64xf32, #tpu.memory_space<vmem>>) target(%dma_start3A_105 : memref<128x64xf32, #tpu.memory_space<vmem_shared>>) target_semaphore(%run_scoped3A : memref<!tpu.dma_semaphore, #tpu.memory_space<semaphore_mem>>)
      %dma_wait3A = arith.constant 0 : i32
      %dma_wait3A_106 = tpu.memref_slice %arg14[%add3A_70, %dma_wait3A] : memref<10256x64xf32, #tpu.memory_space<vmem_shared>> -> memref<128x64xf32, #tpu.memory_space<vmem_shared>>
      %dma_wait3A_107 = arith.constant 0 : i32
      %dma_wait3A_108 = tpu.memref_slice %arg14[%add3A_70, %dma_wait3A_107] : memref<10256x64xf32, #tpu.memory_space<vmem_shared>> -> memref<128x64xf32, #tpu.memory_space<vmem_shared>>
      tpu.wait_dma2 semaphore(%run_scoped3A : memref<!tpu.dma_semaphore, #tpu.memory_space<semaphore_mem>>) src(%arg13 : memref<128x64xf32, #tpu.memory_space<vmem>>) dst(%dma_wait3A_108 : memref<128x64xf32, #tpu.memory_space<vmem_shared>>)
      tpu.yield
    }) : () -> ()
    %add3A_71 = arith.constant 384 : i32
    %add3A_72 = arith.addi %mul3A_8, %add3A_71 : i32
    "tpu.region"() ({
      %run_scoped3A = tpu.sem_alloc : memref<!tpu.dma_semaphore, #tpu.memory_space<semaphore_mem>>
      %dma_start3A = arith.constant 0 : i32
      %dma_start3A_103 = tpu.memref_slice %arg14[%add3A_72, %dma_start3A] : memref<10256x64xf32, #tpu.memory_space<vmem_shared>> -> memref<128x64xf32, #tpu.memory_space<vmem_shared>>
      %dma_start3A_104 = arith.constant 0 : i32
      %dma_start3A_105 = tpu.memref_slice %arg14[%add3A_72, %dma_start3A_104] : memref<10256x64xf32, #tpu.memory_space<vmem_shared>> -> memref<128x64xf32, #tpu.memory_space<vmem_shared>>
      tpu.enqueue_dma source(%arg13 : memref<128x64xf32, #tpu.memory_space<vmem>>) target(%dma_start3A_105 : memref<128x64xf32, #tpu.memory_space<vmem_shared>>) target_semaphore(%run_scoped3A : memref<!tpu.dma_semaphore, #tpu.memory_space<semaphore_mem>>)
      %dma_wait3A = arith.constant 0 : i32
      %dma_wait3A_106 = tpu.memref_slice %arg14[%add3A_72, %dma_wait3A] : memref<10256x64xf32, #tpu.memory_space<vmem_shared>> -> memref<128x64xf32, #tpu.memory_space<vmem_shared>>
      %dma_wait3A_107 = arith.constant 0 : i32
      %dma_wait3A_108 = tpu.memref_slice %arg14[%add3A_72, %dma_wait3A_107] : memref<10256x64xf32, #tpu.memory_space<vmem_shared>> -> memref<128x64xf32, #tpu.memory_space<vmem_shared>>
      tpu.wait_dma2 semaphore(%run_scoped3A : memref<!tpu.dma_semaphore, #tpu.memory_space<semaphore_mem>>) src(%arg13 : memref<128x64xf32, #tpu.memory_space<vmem>>) dst(%dma_wait3A_108 : memref<128x64xf32, #tpu.memory_space<vmem_shared>>)
      tpu.yield
    }) : () -> ()
    %add3A_73 = arith.constant 512 : i32
    %add3A_74 = arith.addi %mul3A_8, %add3A_73 : i32
    "tpu.region"() ({
      %run_scoped3A = tpu.sem_alloc : memref<!tpu.dma_semaphore, #tpu.memory_space<semaphore_mem>>
      %dma_start3A = arith.constant 0 : i32
      %dma_start3A_103 = tpu.memref_slice %arg14[%add3A_74, %dma_start3A] : memref<10256x64xf32, #tpu.memory_space<vmem_shared>> -> memref<128x64xf32, #tpu.memory_space<vmem_shared>>
      %dma_start3A_104 = arith.constant 0 : i32
      %dma_start3A_105 = tpu.memref_slice %arg14[%add3A_74, %dma_start3A_104] : memref<10256x64xf32, #tpu.memory_space<vmem_shared>> -> memref<128x64xf32, #tpu.memory_space<vmem_shared>>
      tpu.enqueue_dma source(%arg13 : memref<128x64xf32, #tpu.memory_space<vmem>>) target(%dma_start3A_105 : memref<128x64xf32, #tpu.memory_space<vmem_shared>>) target_semaphore(%run_scoped3A : memref<!tpu.dma_semaphore, #tpu.memory_space<semaphore_mem>>)
      %dma_wait3A = arith.constant 0 : i32
      %dma_wait3A_106 = tpu.memref_slice %arg14[%add3A_74, %dma_wait3A] : memref<10256x64xf32, #tpu.memory_space<vmem_shared>> -> memref<128x64xf32, #tpu.memory_space<vmem_shared>>
      %dma_wait3A_107 = arith.constant 0 : i32
      %dma_wait3A_108 = tpu.memref_slice %arg14[%add3A_74, %dma_wait3A_107] : memref<10256x64xf32, #tpu.memory_space<vmem_shared>> -> memref<128x64xf32, #tpu.memory_space<vmem_shared>>
      tpu.wait_dma2 semaphore(%run_scoped3A : memref<!tpu.dma_semaphore, #tpu.memory_space<semaphore_mem>>) src(%arg13 : memref<128x64xf32, #tpu.memory_space<vmem>>) dst(%dma_wait3A_108 : memref<128x64xf32, #tpu.memory_space<vmem_shared>>)
      tpu.yield
    }) : () -> ()
    %barrier3A_75 = arith.constant 0 : index
    tpu.barrier barrier_id(%barrier3A_75)
    %scan3A_76 = arith.constant 0 : i32
    %scan3A_77 = arith.constant 0 : i32
    %scan3A_78 = arith.constant 63 : i32
    %scan3A_79 = arith.addi %scan3A_77, %scan3A_78 : i32
    %scan3A_80 = arith.constant 1 : i32
    scf.for %scan3A_103 = %scan3A_77 to %scan3A_79 step %scan3A_80  : i32 {
      %dma_start3A = arith.constant 1 : i32
      %dma_start3A_104 = arith.constant 0 : i32
      %dma_start3A_105 = tpu.memref_slice %arg10[%dma_start3A, %scan3A_103, %dma_start3A_104] : memref<2x63x160xi32, #tpu.memory_space<vmem>> -> memref<1x1x160xi32, #tpu.memory_space<vmem>>
      %dma_start3A_106 = tpu.memref_squeeze %dma_start3A_105 : memref<1x1x160xi32, #tpu.memory_space<vmem>> -> memref<160xi32, #tpu.memory_space<vmem>>
      %dma_start3A_107 = arith.constant 0 : i32
      %dma_start3A_108 = arith.constant 0 : i32
      %dma_start3A_109 = tpu.memref_slice %arg2[%dma_start3A_107, %dma_start3A_108] : memref<160000x64xf32, #tpu.memory_space<hbm>> -> memref<160000x64xf32, #tpu.memory_space<hbm>>
      tpu.enqueue_indirect_dma source(%dma_start3A_109 : memref<160000x64xf32, #tpu.memory_space<hbm>>) target(%arg12 : memref<160x64xf32, #tpu.memory_space<vmem>>) offsets(%dma_start3A_106 : memref<160xi32, #tpu.memory_space<vmem>>) semaphore(%arg15 : memref<!tpu.dma_semaphore, #tpu.memory_space<semaphore_mem>>)
      %dma_wait3A = arith.constant 1 : i32
      %dma_wait3A_110 = arith.constant 0 : i32
      %dma_wait3A_111 = tpu.memref_slice %arg10[%dma_wait3A, %scan3A_103, %dma_wait3A_110] : memref<2x63x160xi32, #tpu.memory_space<vmem>> -> memref<1x1x160xi32, #tpu.memory_space<vmem>>
      %dma_wait3A_112 = tpu.memref_squeeze %dma_wait3A_111 : memref<1x1x160xi32, #tpu.memory_space<vmem>> -> memref<160xi32, #tpu.memory_space<vmem>>
      %dma_wait3A_113 = arith.constant 0 : i32
      %dma_wait3A_114 = arith.constant 0 : i32
      %dma_wait3A_115 = tpu.memref_slice %arg2[%dma_wait3A_113, %dma_wait3A_114] : memref<160000x64xf32, #tpu.memory_space<hbm>> -> memref<160000x64xf32, #tpu.memory_space<hbm>>
      tpu.wait_indirect_dma semaphore(%arg15 : memref<!tpu.dma_semaphore, #tpu.memory_space<semaphore_mem>>) src(%dma_wait3A_115 : memref<160000x64xf32, #tpu.memory_space<hbm>>) dst(%arg12 : memref<160x64xf32, #tpu.memory_space<vmem>>)
      "tpu.region"() ({
        %run_scoped3A = tpu.sem_alloc : memref<!tpu.dma_semaphore, #tpu.memory_space<semaphore_mem>>
        %dma_start3A_116 = arith.constant 0 : i32
        %dma_start3A_117 = tpu.memref_slice %arg11[%scan3A_103, %dma_start3A_116] : memref<63x160xi32, #tpu.memory_space<vmem>> -> memref<1x160xi32, #tpu.memory_space<vmem>>
        %dma_start3A_118 = tpu.memref_squeeze %dma_start3A_117 : memref<1x160xi32, #tpu.memory_space<vmem>> -> memref<160xi32, #tpu.memory_space<vmem>>
        %dma_start3A_119 = arith.constant 0 : i32
        %dma_start3A_120 = arith.constant 0 : i32
        %dma_start3A_121 = tpu.memref_slice %arg14[%dma_start3A_119, %dma_start3A_120] : memref<10256x64xf32, #tpu.memory_space<vmem_shared>> -> memref<10256x64xf32, #tpu.memory_space<vmem_shared>>
        tpu.enqueue_indirect_dma source(%arg12 : memref<160x64xf32, #tpu.memory_space<vmem>>) target(%dma_start3A_121 : memref<10256x64xf32, #tpu.memory_space<vmem_shared>>) offsets(%dma_start3A_118 : memref<160xi32, #tpu.memory_space<vmem>>) semaphore(%run_scoped3A : memref<!tpu.dma_semaphore, #tpu.memory_space<semaphore_mem>>) {add = true}
        %dma_wait3A_122 = arith.constant 0 : i32
        %dma_wait3A_123 = tpu.memref_slice %arg11[%scan3A_103, %dma_wait3A_122] : memref<63x160xi32, #tpu.memory_space<vmem>> -> memref<1x160xi32, #tpu.memory_space<vmem>>
        %dma_wait3A_124 = tpu.memref_squeeze %dma_wait3A_123 : memref<1x160xi32, #tpu.memory_space<vmem>> -> memref<160xi32, #tpu.memory_space<vmem>>
        %dma_wait3A_125 = arith.constant 0 : i32
        %dma_wait3A_126 = arith.constant 0 : i32
        %dma_wait3A_127 = tpu.memref_slice %arg14[%dma_wait3A_125, %dma_wait3A_126] : memref<10256x64xf32, #tpu.memory_space<vmem_shared>> -> memref<10256x64xf32, #tpu.memory_space<vmem_shared>>
        tpu.wait_indirect_dma semaphore(%run_scoped3A : memref<!tpu.dma_semaphore, #tpu.memory_space<semaphore_mem>>) src(%arg12 : memref<160x64xf32, #tpu.memory_space<vmem>>) dst(%dma_wait3A_127 : memref<10256x64xf32, #tpu.memory_space<vmem_shared>>)
        tpu.yield
      }) : () -> ()
    }
    %scan3A_81 = arith.constant 63 : i32
    %barrier3A_82 = arith.constant 0 : index
    tpu.barrier barrier_id(%barrier3A_82)
    %add3A_83 = arith.constant 0 : i32
    %add3A_84 = arith.addi %mul3A_8, %add3A_83 : i32
    "tpu.region"() ({
      %run_scoped3A = tpu.sem_alloc : memref<!tpu.dma_semaphore, #tpu.memory_space<semaphore_mem>>
      %dma_start3A = arith.constant 0 : i32
      %dma_start3A_103 = tpu.memref_slice %arg14[%add3A_84, %dma_start3A] : memref<10256x64xf32, #tpu.memory_space<vmem_shared>> -> memref<128x64xf32, #tpu.memory_space<vmem_shared>>
      %dma_start3A_104 = arith.constant 0 : i32
      %dma_start3A_105 = tpu.memref_slice %arg14[%add3A_84, %dma_start3A_104] : memref<10256x64xf32, #tpu.memory_space<vmem_shared>> -> memref<128x64xf32, #tpu.memory_space<vmem_shared>>
      tpu.enqueue_dma source(%dma_start3A_105 : memref<128x64xf32, #tpu.memory_space<vmem_shared>>) target(%arg13 : memref<128x64xf32, #tpu.memory_space<vmem>>) target_semaphore(%run_scoped3A : memref<!tpu.dma_semaphore, #tpu.memory_space<semaphore_mem>>)
      %dma_wait3A = arith.constant 0 : i32
      %dma_wait3A_106 = tpu.memref_slice %arg14[%add3A_84, %dma_wait3A] : memref<10256x64xf32, #tpu.memory_space<vmem_shared>> -> memref<128x64xf32, #tpu.memory_space<vmem_shared>>
      %dma_wait3A_107 = arith.constant 0 : i32
      %dma_wait3A_108 = tpu.memref_slice %arg14[%add3A_84, %dma_wait3A_107] : memref<10256x64xf32, #tpu.memory_space<vmem_shared>> -> memref<128x64xf32, #tpu.memory_space<vmem_shared>>
      tpu.wait_dma2 semaphore(%run_scoped3A : memref<!tpu.dma_semaphore, #tpu.memory_space<semaphore_mem>>) src(%dma_wait3A_108 : memref<128x64xf32, #tpu.memory_space<vmem_shared>>) dst(%arg13 : memref<128x64xf32, #tpu.memory_space<vmem>>)
      tpu.yield
    }) : () -> ()
    %add3A_85 = arith.constant 0 : i32
    %add3A_86 = arith.addi %mul3A_8, %add3A_85 : i32
    "tpu.region"() ({
      %run_scoped3A = tpu.sem_alloc : memref<!tpu.dma_semaphore, #tpu.memory_space<semaphore_mem>>
      %dma_start3A = arith.constant 0 : i32
      %dma_start3A_103 = tpu.memref_slice %arg6[%add3A_58, %add3A_86, %dma_start3A] : memref<4x10240x64xf32, #tpu.memory_space<hbm>> -> memref<1x128x64xf32, #tpu.memory_space<hbm>>
      %dma_start3A_104 = tpu.memref_squeeze %dma_start3A_103 : memref<1x128x64xf32, #tpu.memory_space<hbm>> -> memref<128x64xf32, #tpu.memory_space<hbm>>
      %dma_start3A_105 = arith.constant 0 : i32
      %dma_start3A_106 = tpu.memref_slice %arg6[%add3A_58, %add3A_86, %dma_start3A_105] : memref<4x10240x64xf32, #tpu.memory_space<hbm>> -> memref<1x128x64xf32, #tpu.memory_space<hbm>>
      %dma_start3A_107 = tpu.memref_squeeze %dma_start3A_106 : memref<1x128x64xf32, #tpu.memory_space<hbm>> -> memref<128x64xf32, #tpu.memory_space<hbm>>
      tpu.enqueue_dma source(%arg13 : memref<128x64xf32, #tpu.memory_space<vmem>>) target(%dma_start3A_107 : memref<128x64xf32, #tpu.memory_space<hbm>>) target_semaphore(%run_scoped3A : memref<!tpu.dma_semaphore, #tpu.memory_space<semaphore_mem>>)
      %dma_wait3A = arith.constant 0 : i32
      %dma_wait3A_108 = tpu.memref_slice %arg6[%add3A_58, %add3A_86, %dma_wait3A] : memref<4x10240x64xf32, #tpu.memory_space<hbm>> -> memref<1x128x64xf32, #tpu.memory_space<hbm>>
      %dma_wait3A_109 = tpu.memref_squeeze %dma_wait3A_108 : memref<1x128x64xf32, #tpu.memory_space<hbm>> -> memref<128x64xf32, #tpu.memory_space<hbm>>
      %dma_wait3A_110 = arith.constant 0 : i32
      %dma_wait3A_111 = tpu.memref_slice %arg6[%add3A_58, %add3A_86, %dma_wait3A_110] : memref<4x10240x64xf32, #tpu.memory_space<hbm>> -> memref<1x128x64xf32, #tpu.memory_space<hbm>>
      %dma_wait3A_112 = tpu.memref_squeeze %dma_wait3A_111 : memref<1x128x64xf32, #tpu.memory_space<hbm>> -> memref<128x64xf32, #tpu.memory_space<hbm>>
      tpu.wait_dma2 semaphore(%run_scoped3A : memref<!tpu.dma_semaphore, #tpu.memory_space<semaphore_mem>>) src(%arg13 : memref<128x64xf32, #tpu.memory_space<vmem>>) dst(%dma_wait3A_112 : memref<128x64xf32, #tpu.memory_space<hbm>>)
      tpu.yield
    }) : () -> ()
    %add3A_87 = arith.constant 128 : i32
    %add3A_88 = arith.addi %mul3A_8, %add3A_87 : i32
    "tpu.region"() ({
      %run_scoped3A = tpu.sem_alloc : memref<!tpu.dma_semaphore, #tpu.memory_space<semaphore_mem>>
      %dma_start3A = arith.constant 0 : i32
      %dma_start3A_103 = tpu.memref_slice %arg14[%add3A_88, %dma_start3A] : memref<10256x64xf32, #tpu.memory_space<vmem_shared>> -> memref<128x64xf32, #tpu.memory_space<vmem_shared>>
      %dma_start3A_104 = arith.constant 0 : i32
      %dma_start3A_105 = tpu.memref_slice %arg14[%add3A_88, %dma_start3A_104] : memref<10256x64xf32, #tpu.memory_space<vmem_shared>> -> memref<128x64xf32, #tpu.memory_space<vmem_shared>>
      tpu.enqueue_dma source(%dma_start3A_105 : memref<128x64xf32, #tpu.memory_space<vmem_shared>>) target(%arg13 : memref<128x64xf32, #tpu.memory_space<vmem>>) target_semaphore(%run_scoped3A : memref<!tpu.dma_semaphore, #tpu.memory_space<semaphore_mem>>)
      %dma_wait3A = arith.constant 0 : i32
      %dma_wait3A_106 = tpu.memref_slice %arg14[%add3A_88, %dma_wait3A] : memref<10256x64xf32, #tpu.memory_space<vmem_shared>> -> memref<128x64xf32, #tpu.memory_space<vmem_shared>>
      %dma_wait3A_107 = arith.constant 0 : i32
      %dma_wait3A_108 = tpu.memref_slice %arg14[%add3A_88, %dma_wait3A_107] : memref<10256x64xf32, #tpu.memory_space<vmem_shared>> -> memref<128x64xf32, #tpu.memory_space<vmem_shared>>
      tpu.wait_dma2 semaphore(%run_scoped3A : memref<!tpu.dma_semaphore, #tpu.memory_space<semaphore_mem>>) src(%dma_wait3A_108 : memref<128x64xf32, #tpu.memory_space<vmem_shared>>) dst(%arg13 : memref<128x64xf32, #tpu.memory_space<vmem>>)
      tpu.yield
    }) : () -> ()
    %add3A_89 = arith.constant 128 : i32
    %add3A_90 = arith.addi %mul3A_8, %add3A_89 : i32
    "tpu.region"() ({
      %run_scoped3A = tpu.sem_alloc : memref<!tpu.dma_semaphore, #tpu.memory_space<semaphore_mem>>
      %dma_start3A = arith.constant 0 : i32
      %dma_start3A_103 = tpu.memref_slice %arg6[%add3A_58, %add3A_90, %dma_start3A] : memref<4x10240x64xf32, #tpu.memory_space<hbm>> -> memref<1x128x64xf32, #tpu.memory_space<hbm>>
      %dma_start3A_104 = tpu.memref_squeeze %dma_start3A_103 : memref<1x128x64xf32, #tpu.memory_space<hbm>> -> memref<128x64xf32, #tpu.memory_space<hbm>>
      %dma_start3A_105 = arith.constant 0 : i32
      %dma_start3A_106 = tpu.memref_slice %arg6[%add3A_58, %add3A_90, %dma_start3A_105] : memref<4x10240x64xf32, #tpu.memory_space<hbm>> -> memref<1x128x64xf32, #tpu.memory_space<hbm>>
      %dma_start3A_107 = tpu.memref_squeeze %dma_start3A_106 : memref<1x128x64xf32, #tpu.memory_space<hbm>> -> memref<128x64xf32, #tpu.memory_space<hbm>>
      tpu.enqueue_dma source(%arg13 : memref<128x64xf32, #tpu.memory_space<vmem>>) target(%dma_start3A_107 : memref<128x64xf32, #tpu.memory_space<hbm>>) target_semaphore(%run_scoped3A : memref<!tpu.dma_semaphore, #tpu.memory_space<semaphore_mem>>)
      %dma_wait3A = arith.constant 0 : i32
      %dma_wait3A_108 = tpu.memref_slice %arg6[%add3A_58, %add3A_90, %dma_wait3A] : memref<4x10240x64xf32, #tpu.memory_space<hbm>> -> memref<1x128x64xf32, #tpu.memory_space<hbm>>
      %dma_wait3A_109 = tpu.memref_squeeze %dma_wait3A_108 : memref<1x128x64xf32, #tpu.memory_space<hbm>> -> memref<128x64xf32, #tpu.memory_space<hbm>>
      %dma_wait3A_110 = arith.constant 0 : i32
      %dma_wait3A_111 = tpu.memref_slice %arg6[%add3A_58, %add3A_90, %dma_wait3A_110] : memref<4x10240x64xf32, #tpu.memory_space<hbm>> -> memref<1x128x64xf32, #tpu.memory_space<hbm>>
      %dma_wait3A_112 = tpu.memref_squeeze %dma_wait3A_111 : memref<1x128x64xf32, #tpu.memory_space<hbm>> -> memref<128x64xf32, #tpu.memory_space<hbm>>
      tpu.wait_dma2 semaphore(%run_scoped3A : memref<!tpu.dma_semaphore, #tpu.memory_space<semaphore_mem>>) src(%arg13 : memref<128x64xf32, #tpu.memory_space<vmem>>) dst(%dma_wait3A_112 : memref<128x64xf32, #tpu.memory_space<hbm>>)
      tpu.yield
    }) : () -> ()
    %add3A_91 = arith.constant 256 : i32
    %add3A_92 = arith.addi %mul3A_8, %add3A_91 : i32
    "tpu.region"() ({
      %run_scoped3A = tpu.sem_alloc : memref<!tpu.dma_semaphore, #tpu.memory_space<semaphore_mem>>
      %dma_start3A = arith.constant 0 : i32
      %dma_start3A_103 = tpu.memref_slice %arg14[%add3A_92, %dma_start3A] : memref<10256x64xf32, #tpu.memory_space<vmem_shared>> -> memref<128x64xf32, #tpu.memory_space<vmem_shared>>
      %dma_start3A_104 = arith.constant 0 : i32
      %dma_start3A_105 = tpu.memref_slice %arg14[%add3A_92, %dma_start3A_104] : memref<10256x64xf32, #tpu.memory_space<vmem_shared>> -> memref<128x64xf32, #tpu.memory_space<vmem_shared>>
      tpu.enqueue_dma source(%dma_start3A_105 : memref<128x64xf32, #tpu.memory_space<vmem_shared>>) target(%arg13 : memref<128x64xf32, #tpu.memory_space<vmem>>) target_semaphore(%run_scoped3A : memref<!tpu.dma_semaphore, #tpu.memory_space<semaphore_mem>>)
      %dma_wait3A = arith.constant 0 : i32
      %dma_wait3A_106 = tpu.memref_slice %arg14[%add3A_92, %dma_wait3A] : memref<10256x64xf32, #tpu.memory_space<vmem_shared>> -> memref<128x64xf32, #tpu.memory_space<vmem_shared>>
      %dma_wait3A_107 = arith.constant 0 : i32
      %dma_wait3A_108 = tpu.memref_slice %arg14[%add3A_92, %dma_wait3A_107] : memref<10256x64xf32, #tpu.memory_space<vmem_shared>> -> memref<128x64xf32, #tpu.memory_space<vmem_shared>>
      tpu.wait_dma2 semaphore(%run_scoped3A : memref<!tpu.dma_semaphore, #tpu.memory_space<semaphore_mem>>) src(%dma_wait3A_108 : memref<128x64xf32, #tpu.memory_space<vmem_shared>>) dst(%arg13 : memref<128x64xf32, #tpu.memory_space<vmem>>)
      tpu.yield
    }) : () -> ()
    %add3A_93 = arith.constant 256 : i32
    %add3A_94 = arith.addi %mul3A_8, %add3A_93 : i32
    "tpu.region"() ({
      %run_scoped3A = tpu.sem_alloc : memref<!tpu.dma_semaphore, #tpu.memory_space<semaphore_mem>>
      %dma_start3A = arith.constant 0 : i32
      %dma_start3A_103 = tpu.memref_slice %arg6[%add3A_58, %add3A_94, %dma_start3A] : memref<4x10240x64xf32, #tpu.memory_space<hbm>> -> memref<1x128x64xf32, #tpu.memory_space<hbm>>
      %dma_start3A_104 = tpu.memref_squeeze %dma_start3A_103 : memref<1x128x64xf32, #tpu.memory_space<hbm>> -> memref<128x64xf32, #tpu.memory_space<hbm>>
      %dma_start3A_105 = arith.constant 0 : i32
      %dma_start3A_106 = tpu.memref_slice %arg6[%add3A_58, %add3A_94, %dma_start3A_105] : memref<4x10240x64xf32, #tpu.memory_space<hbm>> -> memref<1x128x64xf32, #tpu.memory_space<hbm>>
      %dma_start3A_107 = tpu.memref_squeeze %dma_start3A_106 : memref<1x128x64xf32, #tpu.memory_space<hbm>> -> memref<128x64xf32, #tpu.memory_space<hbm>>
      tpu.enqueue_dma source(%arg13 : memref<128x64xf32, #tpu.memory_space<vmem>>) target(%dma_start3A_107 : memref<128x64xf32, #tpu.memory_space<hbm>>) target_semaphore(%run_scoped3A : memref<!tpu.dma_semaphore, #tpu.memory_space<semaphore_mem>>)
      %dma_wait3A = arith.constant 0 : i32
      %dma_wait3A_108 = tpu.memref_slice %arg6[%add3A_58, %add3A_94, %dma_wait3A] : memref<4x10240x64xf32, #tpu.memory_space<hbm>> -> memref<1x128x64xf32, #tpu.memory_space<hbm>>
      %dma_wait3A_109 = tpu.memref_squeeze %dma_wait3A_108 : memref<1x128x64xf32, #tpu.memory_space<hbm>> -> memref<128x64xf32, #tpu.memory_space<hbm>>
      %dma_wait3A_110 = arith.constant 0 : i32
      %dma_wait3A_111 = tpu.memref_slice %arg6[%add3A_58, %add3A_94, %dma_wait3A_110] : memref<4x10240x64xf32, #tpu.memory_space<hbm>> -> memref<1x128x64xf32, #tpu.memory_space<hbm>>
      %dma_wait3A_112 = tpu.memref_squeeze %dma_wait3A_111 : memref<1x128x64xf32, #tpu.memory_space<hbm>> -> memref<128x64xf32, #tpu.memory_space<hbm>>
      tpu.wait_dma2 semaphore(%run_scoped3A : memref<!tpu.dma_semaphore, #tpu.memory_space<semaphore_mem>>) src(%arg13 : memref<128x64xf32, #tpu.memory_space<vmem>>) dst(%dma_wait3A_112 : memref<128x64xf32, #tpu.memory_space<hbm>>)
      tpu.yield
    }) : () -> ()
    %add3A_95 = arith.constant 384 : i32
    %add3A_96 = arith.addi %mul3A_8, %add3A_95 : i32
    "tpu.region"() ({
      %run_scoped3A = tpu.sem_alloc : memref<!tpu.dma_semaphore, #tpu.memory_space<semaphore_mem>>
      %dma_start3A = arith.constant 0 : i32
      %dma_start3A_103 = tpu.memref_slice %arg14[%add3A_96, %dma_start3A] : memref<10256x64xf32, #tpu.memory_space<vmem_shared>> -> memref<128x64xf32, #tpu.memory_space<vmem_shared>>
      %dma_start3A_104 = arith.constant 0 : i32
      %dma_start3A_105 = tpu.memref_slice %arg14[%add3A_96, %dma_start3A_104] : memref<10256x64xf32, #tpu.memory_space<vmem_shared>> -> memref<128x64xf32, #tpu.memory_space<vmem_shared>>
      tpu.enqueue_dma source(%dma_start3A_105 : memref<128x64xf32, #tpu.memory_space<vmem_shared>>) target(%arg13 : memref<128x64xf32, #tpu.memory_space<vmem>>) target_semaphore(%run_scoped3A : memref<!tpu.dma_semaphore, #tpu.memory_space<semaphore_mem>>)
      %dma_wait3A = arith.constant 0 : i32
      %dma_wait3A_106 = tpu.memref_slice %arg14[%add3A_96, %dma_wait3A] : memref<10256x64xf32, #tpu.memory_space<vmem_shared>> -> memref<128x64xf32, #tpu.memory_space<vmem_shared>>
      %dma_wait3A_107 = arith.constant 0 : i32
      %dma_wait3A_108 = tpu.memref_slice %arg14[%add3A_96, %dma_wait3A_107] : memref<10256x64xf32, #tpu.memory_space<vmem_shared>> -> memref<128x64xf32, #tpu.memory_space<vmem_shared>>
      tpu.wait_dma2 semaphore(%run_scoped3A : memref<!tpu.dma_semaphore, #tpu.memory_space<semaphore_mem>>) src(%dma_wait3A_108 : memref<128x64xf32, #tpu.memory_space<vmem_shared>>) dst(%arg13 : memref<128x64xf32, #tpu.memory_space<vmem>>)
      tpu.yield
    }) : () -> ()
    %add3A_97 = arith.constant 384 : i32
    %add3A_98 = arith.addi %mul3A_8, %add3A_97 : i32
    "tpu.region"() ({
      %run_scoped3A = tpu.sem_alloc : memref<!tpu.dma_semaphore, #tpu.memory_space<semaphore_mem>>
      %dma_start3A = arith.constant 0 : i32
      %dma_start3A_103 = tpu.memref_slice %arg6[%add3A_58, %add3A_98, %dma_start3A] : memref<4x10240x64xf32, #tpu.memory_space<hbm>> -> memref<1x128x64xf32, #tpu.memory_space<hbm>>
      %dma_start3A_104 = tpu.memref_squeeze %dma_start3A_103 : memref<1x128x64xf32, #tpu.memory_space<hbm>> -> memref<128x64xf32, #tpu.memory_space<hbm>>
      %dma_start3A_105 = arith.constant 0 : i32
      %dma_start3A_106 = tpu.memref_slice %arg6[%add3A_58, %add3A_98, %dma_start3A_105] : memref<4x10240x64xf32, #tpu.memory_space<hbm>> -> memref<1x128x64xf32, #tpu.memory_space<hbm>>
      %dma_start3A_107 = tpu.memref_squeeze %dma_start3A_106 : memref<1x128x64xf32, #tpu.memory_space<hbm>> -> memref<128x64xf32, #tpu.memory_space<hbm>>
      tpu.enqueue_dma source(%arg13 : memref<128x64xf32, #tpu.memory_space<vmem>>) target(%dma_start3A_107 : memref<128x64xf32, #tpu.memory_space<hbm>>) target_semaphore(%run_scoped3A : memref<!tpu.dma_semaphore, #tpu.memory_space<semaphore_mem>>)
      %dma_wait3A = arith.constant 0 : i32
      %dma_wait3A_108 = tpu.memref_slice %arg6[%add3A_58, %add3A_98, %dma_wait3A] : memref<4x10240x64xf32, #tpu.memory_space<hbm>> -> memref<1x128x64xf32, #tpu.memory_space<hbm>>
      %dma_wait3A_109 = tpu.memref_squeeze %dma_wait3A_108 : memref<1x128x64xf32, #tpu.memory_space<hbm>> -> memref<128x64xf32, #tpu.memory_space<hbm>>
      %dma_wait3A_110 = arith.constant 0 : i32
      %dma_wait3A_111 = tpu.memref_slice %arg6[%add3A_58, %add3A_98, %dma_wait3A_110] : memref<4x10240x64xf32, #tpu.memory_space<hbm>> -> memref<1x128x64xf32, #tpu.memory_space<hbm>>
      %dma_wait3A_112 = tpu.memref_squeeze %dma_wait3A_111 : memref<1x128x64xf32, #tpu.memory_space<hbm>> -> memref<128x64xf32, #tpu.memory_space<hbm>>
      tpu.wait_dma2 semaphore(%run_scoped3A : memref<!tpu.dma_semaphore, #tpu.memory_space<semaphore_mem>>) src(%arg13 : memref<128x64xf32, #tpu.memory_space<vmem>>) dst(%dma_wait3A_112 : memref<128x64xf32, #tpu.memory_space<hbm>>)
      tpu.yield
    }) : () -> ()
    %add3A_99 = arith.constant 512 : i32
    %add3A_100 = arith.addi %mul3A_8, %add3A_99 : i32
    "tpu.region"() ({
      %run_scoped3A = tpu.sem_alloc : memref<!tpu.dma_semaphore, #tpu.memory_space<semaphore_mem>>
      %dma_start3A = arith.constant 0 : i32
      %dma_start3A_103 = tpu.memref_slice %arg14[%add3A_100, %dma_start3A] : memref<10256x64xf32, #tpu.memory_space<vmem_shared>> -> memref<128x64xf32, #tpu.memory_space<vmem_shared>>
      %dma_start3A_104 = arith.constant 0 : i32
      %dma_start3A_105 = tpu.memref_slice %arg14[%add3A_100, %dma_start3A_104] : memref<10256x64xf32, #tpu.memory_space<vmem_shared>> -> memref<128x64xf32, #tpu.memory_space<vmem_shared>>
      tpu.enqueue_dma source(%dma_start3A_105 : memref<128x64xf32, #tpu.memory_space<vmem_shared>>) target(%arg13 : memref<128x64xf32, #tpu.memory_space<vmem>>) target_semaphore(%run_scoped3A : memref<!tpu.dma_semaphore, #tpu.memory_space<semaphore_mem>>)
      %dma_wait3A = arith.constant 0 : i32
      %dma_wait3A_106 = tpu.memref_slice %arg14[%add3A_100, %dma_wait3A] : memref<10256x64xf32, #tpu.memory_space<vmem_shared>> -> memref<128x64xf32, #tpu.memory_space<vmem_shared>>
      %dma_wait3A_107 = arith.constant 0 : i32
      %dma_wait3A_108 = tpu.memref_slice %arg14[%add3A_100, %dma_wait3A_107] : memref<10256x64xf32, #tpu.memory_space<vmem_shared>> -> memref<128x64xf32, #tpu.memory_space<vmem_shared>>
      tpu.wait_dma2 semaphore(%run_scoped3A : memref<!tpu.dma_semaphore, #tpu.memory_space<semaphore_mem>>) src(%dma_wait3A_108 : memref<128x64xf32, #tpu.memory_space<vmem_shared>>) dst(%arg13 : memref<128x64xf32, #tpu.memory_space<vmem>>)
      tpu.yield
    }) : () -> ()
    %add3A_101 = arith.constant 512 : i32
    %add3A_102 = arith.addi %mul3A_8, %add3A_101 : i32
    "tpu.region"() ({
      %run_scoped3A = tpu.sem_alloc : memref<!tpu.dma_semaphore, #tpu.memory_space<semaphore_mem>>
      %dma_start3A = arith.constant 0 : i32
      %dma_start3A_103 = tpu.memref_slice %arg6[%add3A_58, %add3A_102, %dma_start3A] : memref<4x10240x64xf32, #tpu.memory_space<hbm>> -> memref<1x128x64xf32, #tpu.memory_space<hbm>>
      %dma_start3A_104 = tpu.memref_squeeze %dma_start3A_103 : memref<1x128x64xf32, #tpu.memory_space<hbm>> -> memref<128x64xf32, #tpu.memory_space<hbm>>
      %dma_start3A_105 = arith.constant 0 : i32
      %dma_start3A_106 = tpu.memref_slice %arg6[%add3A_58, %add3A_102, %dma_start3A_105] : memref<4x10240x64xf32, #tpu.memory_space<hbm>> -> memref<1x128x64xf32, #tpu.memory_space<hbm>>
      %dma_start3A_107 = tpu.memref_squeeze %dma_start3A_106 : memref<1x128x64xf32, #tpu.memory_space<hbm>> -> memref<128x64xf32, #tpu.memory_space<hbm>>
      tpu.enqueue_dma source(%arg13 : memref<128x64xf32, #tpu.memory_space<vmem>>) target(%dma_start3A_107 : memref<128x64xf32, #tpu.memory_space<hbm>>) target_semaphore(%run_scoped3A : memref<!tpu.dma_semaphore, #tpu.memory_space<semaphore_mem>>)
      %dma_wait3A = arith.constant 0 : i32
      %dma_wait3A_108 = tpu.memref_slice %arg6[%add3A_58, %add3A_102, %dma_wait3A] : memref<4x10240x64xf32, #tpu.memory_space<hbm>> -> memref<1x128x64xf32, #tpu.memory_space<hbm>>
      %dma_wait3A_109 = tpu.memref_squeeze %dma_wait3A_108 : memref<1x128x64xf32, #tpu.memory_space<hbm>> -> memref<128x64xf32, #tpu.memory_space<hbm>>
      %dma_wait3A_110 = arith.constant 0 : i32
      %dma_wait3A_111 = tpu.memref_slice %arg6[%add3A_58, %add3A_102, %dma_wait3A_110] : memref<4x10240x64xf32, #tpu.memory_space<hbm>> -> memref<1x128x64xf32, #tpu.memory_space<hbm>>
      %dma_wait3A_112 = tpu.memref_squeeze %dma_wait3A_111 : memref<1x128x64xf32, #tpu.memory_space<hbm>> -> memref<128x64xf32, #tpu.memory_space<hbm>>
      tpu.wait_dma2 semaphore(%run_scoped3A : memref<!tpu.dma_semaphore, #tpu.memory_space<semaphore_mem>>) src(%arg13 : memref<128x64xf32, #tpu.memory_space<vmem>>) dst(%dma_wait3A_112 : memref<128x64xf32, #tpu.memory_space<hbm>>)
      tpu.yield
    }) : () -> ()
    return
  }
}

#map = affine_map<(d0, d1) -> (0, 0)>
#map1 = affine_map<(d0, d1) -> (0)>
#map2 = affine_map<(d0, d1) -> (0, 0, 0)>
module attributes {stable_mosaic.version = 14 : i64} {
  func.func @_agg2(%arg0: i32, %arg1: i32, %arg2: memref<40000x16xf32, #tpu.memory_space<hbm>>, %arg3: memref<160000xi32, #tpu.memory_space<hbm>>, %arg4: memref<160000xi32, #tpu.memory_space<hbm>>, %arg5: memref<160000xi32, #tpu.memory_space<hbm>>, %arg6: memref<2x10240x16xf32, #tpu.memory_space<hbm>>, %arg7: memref<5120xi32, #tpu.memory_space<vmem>>, %arg8: memref<5120xi32, #tpu.memory_space<vmem>>, %arg9: memref<5120xi32, #tpu.memory_space<vmem>>, %arg10: memref<4x1280xi32, #tpu.memory_space<vmem>>, %arg11: memref<4x1280xi32, #tpu.memory_space<vmem>>, %arg12: memref<1280x16xf32, #tpu.memory_space<vmem>>, %arg13: memref<640x16xf32, #tpu.memory_space<vmem>>, %arg14: memref<10240x16xf32, #tpu.memory_space<vmem_shared>>, %arg15: memref<!tpu.dma_semaphore, #tpu.memory_space<semaphore_mem>>) attributes {dimension_semantics = [#tpu.dimension_semantics<core_parallel>, #tpu.dimension_semantics<subcore_parallel>], iteration_bounds = array<i64: 2, 16>, scalar_prefetch = 0 : i64, scratch_operands = 9 : i64, tpu.core_type = #tpu.core_type<sc_vector_subcore>, window_params = [{transform_indices = #map}, {transform_indices = #map1}, {transform_indices = #map1}, {transform_indices = #map1}, {transform_indices = #map2}]} {
    %mul3A = arith.constant 80000 : i32
    %mul3A_0 = arith.muli %arg0, %mul3A : i32
    %mul3A_1 = arith.constant 5000 : i32
    %mul3A_2 = arith.muli %arg1, %mul3A_1 : i32
    %add3A = arith.addi %mul3A_0, %mul3A_2 : i32
    "tpu.region"() ({
      %run_scoped3A = tpu.sem_alloc : memref<!tpu.dma_semaphore, #tpu.memory_space<semaphore_mem>>
      %dma_start3A = arith.constant 0 : i32
      %dma_start3A_28 = tpu.memref_slice %arg7[%dma_start3A] : memref<5120xi32, #tpu.memory_space<vmem>> -> memref<5000xi32, #tpu.memory_space<vmem>>
      %dma_start3A_29 = tpu.memref_slice %arg3[%add3A] : memref<160000xi32, #tpu.memory_space<hbm>> -> memref<5000xi32, #tpu.memory_space<hbm>>
      %dma_start3A_30 = arith.constant 0 : i32
      %dma_start3A_31 = tpu.memref_slice %arg7[%dma_start3A_30] : memref<5120xi32, #tpu.memory_space<vmem>> -> memref<5000xi32, #tpu.memory_space<vmem>>
      %dma_start3A_32 = tpu.memref_slice %arg3[%add3A] : memref<160000xi32, #tpu.memory_space<hbm>> -> memref<5000xi32, #tpu.memory_space<hbm>>
      tpu.enqueue_dma source(%dma_start3A_32 : memref<5000xi32, #tpu.memory_space<hbm>>) target(%dma_start3A_31 : memref<5000xi32, #tpu.memory_space<vmem>>) target_semaphore(%run_scoped3A : memref<!tpu.dma_semaphore, #tpu.memory_space<semaphore_mem>>)
      %dma_wait3A = arith.constant 0 : i32
      %dma_wait3A_33 = tpu.memref_slice %arg7[%dma_wait3A] : memref<5120xi32, #tpu.memory_space<vmem>> -> memref<5000xi32, #tpu.memory_space<vmem>>
      %dma_wait3A_34 = tpu.memref_slice %arg3[%add3A] : memref<160000xi32, #tpu.memory_space<hbm>> -> memref<5000xi32, #tpu.memory_space<hbm>>
      %dma_wait3A_35 = arith.constant 0 : i32
      %dma_wait3A_36 = tpu.memref_slice %arg7[%dma_wait3A_35] : memref<5120xi32, #tpu.memory_space<vmem>> -> memref<5000xi32, #tpu.memory_space<vmem>>
      %dma_wait3A_37 = tpu.memref_slice %arg3[%add3A] : memref<160000xi32, #tpu.memory_space<hbm>> -> memref<5000xi32, #tpu.memory_space<hbm>>
      tpu.wait_dma2 semaphore(%run_scoped3A : memref<!tpu.dma_semaphore, #tpu.memory_space<semaphore_mem>>) src(%dma_wait3A_37 : memref<5000xi32, #tpu.memory_space<hbm>>) dst(%dma_wait3A_36 : memref<5000xi32, #tpu.memory_space<vmem>>)
      tpu.yield
    }) : () -> ()
    "tpu.region"() ({
      %run_scoped3A = tpu.sem_alloc : memref<!tpu.dma_semaphore, #tpu.memory_space<semaphore_mem>>
      %dma_start3A = arith.constant 0 : i32
      %dma_start3A_28 = tpu.memref_slice %arg8[%dma_start3A] : memref<5120xi32, #tpu.memory_space<vmem>> -> memref<5000xi32, #tpu.memory_space<vmem>>
      %dma_start3A_29 = tpu.memref_slice %arg4[%add3A] : memref<160000xi32, #tpu.memory_space<hbm>> -> memref<5000xi32, #tpu.memory_space<hbm>>
      %dma_start3A_30 = arith.constant 0 : i32
      %dma_start3A_31 = tpu.memref_slice %arg8[%dma_start3A_30] : memref<5120xi32, #tpu.memory_space<vmem>> -> memref<5000xi32, #tpu.memory_space<vmem>>
      %dma_start3A_32 = tpu.memref_slice %arg4[%add3A] : memref<160000xi32, #tpu.memory_space<hbm>> -> memref<5000xi32, #tpu.memory_space<hbm>>
      tpu.enqueue_dma source(%dma_start3A_32 : memref<5000xi32, #tpu.memory_space<hbm>>) target(%dma_start3A_31 : memref<5000xi32, #tpu.memory_space<vmem>>) target_semaphore(%run_scoped3A : memref<!tpu.dma_semaphore, #tpu.memory_space<semaphore_mem>>)
      %dma_wait3A = arith.constant 0 : i32
      %dma_wait3A_33 = tpu.memref_slice %arg8[%dma_wait3A] : memref<5120xi32, #tpu.memory_space<vmem>> -> memref<5000xi32, #tpu.memory_space<vmem>>
      %dma_wait3A_34 = tpu.memref_slice %arg4[%add3A] : memref<160000xi32, #tpu.memory_space<hbm>> -> memref<5000xi32, #tpu.memory_space<hbm>>
      %dma_wait3A_35 = arith.constant 0 : i32
      %dma_wait3A_36 = tpu.memref_slice %arg8[%dma_wait3A_35] : memref<5120xi32, #tpu.memory_space<vmem>> -> memref<5000xi32, #tpu.memory_space<vmem>>
      %dma_wait3A_37 = tpu.memref_slice %arg4[%add3A] : memref<160000xi32, #tpu.memory_space<hbm>> -> memref<5000xi32, #tpu.memory_space<hbm>>
      tpu.wait_dma2 semaphore(%run_scoped3A : memref<!tpu.dma_semaphore, #tpu.memory_space<semaphore_mem>>) src(%dma_wait3A_37 : memref<5000xi32, #tpu.memory_space<hbm>>) dst(%dma_wait3A_36 : memref<5000xi32, #tpu.memory_space<vmem>>)
      tpu.yield
    }) : () -> ()
    "tpu.region"() ({
      %run_scoped3A = tpu.sem_alloc : memref<!tpu.dma_semaphore, #tpu.memory_space<semaphore_mem>>
      %dma_start3A = arith.constant 0 : i32
      %dma_start3A_28 = tpu.memref_slice %arg9[%dma_start3A] : memref<5120xi32, #tpu.memory_space<vmem>> -> memref<5000xi32, #tpu.memory_space<vmem>>
      %dma_start3A_29 = tpu.memref_slice %arg5[%add3A] : memref<160000xi32, #tpu.memory_space<hbm>> -> memref<5000xi32, #tpu.memory_space<hbm>>
      %dma_start3A_30 = arith.constant 0 : i32
      %dma_start3A_31 = tpu.memref_slice %arg9[%dma_start3A_30] : memref<5120xi32, #tpu.memory_space<vmem>> -> memref<5000xi32, #tpu.memory_space<vmem>>
      %dma_start3A_32 = tpu.memref_slice %arg5[%add3A] : memref<160000xi32, #tpu.memory_space<hbm>> -> memref<5000xi32, #tpu.memory_space<hbm>>
      tpu.enqueue_dma source(%dma_start3A_32 : memref<5000xi32, #tpu.memory_space<hbm>>) target(%dma_start3A_31 : memref<5000xi32, #tpu.memory_space<vmem>>) target_semaphore(%run_scoped3A : memref<!tpu.dma_semaphore, #tpu.memory_space<semaphore_mem>>)
      %dma_wait3A = arith.constant 0 : i32
      %dma_wait3A_33 = tpu.memref_slice %arg9[%dma_wait3A] : memref<5120xi32, #tpu.memory_space<vmem>> -> memref<5000xi32, #tpu.memory_space<vmem>>
      %dma_wait3A_34 = tpu.memref_slice %arg5[%add3A] : memref<160000xi32, #tpu.memory_space<hbm>> -> memref<5000xi32, #tpu.memory_space<hbm>>
      %dma_wait3A_35 = arith.constant 0 : i32
      %dma_wait3A_36 = tpu.memref_slice %arg9[%dma_wait3A_35] : memref<5120xi32, #tpu.memory_space<vmem>> -> memref<5000xi32, #tpu.memory_space<vmem>>
      %dma_wait3A_37 = tpu.memref_slice %arg5[%add3A] : memref<160000xi32, #tpu.memory_space<hbm>> -> memref<5000xi32, #tpu.memory_space<hbm>>
      tpu.wait_dma2 semaphore(%run_scoped3A : memref<!tpu.dma_semaphore, #tpu.memory_space<semaphore_mem>>) src(%dma_wait3A_37 : memref<5000xi32, #tpu.memory_space<hbm>>) dst(%dma_wait3A_36 : memref<5000xi32, #tpu.memory_space<vmem>>)
      tpu.yield
    }) : () -> ()
    %iota3A = tpu.iota {dimensions = array<i32: 0>} : vector<16xi32>
    %broadcast_in_dim3A = arith.constant 0.000000e+00 : f32
    %broadcast_in_dim3A_3 = vector.broadcast %broadcast_in_dim3A : f32 to vector<16xf32>
    %scan3A = arith.constant 0 : i32
    %scan3A_4 = arith.constant 0 : i32
    %scan3A_5 = arith.constant 64 : i32
    %scan3A_6 = arith.addi %scan3A_4, %scan3A_5 : i32
    %scan3A_7 = arith.constant 1 : i32
    scf.for %scan3A_28 = %scan3A_4 to %scan3A_6 step %scan3A_7  : i32 {
      %jit3A = arith.constant 16 : i32
      %div3A = arith.divsi %scan3A_28, %jit3A : i32
      %sign3A = arith.constant 0 : i32
      %sign3A_29 = arith.cmpi sgt, %scan3A_28, %sign3A : i32
      %sign3A_30 = arith.extui %sign3A_29 : i1 to i32
      %sign3A_31 = arith.constant 0 : i32
      %sign3A_32 = arith.cmpi slt, %scan3A_28, %sign3A_31 : i32
      %sign3A_33 = arith.extui %sign3A_32 : i1 to i32
      %sign3A_34 = arith.subi %sign3A_30, %sign3A_33 : i32
      %sign3A_35 = arith.constant 0 : i32
      %sign3A_36 = arith.cmpi sgt, %jit3A, %sign3A_35 : i32
      %sign3A_37 = arith.extui %sign3A_36 : i1 to i32
      %sign3A_38 = arith.constant 0 : i32
      %sign3A_39 = arith.cmpi slt, %jit3A, %sign3A_38 : i32
      %sign3A_40 = arith.extui %sign3A_39 : i1 to i32
      %sign3A_41 = arith.subi %sign3A_37, %sign3A_40 : i32
      %ne3A = arith.cmpi ne, %sign3A_34, %sign3A_41 : i32
      %rem3A = arith.remsi %scan3A_28, %jit3A : i32
      %ne3A_42 = arith.constant 0 : i32
      %ne3A_43 = arith.cmpi ne, %rem3A, %ne3A_42 : i32
      %and3A = arith.andi %ne3A, %ne3A_43 : i1
      %sub3A = arith.constant 1 : i32
      %sub3A_44 = arith.subi %div3A, %sub3A : i32
      %select_n3A = arith.select %and3A, %sub3A_44, %div3A : i32
      %jit3A_45 = arith.constant 16 : i32
      %eq3A = arith.constant 0 : i32
      %eq3A_46 = arith.cmpi eq, %jit3A_45, %eq3A : i32
      %jit3A_47 = arith.constant 1 : i32
      %select_n3A_48 = arith.select %eq3A_46, %jit3A_47, %jit3A_45 : i32
      %rem3A_49 = arith.remsi %scan3A_28, %select_n3A_48 : i32
      %ne3A_50 = arith.constant 0 : i32
      %ne3A_51 = arith.cmpi ne, %rem3A_49, %ne3A_50 : i32
      %lt3A = arith.constant 0 : i32
      %lt3A_52 = arith.cmpi slt, %rem3A_49, %lt3A : i32
      %lt3A_53 = arith.constant 0 : i32
      %lt3A_54 = arith.cmpi slt, %select_n3A_48, %lt3A_53 : i32
      %ne3A_55 = arith.xori %lt3A_52, %lt3A_54 : i1
      %and3A_56 = arith.andi %ne3A_55, %ne3A_51 : i1
      %add3A_57 = arith.addi %rem3A_49, %select_n3A_48 : i32
      %select_n3A_58 = arith.select %and3A_56, %add3A_57, %rem3A_49 : i32
      %mul3A_59 = arith.constant 80 : i32
      %mul3A_60 = arith.muli %select_n3A_58, %mul3A_59 : i32
      %mul3A_61 = arith.constant 80 : i32
      %mul3A_62 = arith.muli %scan3A_28, %mul3A_61 : i32
      %add3A_63 = arith.constant 0 : i32
      %add3A_64 = arith.addi %mul3A_62, %add3A_63 : i32
      %get3A = arith.index_cast %add3A_64 : i32 to index
      %get3A_65 = tpu.vector_load %arg7[%get3A] {strides = array<i32>} : memref<5120xi32, #tpu.memory_space<vmem>>, vector<16xi32>,
      %get3A_66 = vector.shape_cast %get3A_65 : vector<16xi32> to vector<16xi32>
      %get3A_67 = arith.index_cast %add3A_64 : i32 to index
      %get3A_68 = tpu.vector_load %arg9[%get3A_67] {strides = array<i32>} : memref<5120xi32, #tpu.memory_space<vmem>>, vector<16xi32>,
      %get3A_69 = vector.shape_cast %get3A_68 : vector<16xi32> to vector<16xi32>
      %get3A_70 = arith.index_cast %add3A_64 : i32 to index
      %get3A_71 = tpu.vector_load %arg8[%get3A_70] {strides = array<i32>} : memref<5120xi32, #tpu.memory_space<vmem>>, vector<16xi32>,
      %get3A_72 = vector.shape_cast %get3A_71 : vector<16xi32> to vector<16xi32>
      %add3A_73 = vector.broadcast %add3A_64 : i32 to vector<16xi32>
      %add3A_74 = arith.addi %add3A_73, %iota3A : vector<16xi32>
      %lt3A_75 = arith.constant 5000 : i32
      %lt3A_76 = vector.broadcast %lt3A_75 : i32 to vector<16xi32>
      %lt3A_77 = arith.cmpi slt, %add3A_74, %lt3A_76 : vector<16xi32>
      %mul3A_78 = arith.constant 10000 : i32
      %mul3A_79 = vector.broadcast %mul3A_78 : i32 to vector<16xi32>
      %mul3A_80 = arith.muli %get3A_69, %mul3A_79 : vector<16xi32>
      %add3A_81 = arith.addi %mul3A_80, %get3A_66 : vector<16xi32>
      %jit3A_82 = arith.constant 0 : i32
      %broadcast_in_dim3A_83 = vector.broadcast %jit3A_82 : i32 to vector<16xi32>
      %select_n3A_84 = arith.select %lt3A_77, %add3A_81, %broadcast_in_dim3A_83 : vector<16xi1>, vector<16xi32>
      %add3A_85 = arith.constant 0 : i32
      %add3A_86 = arith.addi %mul3A_60, %add3A_85 : i32
      %swap3A = arith.index_cast %select_n3A : i32 to index
      %swap3A_87 = arith.index_cast %add3A_86 : i32 to index
      %swap3A_88 = tpu.vector_load %arg10[%swap3A, %swap3A_87] {strides = array<i32>} : memref<4x1280xi32, #tpu.memory_space<vmem>>, vector<1x16xi32>,
      %swap3A_89 = vector.shape_cast %swap3A_88 : vector<1x16xi32> to vector<16xi32>
      %swap3A_90 = vector.shape_cast %select_n3A_84 : vector<16xi32> to vector<1x16xi32>
      tpu.vector_store %arg10[%swap3A, %swap3A_87], %swap3A_90 {strides = array<i32>} : memref<4x1280xi32, #tpu.memory_space<vmem>>, vector<1x16xi32>,
      %add3A_91 = arith.constant 10000 : i32
      %add3A_92 = arith.addi %add3A_91, %arg1 : i32
      %broadcast_in_dim3A_93 = vector.broadcast %add3A_92 : i32 to vector<16xi32>
      %select_n3A_94 = arith.select %lt3A_77, %get3A_72, %broadcast_in_dim3A_93 : vector<16xi1>, vector<16xi32>
      %add3A_95 = arith.constant 0 : i32
      %add3A_96 = arith.addi %mul3A_60, %add3A_95 : i32
      %swap3A_97 = arith.index_cast %select_n3A : i32 to index
      %swap3A_98 = arith.index_cast %add3A_96 : i32 to index
      %swap3A_99 = tpu.vector_load %arg11[%swap3A_97, %swap3A_98] {strides = array<i32>} : memref<4x1280xi32, #tpu.memory_space<vmem>>, vector<1x16xi32>,
      %swap3A_100 = vector.shape_cast %swap3A_99 : vector<1x16xi32> to vector<16xi32>
      %swap3A_101 = vector.shape_cast %select_n3A_94 : vector<16xi32> to vector<1x16xi32>
      tpu.vector_store %arg11[%swap3A_97, %swap3A_98], %swap3A_101 {strides = array<i32>} : memref<4x1280xi32, #tpu.memory_space<vmem>>, vector<1x16xi32>,
      %mul3A_102 = arith.constant 80 : i32
      %mul3A_103 = arith.muli %scan3A_28, %mul3A_102 : i32
      %add3A_104 = arith.constant 16 : i32
      %add3A_105 = arith.addi %mul3A_103, %add3A_104 : i32
      %get3A_106 = arith.index_cast %add3A_105 : i32 to index
      %get3A_107 = tpu.vector_load %arg7[%get3A_106] {strides = array<i32>} : memref<5120xi32, #tpu.memory_space<vmem>>, vector<16xi32>,
      %get3A_108 = vector.shape_cast %get3A_107 : vector<16xi32> to vector<16xi32>
      %get3A_109 = arith.index_cast %add3A_105 : i32 to index
      %get3A_110 = tpu.vector_load %arg9[%get3A_109] {strides = array<i32>} : memref<5120xi32, #tpu.memory_space<vmem>>, vector<16xi32>,
      %get3A_111 = vector.shape_cast %get3A_110 : vector<16xi32> to vector<16xi32>
      %get3A_112 = arith.index_cast %add3A_105 : i32 to index
      %get3A_113 = tpu.vector_load %arg8[%get3A_112] {strides = array<i32>} : memref<5120xi32, #tpu.memory_space<vmem>>, vector<16xi32>,
      %get3A_114 = vector.shape_cast %get3A_113 : vector<16xi32> to vector<16xi32>
      %add3A_115 = vector.broadcast %add3A_105 : i32 to vector<16xi32>
      %add3A_116 = arith.addi %add3A_115, %iota3A : vector<16xi32>
      %lt3A_117 = arith.constant 5000 : i32
      %lt3A_118 = vector.broadcast %lt3A_117 : i32 to vector<16xi32>
      %lt3A_119 = arith.cmpi slt, %add3A_116, %lt3A_118 : vector<16xi32>
      %mul3A_120 = arith.constant 10000 : i32
      %mul3A_121 = vector.broadcast %mul3A_120 : i32 to vector<16xi32>
      %mul3A_122 = arith.muli %get3A_111, %mul3A_121 : vector<16xi32>
      %add3A_123 = arith.addi %mul3A_122, %get3A_108 : vector<16xi32>
      %jit3A_124 = arith.constant 0 : i32
      %broadcast_in_dim3A_125 = vector.broadcast %jit3A_124 : i32 to vector<16xi32>
      %select_n3A_126 = arith.select %lt3A_119, %add3A_123, %broadcast_in_dim3A_125 : vector<16xi1>, vector<16xi32>
      %add3A_127 = arith.constant 16 : i32
      %add3A_128 = arith.addi %mul3A_60, %add3A_127 : i32
      %swap3A_129 = arith.index_cast %select_n3A : i32 to index
      %swap3A_130 = arith.index_cast %add3A_128 : i32 to index
      %swap3A_131 = tpu.vector_load %arg10[%swap3A_129, %swap3A_130] {strides = array<i32>} : memref<4x1280xi32, #tpu.memory_space<vmem>>, vector<1x16xi32>,
      %swap3A_132 = vector.shape_cast %swap3A_131 : vector<1x16xi32> to vector<16xi32>
      %swap3A_133 = vector.shape_cast %select_n3A_126 : vector<16xi32> to vector<1x16xi32>
      tpu.vector_store %arg10[%swap3A_129, %swap3A_130], %swap3A_133 {strides = array<i32>} : memref<4x1280xi32, #tpu.memory_space<vmem>>, vector<1x16xi32>,
      %add3A_134 = arith.constant 10000 : i32
      %add3A_135 = arith.addi %add3A_134, %arg1 : i32
      %broadcast_in_dim3A_136 = vector.broadcast %add3A_135 : i32 to vector<16xi32>
      %select_n3A_137 = arith.select %lt3A_119, %get3A_114, %broadcast_in_dim3A_136 : vector<16xi1>, vector<16xi32>
      %add3A_138 = arith.constant 16 : i32
      %add3A_139 = arith.addi %mul3A_60, %add3A_138 : i32
      %swap3A_140 = arith.index_cast %select_n3A : i32 to index
      %swap3A_141 = arith.index_cast %add3A_139 : i32 to index
      %swap3A_142 = tpu.vector_load %arg11[%swap3A_140, %swap3A_141] {strides = array<i32>} : memref<4x1280xi32, #tpu.memory_space<vmem>>, vector<1x16xi32>,
      %swap3A_143 = vector.shape_cast %swap3A_142 : vector<1x16xi32> to vector<16xi32>
      %swap3A_144 = vector.shape_cast %select_n3A_137 : vector<16xi32> to vector<1x16xi32>
      tpu.vector_store %arg11[%swap3A_140, %swap3A_141], %swap3A_144 {strides = array<i32>} : memref<4x1280xi32, #tpu.memory_space<vmem>>, vector<1x16xi32>,
      %mul3A_145 = arith.constant 80 : i32
      %mul3A_146 = arith.muli %scan3A_28, %mul3A_145 : i32
      %add3A_147 = arith.constant 32 : i32
      %add3A_148 = arith.addi %mul3A_146, %add3A_147 : i32
      %get3A_149 = arith.index_cast %add3A_148 : i32 to index
      %get3A_150 = tpu.vector_load %arg7[%get3A_149] {strides = array<i32>} : memref<5120xi32, #tpu.memory_space<vmem>>, vector<16xi32>,
      %get3A_151 = vector.shape_cast %get3A_150 : vector<16xi32> to vector<16xi32>
      %get3A_152 = arith.index_cast %add3A_148 : i32 to index
      %get3A_153 = tpu.vector_load %arg9[%get3A_152] {strides = array<i32>} : memref<5120xi32, #tpu.memory_space<vmem>>, vector<16xi32>,
      %get3A_154 = vector.shape_cast %get3A_153 : vector<16xi32> to vector<16xi32>
      %get3A_155 = arith.index_cast %add3A_148 : i32 to index
      %get3A_156 = tpu.vector_load %arg8[%get3A_155] {strides = array<i32>} : memref<5120xi32, #tpu.memory_space<vmem>>, vector<16xi32>,
      %get3A_157 = vector.shape_cast %get3A_156 : vector<16xi32> to vector<16xi32>
      %add3A_158 = vector.broadcast %add3A_148 : i32 to vector<16xi32>
      %add3A_159 = arith.addi %add3A_158, %iota3A : vector<16xi32>
      %lt3A_160 = arith.constant 5000 : i32
      %lt3A_161 = vector.broadcast %lt3A_160 : i32 to vector<16xi32>
      %lt3A_162 = arith.cmpi slt, %add3A_159, %lt3A_161 : vector<16xi32>
      %mul3A_163 = arith.constant 10000 : i32
      %mul3A_164 = vector.broadcast %mul3A_163 : i32 to vector<16xi32>
      %mul3A_165 = arith.muli %get3A_154, %mul3A_164 : vector<16xi32>
      %add3A_166 = arith.addi %mul3A_165, %get3A_151 : vector<16xi32>
      %jit3A_167 = arith.constant 0 : i32
      %broadcast_in_dim3A_168 = vector.broadcast %jit3A_167 : i32 to vector<16xi32>
      %select_n3A_169 = arith.select %lt3A_162, %add3A_166, %broadcast_in_dim3A_168 : vector<16xi1>, vector<16xi32>
      %add3A_170 = arith.constant 32 : i32
      %add3A_171 = arith.addi %mul3A_60, %add3A_170 : i32
      %swap3A_172 = arith.index_cast %select_n3A : i32 to index
      %swap3A_173 = arith.index_cast %add3A_171 : i32 to index
      %swap3A_174 = tpu.vector_load %arg10[%swap3A_172, %swap3A_173] {strides = array<i32>} : memref<4x1280xi32, #tpu.memory_space<vmem>>, vector<1x16xi32>,
      %swap3A_175 = vector.shape_cast %swap3A_174 : vector<1x16xi32> to vector<16xi32>
      %swap3A_176 = vector.shape_cast %select_n3A_169 : vector<16xi32> to vector<1x16xi32>
      tpu.vector_store %arg10[%swap3A_172, %swap3A_173], %swap3A_176 {strides = array<i32>} : memref<4x1280xi32, #tpu.memory_space<vmem>>, vector<1x16xi32>,
      %add3A_177 = arith.constant 10000 : i32
      %add3A_178 = arith.addi %add3A_177, %arg1 : i32
      %broadcast_in_dim3A_179 = vector.broadcast %add3A_178 : i32 to vector<16xi32>
      %select_n3A_180 = arith.select %lt3A_162, %get3A_157, %broadcast_in_dim3A_179 : vector<16xi1>, vector<16xi32>
      %add3A_181 = arith.constant 32 : i32
      %add3A_182 = arith.addi %mul3A_60, %add3A_181 : i32
      %swap3A_183 = arith.index_cast %select_n3A : i32 to index
      %swap3A_184 = arith.index_cast %add3A_182 : i32 to index
      %swap3A_185 = tpu.vector_load %arg11[%swap3A_183, %swap3A_184] {strides = array<i32>} : memref<4x1280xi32, #tpu.memory_space<vmem>>, vector<1x16xi32>,
      %swap3A_186 = vector.shape_cast %swap3A_185 : vector<1x16xi32> to vector<16xi32>
      %swap3A_187 = vector.shape_cast %select_n3A_180 : vector<16xi32> to vector<1x16xi32>
      tpu.vector_store %arg11[%swap3A_183, %swap3A_184], %swap3A_187 {strides = array<i32>} : memref<4x1280xi32, #tpu.memory_space<vmem>>, vector<1x16xi32>,
      %mul3A_188 = arith.constant 80 : i32
      %mul3A_189 = arith.muli %scan3A_28, %mul3A_188 : i32
      %add3A_190 = arith.constant 48 : i32
      %add3A_191 = arith.addi %mul3A_189, %add3A_190 : i32
      %get3A_192 = arith.index_cast %add3A_191 : i32 to index
      %get3A_193 = tpu.vector_load %arg7[%get3A_192] {strides = array<i32>} : memref<5120xi32, #tpu.memory_space<vmem>>, vector<16xi32>,
      %get3A_194 = vector.shape_cast %get3A_193 : vector<16xi32> to vector<16xi32>
      %get3A_195 = arith.index_cast %add3A_191 : i32 to index
      %get3A_196 = tpu.vector_load %arg9[%get3A_195] {strides = array<i32>} : memref<5120xi32, #tpu.memory_space<vmem>>, vector<16xi32>,
      %get3A_197 = vector.shape_cast %get3A_196 : vector<16xi32> to vector<16xi32>
      %get3A_198 = arith.index_cast %add3A_191 : i32 to index
      %get3A_199 = tpu.vector_load %arg8[%get3A_198] {strides = array<i32>} : memref<5120xi32, #tpu.memory_space<vmem>>, vector<16xi32>,
      %get3A_200 = vector.shape_cast %get3A_199 : vector<16xi32> to vector<16xi32>
      %add3A_201 = vector.broadcast %add3A_191 : i32 to vector<16xi32>
      %add3A_202 = arith.addi %add3A_201, %iota3A : vector<16xi32>
      %lt3A_203 = arith.constant 5000 : i32
      %lt3A_204 = vector.broadcast %lt3A_203 : i32 to vector<16xi32>
      %lt3A_205 = arith.cmpi slt, %add3A_202, %lt3A_204 : vector<16xi32>
      %mul3A_206 = arith.constant 10000 : i32
      %mul3A_207 = vector.broadcast %mul3A_206 : i32 to vector<16xi32>
      %mul3A_208 = arith.muli %get3A_197, %mul3A_207 : vector<16xi32>
      %add3A_209 = arith.addi %mul3A_208, %get3A_194 : vector<16xi32>
      %jit3A_210 = arith.constant 0 : i32
      %broadcast_in_dim3A_211 = vector.broadcast %jit3A_210 : i32 to vector<16xi32>
      %select_n3A_212 = arith.select %lt3A_205, %add3A_209, %broadcast_in_dim3A_211 : vector<16xi1>, vector<16xi32>
      %add3A_213 = arith.constant 48 : i32
      %add3A_214 = arith.addi %mul3A_60, %add3A_213 : i32
      %swap3A_215 = arith.index_cast %select_n3A : i32 to index
      %swap3A_216 = arith.index_cast %add3A_214 : i32 to index
      %swap3A_217 = tpu.vector_load %arg10[%swap3A_215, %swap3A_216] {strides = array<i32>} : memref<4x1280xi32, #tpu.memory_space<vmem>>, vector<1x16xi32>,
      %swap3A_218 = vector.shape_cast %swap3A_217 : vector<1x16xi32> to vector<16xi32>
      %swap3A_219 = vector.shape_cast %select_n3A_212 : vector<16xi32> to vector<1x16xi32>
      tpu.vector_store %arg10[%swap3A_215, %swap3A_216], %swap3A_219 {strides = array<i32>} : memref<4x1280xi32, #tpu.memory_space<vmem>>, vector<1x16xi32>,
      %add3A_220 = arith.constant 10000 : i32
      %add3A_221 = arith.addi %add3A_220, %arg1 : i32
      %broadcast_in_dim3A_222 = vector.broadcast %add3A_221 : i32 to vector<16xi32>
      %select_n3A_223 = arith.select %lt3A_205, %get3A_200, %broadcast_in_dim3A_222 : vector<16xi1>, vector<16xi32>
      %add3A_224 = arith.constant 48 : i32
      %add3A_225 = arith.addi %mul3A_60, %add3A_224 : i32
      %swap3A_226 = arith.index_cast %select_n3A : i32 to index
      %swap3A_227 = arith.index_cast %add3A_225 : i32 to index
      %swap3A_228 = tpu.vector_load %arg11[%swap3A_226, %swap3A_227] {strides = array<i32>} : memref<4x1280xi32, #tpu.memory_space<vmem>>, vector<1x16xi32>,
      %swap3A_229 = vector.shape_cast %swap3A_228 : vector<1x16xi32> to vector<16xi32>
      %swap3A_230 = vector.shape_cast %select_n3A_223 : vector<16xi32> to vector<1x16xi32>
      tpu.vector_store %arg11[%swap3A_226, %swap3A_227], %swap3A_230 {strides = array<i32>} : memref<4x1280xi32, #tpu.memory_space<vmem>>, vector<1x16xi32>,
      %mul3A_231 = arith.constant 80 : i32
      %mul3A_232 = arith.muli %scan3A_28, %mul3A_231 : i32
      %add3A_233 = arith.constant 64 : i32
      %add3A_234 = arith.addi %mul3A_232, %add3A_233 : i32
      %get3A_235 = arith.index_cast %add3A_234 : i32 to index
      %get3A_236 = tpu.vector_load %arg7[%get3A_235] {strides = array<i32>} : memref<5120xi32, #tpu.memory_space<vmem>>, vector<16xi32>,
      %get3A_237 = vector.shape_cast %get3A_236 : vector<16xi32> to vector<16xi32>
      %get3A_238 = arith.index_cast %add3A_234 : i32 to index
      %get3A_239 = tpu.vector_load %arg9[%get3A_238] {strides = array<i32>} : memref<5120xi32, #tpu.memory_space<vmem>>, vector<16xi32>,
      %get3A_240 = vector.shape_cast %get3A_239 : vector<16xi32> to vector<16xi32>
      %get3A_241 = arith.index_cast %add3A_234 : i32 to index
      %get3A_242 = tpu.vector_load %arg8[%get3A_241] {strides = array<i32>} : memref<5120xi32, #tpu.memory_space<vmem>>, vector<16xi32>,
      %get3A_243 = vector.shape_cast %get3A_242 : vector<16xi32> to vector<16xi32>
      %add3A_244 = vector.broadcast %add3A_234 : i32 to vector<16xi32>
      %add3A_245 = arith.addi %add3A_244, %iota3A : vector<16xi32>
      %lt3A_246 = arith.constant 5000 : i32
      %lt3A_247 = vector.broadcast %lt3A_246 : i32 to vector<16xi32>
      %lt3A_248 = arith.cmpi slt, %add3A_245, %lt3A_247 : vector<16xi32>
      %mul3A_249 = arith.constant 10000 : i32
      %mul3A_250 = vector.broadcast %mul3A_249 : i32 to vector<16xi32>
      %mul3A_251 = arith.muli %get3A_240, %mul3A_250 : vector<16xi32>
      %add3A_252 = arith.addi %mul3A_251, %get3A_237 : vector<16xi32>
      %jit3A_253 = arith.constant 0 : i32
      %broadcast_in_dim3A_254 = vector.broadcast %jit3A_253 : i32 to vector<16xi32>
      %select_n3A_255 = arith.select %lt3A_248, %add3A_252, %broadcast_in_dim3A_254 : vector<16xi1>, vector<16xi32>
      %add3A_256 = arith.constant 64 : i32
      %add3A_257 = arith.addi %mul3A_60, %add3A_256 : i32
      %swap3A_258 = arith.index_cast %select_n3A : i32 to index
      %swap3A_259 = arith.index_cast %add3A_257 : i32 to index
      %swap3A_260 = tpu.vector_load %arg10[%swap3A_258, %swap3A_259] {strides = array<i32>} : memref<4x1280xi32, #tpu.memory_space<vmem>>, vector<1x16xi32>,
      %swap3A_261 = vector.shape_cast %swap3A_260 : vector<1x16xi32> to vector<16xi32>
      %swap3A_262 = vector.shape_cast %select_n3A_255 : vector<16xi32> to vector<1x16xi32>
      tpu.vector_store %arg10[%swap3A_258, %swap3A_259], %swap3A_262 {strides = array<i32>} : memref<4x1280xi32, #tpu.memory_space<vmem>>, vector<1x16xi32>,
      %add3A_263 = arith.constant 10000 : i32
      %add3A_264 = arith.addi %add3A_263, %arg1 : i32
      %broadcast_in_dim3A_265 = vector.broadcast %add3A_264 : i32 to vector<16xi32>
      %select_n3A_266 = arith.select %lt3A_248, %get3A_243, %broadcast_in_dim3A_265 : vector<16xi1>, vector<16xi32>
      %add3A_267 = arith.constant 64 : i32
      %add3A_268 = arith.addi %mul3A_60, %add3A_267 : i32
      %swap3A_269 = arith.index_cast %select_n3A : i32 to index
      %swap3A_270 = arith.index_cast %add3A_268 : i32 to index
      %swap3A_271 = tpu.vector_load %arg11[%swap3A_269, %swap3A_270] {strides = array<i32>} : memref<4x1280xi32, #tpu.memory_space<vmem>>, vector<1x16xi32>,
      %swap3A_272 = vector.shape_cast %swap3A_271 : vector<1x16xi32> to vector<16xi32>
      %swap3A_273 = vector.shape_cast %select_n3A_266 : vector<16xi32> to vector<1x16xi32>
      tpu.vector_store %arg11[%swap3A_269, %swap3A_270], %swap3A_273 {strides = array<i32>} : memref<4x1280xi32, #tpu.memory_space<vmem>>, vector<1x16xi32>,
    }
    %scan3A_8 = arith.constant 64 : i32
    %scan3A_9 = arith.constant 0 : i32
    %scan3A_10 = arith.constant 0 : i32
    %scan3A_11 = arith.constant 640 : i32
    %scan3A_12 = arith.addi %scan3A_10, %scan3A_11 : i32
    %scan3A_13 = arith.constant 1 : i32
    scf.for %scan3A_28 = %scan3A_10 to %scan3A_12 step %scan3A_13  : i32 {
      %swap3A = arith.index_cast %scan3A_28 : i32 to index
      %swap3A_29 = arith.constant 0 : index
      %swap3A_30 = tpu.vector_load %arg13[%swap3A, %swap3A_29] {strides = array<i32>} : memref<640x16xf32, #tpu.memory_space<vmem>>, vector<1x16xf32>,
      %swap3A_31 = vector.shape_cast %swap3A_30 : vector<1x16xf32> to vector<16xf32>
      %swap3A_32 = vector.shape_cast %broadcast_in_dim3A_3 : vector<16xf32> to vector<1x16xf32>
      tpu.vector_store %arg13[%swap3A, %swap3A_29], %swap3A_32 {strides = array<i32>} : memref<640x16xf32, #tpu.memory_space<vmem>>, vector<1x16xf32>,
    }
    %scan3A_14 = arith.constant 640 : i32
    %mul3A_15 = arith.constant 640 : i32
    %mul3A_16 = arith.muli %arg1, %mul3A_15 : i32
    "tpu.region"() ({
      %run_scoped3A = tpu.sem_alloc : memref<!tpu.dma_semaphore, #tpu.memory_space<semaphore_mem>>
      %dma_start3A = arith.constant 0 : i32
      %dma_start3A_28 = tpu.memref_slice %arg14[%mul3A_16, %dma_start3A] : memref<10240x16xf32, #tpu.memory_space<vmem_shared>> -> memref<640x16xf32, #tpu.memory_space<vmem_shared>>
      %dma_start3A_29 = arith.constant 0 : i32
      %dma_start3A_30 = tpu.memref_slice %arg14[%mul3A_16, %dma_start3A_29] : memref<10240x16xf32, #tpu.memory_space<vmem_shared>> -> memref<640x16xf32, #tpu.memory_space<vmem_shared>>
      tpu.enqueue_dma source(%arg13 : memref<640x16xf32, #tpu.memory_space<vmem>>) target(%dma_start3A_30 : memref<640x16xf32, #tpu.memory_space<vmem_shared>>) target_semaphore(%run_scoped3A : memref<!tpu.dma_semaphore, #tpu.memory_space<semaphore_mem>>)
      %dma_wait3A = arith.constant 0 : i32
      %dma_wait3A_31 = tpu.memref_slice %arg14[%mul3A_16, %dma_wait3A] : memref<10240x16xf32, #tpu.memory_space<vmem_shared>> -> memref<640x16xf32, #tpu.memory_space<vmem_shared>>
      %dma_wait3A_32 = arith.constant 0 : i32
      %dma_wait3A_33 = tpu.memref_slice %arg14[%mul3A_16, %dma_wait3A_32] : memref<10240x16xf32, #tpu.memory_space<vmem_shared>> -> memref<640x16xf32, #tpu.memory_space<vmem_shared>>
      tpu.wait_dma2 semaphore(%run_scoped3A : memref<!tpu.dma_semaphore, #tpu.memory_space<semaphore_mem>>) src(%arg13 : memref<640x16xf32, #tpu.memory_space<vmem>>) dst(%dma_wait3A_33 : memref<640x16xf32, #tpu.memory_space<vmem_shared>>)
      tpu.yield
    }) : () -> ()
    %barrier3A = arith.constant 0 : index
    tpu.barrier barrier_id(%barrier3A)
    %scan3A_17 = arith.constant 0 : i32
    %scan3A_18 = arith.constant 0 : i32
    %scan3A_19 = arith.constant 4 : i32
    %scan3A_20 = arith.addi %scan3A_18, %scan3A_19 : i32
    %scan3A_21 = arith.constant 1 : i32
    scf.for %scan3A_28 = %scan3A_18 to %scan3A_20 step %scan3A_21  : i32 {
      %dma_start3A = arith.constant 0 : i32
      %dma_start3A_29 = tpu.memref_slice %arg10[%scan3A_28, %dma_start3A] : memref<4x1280xi32, #tpu.memory_space<vmem>> -> memref<1x1280xi32, #tpu.memory_space<vmem>>
      %dma_start3A_30 = tpu.memref_squeeze %dma_start3A_29 : memref<1x1280xi32, #tpu.memory_space<vmem>> -> memref<1280xi32, #tpu.memory_space<vmem>>
      %dma_start3A_31 = arith.constant 0 : i32
      %dma_start3A_32 = arith.constant 0 : i32
      %dma_start3A_33 = tpu.memref_slice %arg2[%dma_start3A_31, %dma_start3A_32] : memref<40000x16xf32, #tpu.memory_space<hbm>> -> memref<40000x16xf32, #tpu.memory_space<hbm>>
      tpu.enqueue_indirect_dma source(%dma_start3A_33 : memref<40000x16xf32, #tpu.memory_space<hbm>>) target(%arg12 : memref<1280x16xf32, #tpu.memory_space<vmem>>) offsets(%dma_start3A_30 : memref<1280xi32, #tpu.memory_space<vmem>>) semaphore(%arg15 : memref<!tpu.dma_semaphore, #tpu.memory_space<semaphore_mem>>)
      %dma_wait3A = arith.constant 0 : i32
      %dma_wait3A_34 = tpu.memref_slice %arg10[%scan3A_28, %dma_wait3A] : memref<4x1280xi32, #tpu.memory_space<vmem>> -> memref<1x1280xi32, #tpu.memory_space<vmem>>
      %dma_wait3A_35 = tpu.memref_squeeze %dma_wait3A_34 : memref<1x1280xi32, #tpu.memory_space<vmem>> -> memref<1280xi32, #tpu.memory_space<vmem>>
      %dma_wait3A_36 = arith.constant 0 : i32
      %dma_wait3A_37 = arith.constant 0 : i32
      %dma_wait3A_38 = tpu.memref_slice %arg2[%dma_wait3A_36, %dma_wait3A_37] : memref<40000x16xf32, #tpu.memory_space<hbm>> -> memref<40000x16xf32, #tpu.memory_space<hbm>>
      tpu.wait_indirect_dma semaphore(%arg15 : memref<!tpu.dma_semaphore, #tpu.memory_space<semaphore_mem>>) src(%dma_wait3A_38 : memref<40000x16xf32, #tpu.memory_space<hbm>>) dst(%arg12 : memref<1280x16xf32, #tpu.memory_space<vmem>>)
      "tpu.region"() ({
        %run_scoped3A = tpu.sem_alloc : memref<!tpu.dma_semaphore, #tpu.memory_space<semaphore_mem>>
        %dma_start3A_39 = arith.constant 0 : i32
        %dma_start3A_40 = tpu.memref_slice %arg11[%scan3A_28, %dma_start3A_39] : memref<4x1280xi32, #tpu.memory_space<vmem>> -> memref<1x1280xi32, #tpu.memory_space<vmem>>
        %dma_start3A_41 = tpu.memref_squeeze %dma_start3A_40 : memref<1x1280xi32, #tpu.memory_space<vmem>> -> memref<1280xi32, #tpu.memory_space<vmem>>
        %dma_start3A_42 = arith.constant 0 : i32
        %dma_start3A_43 = arith.constant 0 : i32
        %dma_start3A_44 = tpu.memref_slice %arg14[%dma_start3A_42, %dma_start3A_43] : memref<10240x16xf32, #tpu.memory_space<vmem_shared>> -> memref<10240x16xf32, #tpu.memory_space<vmem_shared>>
        tpu.enqueue_indirect_dma source(%arg12 : memref<1280x16xf32, #tpu.memory_space<vmem>>) target(%dma_start3A_44 : memref<10240x16xf32, #tpu.memory_space<vmem_shared>>) offsets(%dma_start3A_41 : memref<1280xi32, #tpu.memory_space<vmem>>) semaphore(%run_scoped3A : memref<!tpu.dma_semaphore, #tpu.memory_space<semaphore_mem>>) {add = true}
        %dma_wait3A_45 = arith.constant 0 : i32
        %dma_wait3A_46 = tpu.memref_slice %arg11[%scan3A_28, %dma_wait3A_45] : memref<4x1280xi32, #tpu.memory_space<vmem>> -> memref<1x1280xi32, #tpu.memory_space<vmem>>
        %dma_wait3A_47 = tpu.memref_squeeze %dma_wait3A_46 : memref<1x1280xi32, #tpu.memory_space<vmem>> -> memref<1280xi32, #tpu.memory_space<vmem>>
        %dma_wait3A_48 = arith.constant 0 : i32
        %dma_wait3A_49 = arith.constant 0 : i32
        %dma_wait3A_50 = tpu.memref_slice %arg14[%dma_wait3A_48, %dma_wait3A_49] : memref<10240x16xf32, #tpu.memory_space<vmem_shared>> -> memref<10240x16xf32, #tpu.memory_space<vmem_shared>>
        tpu.wait_indirect_dma semaphore(%run_scoped3A : memref<!tpu.dma_semaphore, #tpu.memory_space<semaphore_mem>>) src(%arg12 : memref<1280x16xf32, #tpu.memory_space<vmem>>) dst(%dma_wait3A_50 : memref<10240x16xf32, #tpu.memory_space<vmem_shared>>)
        tpu.yield
      }) : () -> ()
    }
    %scan3A_22 = arith.constant 4 : i32
    %barrier3A_23 = arith.constant 0 : index
    tpu.barrier barrier_id(%barrier3A_23)
    %mul3A_24 = arith.constant 640 : i32
    %mul3A_25 = arith.muli %arg1, %mul3A_24 : i32
    "tpu.region"() ({
      %run_scoped3A = tpu.sem_alloc : memref<!tpu.dma_semaphore, #tpu.memory_space<semaphore_mem>>
      %dma_start3A = arith.constant 0 : i32
      %dma_start3A_28 = tpu.memref_slice %arg14[%mul3A_25, %dma_start3A] : memref<10240x16xf32, #tpu.memory_space<vmem_shared>> -> memref<640x16xf32, #tpu.memory_space<vmem_shared>>
      %dma_start3A_29 = arith.constant 0 : i32
      %dma_start3A_30 = tpu.memref_slice %arg14[%mul3A_25, %dma_start3A_29] : memref<10240x16xf32, #tpu.memory_space<vmem_shared>> -> memref<640x16xf32, #tpu.memory_space<vmem_shared>>
      tpu.enqueue_dma source(%dma_start3A_30 : memref<640x16xf32, #tpu.memory_space<vmem_shared>>) target(%arg13 : memref<640x16xf32, #tpu.memory_space<vmem>>) target_semaphore(%run_scoped3A : memref<!tpu.dma_semaphore, #tpu.memory_space<semaphore_mem>>)
      %dma_wait3A = arith.constant 0 : i32
      %dma_wait3A_31 = tpu.memref_slice %arg14[%mul3A_25, %dma_wait3A] : memref<10240x16xf32, #tpu.memory_space<vmem_shared>> -> memref<640x16xf32, #tpu.memory_space<vmem_shared>>
      %dma_wait3A_32 = arith.constant 0 : i32
      %dma_wait3A_33 = tpu.memref_slice %arg14[%mul3A_25, %dma_wait3A_32] : memref<10240x16xf32, #tpu.memory_space<vmem_shared>> -> memref<640x16xf32, #tpu.memory_space<vmem_shared>>
      tpu.wait_dma2 semaphore(%run_scoped3A : memref<!tpu.dma_semaphore, #tpu.memory_space<semaphore_mem>>) src(%dma_wait3A_33 : memref<640x16xf32, #tpu.memory_space<vmem_shared>>) dst(%arg13 : memref<640x16xf32, #tpu.memory_space<vmem>>)
      tpu.yield
    }) : () -> ()
    %mul3A_26 = arith.constant 640 : i32
    %mul3A_27 = arith.muli %arg1, %mul3A_26 : i32
    "tpu.region"() ({
      %run_scoped3A = tpu.sem_alloc : memref<!tpu.dma_semaphore, #tpu.memory_space<semaphore_mem>>
      %dma_start3A = arith.constant 0 : i32
      %dma_start3A_28 = tpu.memref_slice %arg6[%arg0, %mul3A_27, %dma_start3A] : memref<2x10240x16xf32, #tpu.memory_space<hbm>> -> memref<1x640x16xf32, #tpu.memory_space<hbm>>
      %dma_start3A_29 = tpu.memref_squeeze %dma_start3A_28 : memref<1x640x16xf32, #tpu.memory_space<hbm>> -> memref<640x16xf32, #tpu.memory_space<hbm>>
      %dma_start3A_30 = arith.constant 0 : i32
      %dma_start3A_31 = tpu.memref_slice %arg6[%arg0, %mul3A_27, %dma_start3A_30] : memref<2x10240x16xf32, #tpu.memory_space<hbm>> -> memref<1x640x16xf32, #tpu.memory_space<hbm>>
      %dma_start3A_32 = tpu.memref_squeeze %dma_start3A_31 : memref<1x640x16xf32, #tpu.memory_space<hbm>> -> memref<640x16xf32, #tpu.memory_space<hbm>>
      tpu.enqueue_dma source(%arg13 : memref<640x16xf32, #tpu.memory_space<vmem>>) target(%dma_start3A_32 : memref<640x16xf32, #tpu.memory_space<hbm>>) target_semaphore(%run_scoped3A : memref<!tpu.dma_semaphore, #tpu.memory_space<semaphore_mem>>)
      %dma_wait3A = arith.constant 0 : i32
      %dma_wait3A_33 = tpu.memref_slice %arg6[%arg0, %mul3A_27, %dma_wait3A] : memref<2x10240x16xf32, #tpu.memory_space<hbm>> -> memref<1x640x16xf32, #tpu.memory_space<hbm>>
      %dma_wait3A_34 = tpu.memref_squeeze %dma_wait3A_33 : memref<1x640x16xf32, #tpu.memory_space<hbm>> -> memref<640x16xf32, #tpu.memory_space<hbm>>
      %dma_wait3A_35 = arith.constant 0 : i32
      %dma_wait3A_36 = tpu.memref_slice %arg6[%arg0, %mul3A_27, %dma_wait3A_35] : memref<2x10240x16xf32, #tpu.memory_space<hbm>> -> memref<1x640x16xf32, #tpu.memory_space<hbm>>
      %dma_wait3A_37 = tpu.memref_squeeze %dma_wait3A_36 : memref<1x640x16xf32, #tpu.memory_space<hbm>> -> memref<640x16xf32, #tpu.memory_space<hbm>>
      tpu.wait_dma2 semaphore(%run_scoped3A : memref<!tpu.dma_semaphore, #tpu.memory_space<semaphore_mem>>) src(%arg13 : memref<640x16xf32, #tpu.memory_space<vmem>>) dst(%dma_wait3A_37 : memref<640x16xf32, #tpu.memory_space<hbm>>)
      tpu.yield
    }) : () -> ()
    return
  }
}

module attributes {stable_mosaic.version = 14 : i64} {
  func.func @_l1_body(%arg0: i32, %arg1: memref<2000x256xf32, #tpu.memory_space<vmem>>, %arg2: memref<1024x256xf32, #tpu.memory_space<vmem>>, %arg3: memref<4x4xf32, #tpu.memory_space<vmem>>, %arg4: memref<4x2000x256xf32, #tpu.memory_space<vmem>>) attributes {dimension_semantics = [#tpu.dimension_semantics<arbitrary>], iteration_bounds = array<i64: 5>, scalar_prefetch = 0 : i64, scratch_operands = 0 : i64, tpu.core_type = #tpu.core_type<tc>, window_params = [{transform_indices = @transform_0, window_bounds = array<i64: 2000, 256>}, {pipeline_mode = #tpu.pipeline_mode<synchronous>, transform_indices = @transform_1, window_bounds = array<i64: 1024, 256>}, {pipeline_mode = #tpu.pipeline_mode<synchronous>, transform_indices = @transform_2, window_bounds = array<i64: 4, 4>}, {transform_indices = @transform_3, window_bounds = array<i64: 4, 2000, 256>}]} {
    %get3A = arith.constant 0 : index
    %get3A_0 = arith.constant 0 : index
    %get3A_1 = vector.load %arg1[%get3A, %get3A_0] : memref<2000x256xf32, #tpu.memory_space<vmem>>, vector<2000x256xf32>
    %get3A_2 = arith.constant 0 : index
    %get3A_3 = arith.constant 0 : index
    %get3A_4 = vector.load %arg2[%get3A_2, %get3A_3] : memref<1024x256xf32, #tpu.memory_space<vmem>>, vector<1024x256xf32>
    %get3A_5 = arith.constant 0 : index
    %get3A_6 = arith.constant 0 : index
    %get3A_7 = vector.load %arg3[%get3A_5, %get3A_6] : memref<4x4xf32, #tpu.memory_space<vmem>>, vector<4x4xf32>
    %slice3A = vector.extract_strided_slice %get3A_4 {offsets = [0, 0], sizes = [256, 256], strides = [1, 1]} : vector<1024x256xf32> to vector<256x256xf32>
    %dot_general3A = arith.constant dense<0.000000e+00> : vector<2000x256xf32>
    %dot_general3A_8 = tpu.matmul %get3A_1, %slice3A, %dot_general3A {dimension_numbers = #tpu.dot_dimension_numbers<[1], [0], [0], [1], [0, 0, 1, 1], [], []>, transpose_lhs_hint = false} : vector<2000x256xf32>, vector<256x256xf32>, vector<2000x256xf32> -> vector<2000x256xf32>
    %slice3A_9 = vector.extract_strided_slice %get3A_4 {offsets = [256, 0], sizes = [256, 256], strides = [1, 1]} : vector<1024x256xf32> to vector<256x256xf32>
    %dot_general3A_10 = arith.constant dense<0.000000e+00> : vector<2000x256xf32>
    %dot_general3A_11 = tpu.matmul %get3A_1, %slice3A_9, %dot_general3A_10 {dimension_numbers = #tpu.dot_dimension_numbers<[1], [0], [0], [1], [0, 0, 1, 1], [], []>, transpose_lhs_hint = false} : vector<2000x256xf32>, vector<256x256xf32>, vector<2000x256xf32> -> vector<2000x256xf32>
    %slice3A_12 = vector.extract_strided_slice %get3A_4 {offsets = [512, 0], sizes = [256, 256], strides = [1, 1]} : vector<1024x256xf32> to vector<256x256xf32>
    %dot_general3A_13 = arith.constant dense<0.000000e+00> : vector<2000x256xf32>
    %dot_general3A_14 = tpu.matmul %get3A_1, %slice3A_12, %dot_general3A_13 {dimension_numbers = #tpu.dot_dimension_numbers<[1], [0], [0], [1], [0, 0, 1, 1], [], []>, transpose_lhs_hint = false} : vector<2000x256xf32>, vector<256x256xf32>, vector<2000x256xf32> -> vector<2000x256xf32>
    %slice3A_15 = vector.extract_strided_slice %get3A_4 {offsets = [768, 0], sizes = [256, 256], strides = [1, 1]} : vector<1024x256xf32> to vector<256x256xf32>
    %dot_general3A_16 = arith.constant dense<0.000000e+00> : vector<2000x256xf32>
    %dot_general3A_17 = tpu.matmul %get3A_1, %slice3A_15, %dot_general3A_16 {dimension_numbers = #tpu.dot_dimension_numbers<[1], [0], [0], [1], [0, 0, 1, 1], [], []>, transpose_lhs_hint = false} : vector<2000x256xf32>, vector<256x256xf32>, vector<2000x256xf32> -> vector<2000x256xf32>
    %slice3A_18 = vector.extract_strided_slice %get3A_7 {offsets = [0, 0], sizes = [1, 1], strides = [1, 1]} : vector<4x4xf32> to vector<1x1xf32>
    %mul3A = vector.broadcast %slice3A_18 : vector<1x1xf32> to vector<2000x256xf32>
    %mul3A_19 = arith.mulf %mul3A, %dot_general3A_8 : vector<2000x256xf32>
    %slice3A_20 = vector.extract_strided_slice %get3A_7 {offsets = [0, 1], sizes = [1, 1], strides = [1, 1]} : vector<4x4xf32> to vector<1x1xf32>
    %mul3A_21 = vector.broadcast %slice3A_20 : vector<1x1xf32> to vector<2000x256xf32>
    %mul3A_22 = arith.mulf %mul3A_21, %dot_general3A_11 : vector<2000x256xf32>
    %add3A = arith.addf %mul3A_19, %mul3A_22 : vector<2000x256xf32>
    %slice3A_23 = vector.extract_strided_slice %get3A_7 {offsets = [0, 2], sizes = [1, 1], strides = [1, 1]} : vector<4x4xf32> to vector<1x1xf32>
    %mul3A_24 = vector.broadcast %slice3A_23 : vector<1x1xf32> to vector<2000x256xf32>
    %mul3A_25 = arith.mulf %mul3A_24, %dot_general3A_14 : vector<2000x256xf32>
    %add3A_26 = arith.addf %add3A, %mul3A_25 : vector<2000x256xf32>
    %slice3A_27 = vector.extract_strided_slice %get3A_7 {offsets = [0, 3], sizes = [1, 1], strides = [1, 1]} : vector<4x4xf32> to vector<1x1xf32>
    %mul3A_28 = vector.broadcast %slice3A_27 : vector<1x1xf32> to vector<2000x256xf32>
    %mul3A_29 = arith.mulf %mul3A_28, %dot_general3A_17 : vector<2000x256xf32>
    %add3A_30 = arith.addf %add3A_26, %mul3A_29 : vector<2000x256xf32>
    %swap3A = arith.constant 0 : index
    %swap3A_31 = arith.constant 0 : index
    %swap3A_32 = arith.constant 0 : index
    %swap3A_33 = vector.load %arg4[%swap3A, %swap3A_31, %swap3A_32] : memref<4x2000x256xf32, #tpu.memory_space<vmem>>, vector<1x2000x256xf32>
    %swap3A_34 = vector.shape_cast %swap3A_33 : vector<1x2000x256xf32> to vector<2000x256xf32>
    %swap3A_35 = vector.shape_cast %add3A_30 : vector<2000x256xf32> to vector<1x2000x256xf32>
    tpu.vector_store %arg4[%swap3A, %swap3A_31, %swap3A_32], %swap3A_35 {strides = array<i32>} : memref<4x2000x256xf32, #tpu.memory_space<vmem>>, vector<1x2000x256xf32>,
    %slice3A_36 = vector.extract_strided_slice %get3A_7 {offsets = [1, 0], sizes = [1, 1], strides = [1, 1]} : vector<4x4xf32> to vector<1x1xf32>
    %mul3A_37 = vector.broadcast %slice3A_36 : vector<1x1xf32> to vector<2000x256xf32>
    %mul3A_38 = arith.mulf %mul3A_37, %dot_general3A_8 : vector<2000x256xf32>
    %slice3A_39 = vector.extract_strided_slice %get3A_7 {offsets = [1, 1], sizes = [1, 1], strides = [1, 1]} : vector<4x4xf32> to vector<1x1xf32>
    %mul3A_40 = vector.broadcast %slice3A_39 : vector<1x1xf32> to vector<2000x256xf32>
    %mul3A_41 = arith.mulf %mul3A_40, %dot_general3A_11 : vector<2000x256xf32>
    %add3A_42 = arith.addf %mul3A_38, %mul3A_41 : vector<2000x256xf32>
    %slice3A_43 = vector.extract_strided_slice %get3A_7 {offsets = [1, 2], sizes = [1, 1], strides = [1, 1]} : vector<4x4xf32> to vector<1x1xf32>
    %mul3A_44 = vector.broadcast %slice3A_43 : vector<1x1xf32> to vector<2000x256xf32>
    %mul3A_45 = arith.mulf %mul3A_44, %dot_general3A_14 : vector<2000x256xf32>
    %add3A_46 = arith.addf %add3A_42, %mul3A_45 : vector<2000x256xf32>
    %slice3A_47 = vector.extract_strided_slice %get3A_7 {offsets = [1, 3], sizes = [1, 1], strides = [1, 1]} : vector<4x4xf32> to vector<1x1xf32>
    %mul3A_48 = vector.broadcast %slice3A_47 : vector<1x1xf32> to vector<2000x256xf32>
    %mul3A_49 = arith.mulf %mul3A_48, %dot_general3A_17 : vector<2000x256xf32>
    %add3A_50 = arith.addf %add3A_46, %mul3A_49 : vector<2000x256xf32>
    %swap3A_51 = arith.constant 1 : index
    %swap3A_52 = arith.constant 0 : index
    %swap3A_53 = arith.constant 0 : index
    %swap3A_54 = vector.load %arg4[%swap3A_51, %swap3A_52, %swap3A_53] : memref<4x2000x256xf32, #tpu.memory_space<vmem>>, vector<1x2000x256xf32>
    %swap3A_55 = vector.shape_cast %swap3A_54 : vector<1x2000x256xf32> to vector<2000x256xf32>
    %swap3A_56 = vector.shape_cast %add3A_50 : vector<2000x256xf32> to vector<1x2000x256xf32>
    tpu.vector_store %arg4[%swap3A_51, %swap3A_52, %swap3A_53], %swap3A_56 {strides = array<i32>} : memref<4x2000x256xf32, #tpu.memory_space<vmem>>, vector<1x2000x256xf32>,
    %slice3A_57 = vector.extract_strided_slice %get3A_7 {offsets = [2, 0], sizes = [1, 1], strides = [1, 1]} : vector<4x4xf32> to vector<1x1xf32>
    %mul3A_58 = vector.broadcast %slice3A_57 : vector<1x1xf32> to vector<2000x256xf32>
    %mul3A_59 = arith.mulf %mul3A_58, %dot_general3A_8 : vector<2000x256xf32>
    %slice3A_60 = vector.extract_strided_slice %get3A_7 {offsets = [2, 1], sizes = [1, 1], strides = [1, 1]} : vector<4x4xf32> to vector<1x1xf32>
    %mul3A_61 = vector.broadcast %slice3A_60 : vector<1x1xf32> to vector<2000x256xf32>
    %mul3A_62 = arith.mulf %mul3A_61, %dot_general3A_11 : vector<2000x256xf32>
    %add3A_63 = arith.addf %mul3A_59, %mul3A_62 : vector<2000x256xf32>
    %slice3A_64 = vector.extract_strided_slice %get3A_7 {offsets = [2, 2], sizes = [1, 1], strides = [1, 1]} : vector<4x4xf32> to vector<1x1xf32>
    %mul3A_65 = vector.broadcast %slice3A_64 : vector<1x1xf32> to vector<2000x256xf32>
    %mul3A_66 = arith.mulf %mul3A_65, %dot_general3A_14 : vector<2000x256xf32>
    %add3A_67 = arith.addf %add3A_63, %mul3A_66 : vector<2000x256xf32>
    %slice3A_68 = vector.extract_strided_slice %get3A_7 {offsets = [2, 3], sizes = [1, 1], strides = [1, 1]} : vector<4x4xf32> to vector<1x1xf32>
    %mul3A_69 = vector.broadcast %slice3A_68 : vector<1x1xf32> to vector<2000x256xf32>
    %mul3A_70 = arith.mulf %mul3A_69, %dot_general3A_17 : vector<2000x256xf32>
    %add3A_71 = arith.addf %add3A_67, %mul3A_70 : vector<2000x256xf32>
    %swap3A_72 = arith.constant 2 : index
    %swap3A_73 = arith.constant 0 : index
    %swap3A_74 = arith.constant 0 : index
    %swap3A_75 = vector.load %arg4[%swap3A_72, %swap3A_73, %swap3A_74] : memref<4x2000x256xf32, #tpu.memory_space<vmem>>, vector<1x2000x256xf32>
    %swap3A_76 = vector.shape_cast %swap3A_75 : vector<1x2000x256xf32> to vector<2000x256xf32>
    %swap3A_77 = vector.shape_cast %add3A_71 : vector<2000x256xf32> to vector<1x2000x256xf32>
    tpu.vector_store %arg4[%swap3A_72, %swap3A_73, %swap3A_74], %swap3A_77 {strides = array<i32>} : memref<4x2000x256xf32, #tpu.memory_space<vmem>>, vector<1x2000x256xf32>,
    %slice3A_78 = vector.extract_strided_slice %get3A_7 {offsets = [3, 0], sizes = [1, 1], strides = [1, 1]} : vector<4x4xf32> to vector<1x1xf32>
    %mul3A_79 = vector.broadcast %slice3A_78 : vector<1x1xf32> to vector<2000x256xf32>
    %mul3A_80 = arith.mulf %mul3A_79, %dot_general3A_8 : vector<2000x256xf32>
    %slice3A_81 = vector.extract_strided_slice %get3A_7 {offsets = [3, 1], sizes = [1, 1], strides = [1, 1]} : vector<4x4xf32> to vector<1x1xf32>
    %mul3A_82 = vector.broadcast %slice3A_81 : vector<1x1xf32> to vector<2000x256xf32>
    %mul3A_83 = arith.mulf %mul3A_82, %dot_general3A_11 : vector<2000x256xf32>
    %add3A_84 = arith.addf %mul3A_80, %mul3A_83 : vector<2000x256xf32>
    %slice3A_85 = vector.extract_strided_slice %get3A_7 {offsets = [3, 2], sizes = [1, 1], strides = [1, 1]} : vector<4x4xf32> to vector<1x1xf32>
    %mul3A_86 = vector.broadcast %slice3A_85 : vector<1x1xf32> to vector<2000x256xf32>
    %mul3A_87 = arith.mulf %mul3A_86, %dot_general3A_14 : vector<2000x256xf32>
    %add3A_88 = arith.addf %add3A_84, %mul3A_87 : vector<2000x256xf32>
    %slice3A_89 = vector.extract_strided_slice %get3A_7 {offsets = [3, 3], sizes = [1, 1], strides = [1, 1]} : vector<4x4xf32> to vector<1x1xf32>
    %mul3A_90 = vector.broadcast %slice3A_89 : vector<1x1xf32> to vector<2000x256xf32>
    %mul3A_91 = arith.mulf %mul3A_90, %dot_general3A_17 : vector<2000x256xf32>
    %add3A_92 = arith.addf %add3A_88, %mul3A_91 : vector<2000x256xf32>
    %swap3A_93 = arith.constant 3 : index
    %swap3A_94 = arith.constant 0 : index
    %swap3A_95 = arith.constant 0 : index
    %swap3A_96 = vector.load %arg4[%swap3A_93, %swap3A_94, %swap3A_95] : memref<4x2000x256xf32, #tpu.memory_space<vmem>>, vector<1x2000x256xf32>
    %swap3A_97 = vector.shape_cast %swap3A_96 : vector<1x2000x256xf32> to vector<2000x256xf32>
    %swap3A_98 = vector.shape_cast %add3A_92 : vector<2000x256xf32> to vector<1x2000x256xf32>
    tpu.vector_store %arg4[%swap3A_93, %swap3A_94, %swap3A_95], %swap3A_98 {strides = array<i32>} : memref<4x2000x256xf32, #tpu.memory_space<vmem>>, vector<1x2000x256xf32>,
    return
  }
  func.func @transform_0(%arg0: i32) -> (i32, i32) {
    %c0_i32 = arith.constant 0 : i32
    %c0_i32_0 = arith.constant 0 : i32
    return %arg0, %c0_i32 : i32, i32
  }
  func.func @transform_1(%arg0: i32) -> (i32, i32) {
    %c0_i32 = arith.constant 0 : i32
    %c0_i32_0 = arith.constant 0 : i32
    %c0_i32_1 = arith.constant 0 : i32
    return %c0_i32, %c0_i32_0 : i32, i32
  }
  func.func @transform_2(%arg0: i32) -> (i32, i32) {
    %c0_i32 = arith.constant 0 : i32
    %c0_i32_0 = arith.constant 0 : i32
    %c0_i32_1 = arith.constant 0 : i32
    return %c0_i32, %c0_i32_0 : i32, i32
  }
  func.func @transform_3(%arg0: i32) -> (i32, i32, i32) {
    %c0_i32 = arith.constant 0 : i32
    %c0_i32_0 = arith.constant 0 : i32
    %c0_i32_1 = arith.constant 0 : i32
    return %c0_i32, %arg0, %c0_i32_0 : i32, i32, i32
  }
}

module attributes {stable_mosaic.version = 14 : i64} {
  func.func @_l2_body(%arg0: i32, %arg1: memref<4x2000x64xf32, #tpu.memory_space<vmem>>, %arg2: memref<1024x16xf32, #tpu.memory_space<vmem>>, %arg3: memref<4x4xf32, #tpu.memory_space<vmem>>, %arg4: memref<4x2000x16xf32, #tpu.memory_space<vmem>>) attributes {dimension_semantics = [#tpu.dimension_semantics<arbitrary>], iteration_bounds = array<i64: 5>, scalar_prefetch = 0 : i64, scratch_operands = 0 : i64, tpu.core_type = #tpu.core_type<tc>, window_params = [{transform_indices = @transform_0, window_bounds = array<i64: 4, 2000, 64>}, {pipeline_mode = #tpu.pipeline_mode<synchronous>, transform_indices = @transform_1, window_bounds = array<i64: 1024, 16>}, {pipeline_mode = #tpu.pipeline_mode<synchronous>, transform_indices = @transform_2, window_bounds = array<i64: 4, 4>}, {transform_indices = @transform_3, window_bounds = array<i64: 4, 2000, 16>}]} {
    %get3A = arith.constant 0 : index
    %get3A_0 = arith.constant 0 : index
    %get3A_1 = arith.constant 0 : index
    %get3A_2 = vector.load %arg1[%get3A, %get3A_0, %get3A_1] : memref<4x2000x64xf32, #tpu.memory_space<vmem>>, vector<1x2000x64xf32>
    %get3A_3 = vector.shape_cast %get3A_2 : vector<1x2000x64xf32> to vector<2000x64xf32>
    %get3A_4 = arith.constant 1 : index
    %get3A_5 = arith.constant 0 : index
    %get3A_6 = arith.constant 0 : index
    %get3A_7 = vector.load %arg1[%get3A_4, %get3A_5, %get3A_6] : memref<4x2000x64xf32, #tpu.memory_space<vmem>>, vector<1x2000x64xf32>
    %get3A_8 = vector.shape_cast %get3A_7 : vector<1x2000x64xf32> to vector<2000x64xf32>
    %get3A_9 = arith.constant 2 : index
    %get3A_10 = arith.constant 0 : index
    %get3A_11 = arith.constant 0 : index
    %get3A_12 = vector.load %arg1[%get3A_9, %get3A_10, %get3A_11] : memref<4x2000x64xf32, #tpu.memory_space<vmem>>, vector<1x2000x64xf32>
    %get3A_13 = vector.shape_cast %get3A_12 : vector<1x2000x64xf32> to vector<2000x64xf32>
    %get3A_14 = arith.constant 3 : index
    %get3A_15 = arith.constant 0 : index
    %get3A_16 = arith.constant 0 : index
    %get3A_17 = vector.load %arg1[%get3A_14, %get3A_15, %get3A_16] : memref<4x2000x64xf32, #tpu.memory_space<vmem>>, vector<1x2000x64xf32>
    %get3A_18 = vector.shape_cast %get3A_17 : vector<1x2000x64xf32> to vector<2000x64xf32>
    %concatenate3A = tpu.concatenate %get3A_3, %get3A_8, %get3A_13, %get3A_18 in 1 : vector<2000x64xf32>, vector<2000x64xf32>, vector<2000x64xf32>, vector<2000x64xf32> -> vector<2000x256xf32>
    %max3A = arith.constant 0.000000e+00 : f32
    %max3A_19 = vector.broadcast %max3A : f32 to vector<2000x256xf32>
    %max3A_20 = arith.maximumf %concatenate3A, %max3A_19 : vector<2000x256xf32>
    %get3A_21 = arith.constant 0 : index
    %get3A_22 = arith.constant 0 : index
    %get3A_23 = vector.load %arg2[%get3A_21, %get3A_22] : memref<1024x16xf32, #tpu.memory_space<vmem>>, vector<1024x16xf32>
    %get3A_24 = arith.constant 0 : index
    %get3A_25 = arith.constant 0 : index
    %get3A_26 = vector.load %arg3[%get3A_24, %get3A_25] : memref<4x4xf32, #tpu.memory_space<vmem>>, vector<4x4xf32>
    %slice3A = vector.extract_strided_slice %get3A_23 {offsets = [0, 0], sizes = [256, 16], strides = [1, 1]} : vector<1024x16xf32> to vector<256x16xf32>
    %slice3A_27 = vector.extract_strided_slice %get3A_23 {offsets = [256, 0], sizes = [256, 16], strides = [1, 1]} : vector<1024x16xf32> to vector<256x16xf32>
    %slice3A_28 = vector.extract_strided_slice %get3A_23 {offsets = [512, 0], sizes = [256, 16], strides = [1, 1]} : vector<1024x16xf32> to vector<256x16xf32>
    %slice3A_29 = vector.extract_strided_slice %get3A_23 {offsets = [768, 0], sizes = [256, 16], strides = [1, 1]} : vector<1024x16xf32> to vector<256x16xf32>
    %concatenate3A_30 = tpu.concatenate %slice3A, %slice3A_27, %slice3A_28, %slice3A_29 in 1 : vector<256x16xf32>, vector<256x16xf32>, vector<256x16xf32>, vector<256x16xf32> -> vector<256x64xf32>
    %dot_general3A = arith.constant dense<0.000000e+00> : vector<2000x64xf32>
    %dot_general3A_31 = tpu.matmul %max3A_20, %concatenate3A_30, %dot_general3A {dimension_numbers = #tpu.dot_dimension_numbers<[1], [0], [0], [1], [0, 0, 1, 1], [], []>, transpose_lhs_hint = false} : vector<2000x256xf32>, vector<256x64xf32>, vector<2000x64xf32> -> vector<2000x64xf32>
    %slice3A_32 = vector.extract_strided_slice %get3A_26 {offsets = [0, 0], sizes = [1, 1], strides = [1, 1]} : vector<4x4xf32> to vector<1x1xf32>
    %slice3A_33 = vector.extract_strided_slice %dot_general3A_31 {offsets = [0, 0], sizes = [2000, 16], strides = [1, 1]} : vector<2000x64xf32> to vector<2000x16xf32>
    %mul3A = vector.broadcast %slice3A_32 : vector<1x1xf32> to vector<2000x16xf32>
    %mul3A_34 = arith.mulf %mul3A, %slice3A_33 : vector<2000x16xf32>
    %slice3A_35 = vector.extract_strided_slice %get3A_26 {offsets = [0, 1], sizes = [1, 1], strides = [1, 1]} : vector<4x4xf32> to vector<1x1xf32>
    %slice3A_36 = vector.extract_strided_slice %dot_general3A_31 {offsets = [0, 16], sizes = [2000, 16], strides = [1, 1]} : vector<2000x64xf32> to vector<2000x16xf32>
    %mul3A_37 = vector.broadcast %slice3A_35 : vector<1x1xf32> to vector<2000x16xf32>
    %mul3A_38 = arith.mulf %mul3A_37, %slice3A_36 : vector<2000x16xf32>
    %add3A = arith.addf %mul3A_34, %mul3A_38 : vector<2000x16xf32>
    %slice3A_39 = vector.extract_strided_slice %get3A_26 {offsets = [0, 2], sizes = [1, 1], strides = [1, 1]} : vector<4x4xf32> to vector<1x1xf32>
    %slice3A_40 = vector.extract_strided_slice %dot_general3A_31 {offsets = [0, 32], sizes = [2000, 16], strides = [1, 1]} : vector<2000x64xf32> to vector<2000x16xf32>
    %mul3A_41 = vector.broadcast %slice3A_39 : vector<1x1xf32> to vector<2000x16xf32>
    %mul3A_42 = arith.mulf %mul3A_41, %slice3A_40 : vector<2000x16xf32>
    %add3A_43 = arith.addf %add3A, %mul3A_42 : vector<2000x16xf32>
    %slice3A_44 = vector.extract_strided_slice %get3A_26 {offsets = [0, 3], sizes = [1, 1], strides = [1, 1]} : vector<4x4xf32> to vector<1x1xf32>
    %slice3A_45 = vector.extract_strided_slice %dot_general3A_31 {offsets = [0, 48], sizes = [2000, 16], strides = [1, 1]} : vector<2000x64xf32> to vector<2000x16xf32>
    %mul3A_46 = vector.broadcast %slice3A_44 : vector<1x1xf32> to vector<2000x16xf32>
    %mul3A_47 = arith.mulf %mul3A_46, %slice3A_45 : vector<2000x16xf32>
    %add3A_48 = arith.addf %add3A_43, %mul3A_47 : vector<2000x16xf32>
    %swap3A = arith.constant 0 : index
    %swap3A_49 = arith.constant 0 : index
    %swap3A_50 = arith.constant 0 : index
    %swap3A_51 = vector.load %arg4[%swap3A, %swap3A_49, %swap3A_50] : memref<4x2000x16xf32, #tpu.memory_space<vmem>>, vector<1x2000x16xf32>
    %swap3A_52 = vector.shape_cast %swap3A_51 : vector<1x2000x16xf32> to vector<2000x16xf32>
    %swap3A_53 = vector.shape_cast %add3A_48 : vector<2000x16xf32> to vector<1x2000x16xf32>
    tpu.vector_store %arg4[%swap3A, %swap3A_49, %swap3A_50], %swap3A_53 {strides = array<i32>} : memref<4x2000x16xf32, #tpu.memory_space<vmem>>, vector<1x2000x16xf32>,
    %slice3A_54 = vector.extract_strided_slice %get3A_26 {offsets = [1, 0], sizes = [1, 1], strides = [1, 1]} : vector<4x4xf32> to vector<1x1xf32>
    %slice3A_55 = vector.extract_strided_slice %dot_general3A_31 {offsets = [0, 0], sizes = [2000, 16], strides = [1, 1]} : vector<2000x64xf32> to vector<2000x16xf32>
    %mul3A_56 = vector.broadcast %slice3A_54 : vector<1x1xf32> to vector<2000x16xf32>
    %mul3A_57 = arith.mulf %mul3A_56, %slice3A_55 : vector<2000x16xf32>
    %slice3A_58 = vector.extract_strided_slice %get3A_26 {offsets = [1, 1], sizes = [1, 1], strides = [1, 1]} : vector<4x4xf32> to vector<1x1xf32>
    %slice3A_59 = vector.extract_strided_slice %dot_general3A_31 {offsets = [0, 16], sizes = [2000, 16], strides = [1, 1]} : vector<2000x64xf32> to vector<2000x16xf32>
    %mul3A_60 = vector.broadcast %slice3A_58 : vector<1x1xf32> to vector<2000x16xf32>
    %mul3A_61 = arith.mulf %mul3A_60, %slice3A_59 : vector<2000x16xf32>
    %add3A_62 = arith.addf %mul3A_57, %mul3A_61 : vector<2000x16xf32>
    %slice3A_63 = vector.extract_strided_slice %get3A_26 {offsets = [1, 2], sizes = [1, 1], strides = [1, 1]} : vector<4x4xf32> to vector<1x1xf32>
    %slice3A_64 = vector.extract_strided_slice %dot_general3A_31 {offsets = [0, 32], sizes = [2000, 16], strides = [1, 1]} : vector<2000x64xf32> to vector<2000x16xf32>
    %mul3A_65 = vector.broadcast %slice3A_63 : vector<1x1xf32> to vector<2000x16xf32>
    %mul3A_66 = arith.mulf %mul3A_65, %slice3A_64 : vector<2000x16xf32>
    %add3A_67 = arith.addf %add3A_62, %mul3A_66 : vector<2000x16xf32>
    %slice3A_68 = vector.extract_strided_slice %get3A_26 {offsets = [1, 3], sizes = [1, 1], strides = [1, 1]} : vector<4x4xf32> to vector<1x1xf32>
    %slice3A_69 = vector.extract_strided_slice %dot_general3A_31 {offsets = [0, 48], sizes = [2000, 16], strides = [1, 1]} : vector<2000x64xf32> to vector<2000x16xf32>
    %mul3A_70 = vector.broadcast %slice3A_68 : vector<1x1xf32> to vector<2000x16xf32>
    %mul3A_71 = arith.mulf %mul3A_70, %slice3A_69 : vector<2000x16xf32>
    %add3A_72 = arith.addf %add3A_67, %mul3A_71 : vector<2000x16xf32>
    %swap3A_73 = arith.constant 1 : index
    %swap3A_74 = arith.constant 0 : index
    %swap3A_75 = arith.constant 0 : index
    %swap3A_76 = vector.load %arg4[%swap3A_73, %swap3A_74, %swap3A_75] : memref<4x2000x16xf32, #tpu.memory_space<vmem>>, vector<1x2000x16xf32>
    %swap3A_77 = vector.shape_cast %swap3A_76 : vector<1x2000x16xf32> to vector<2000x16xf32>
    %swap3A_78 = vector.shape_cast %add3A_72 : vector<2000x16xf32> to vector<1x2000x16xf32>
    tpu.vector_store %arg4[%swap3A_73, %swap3A_74, %swap3A_75], %swap3A_78 {strides = array<i32>} : memref<4x2000x16xf32, #tpu.memory_space<vmem>>, vector<1x2000x16xf32>,
    %slice3A_79 = vector.extract_strided_slice %get3A_26 {offsets = [2, 0], sizes = [1, 1], strides = [1, 1]} : vector<4x4xf32> to vector<1x1xf32>
    %slice3A_80 = vector.extract_strided_slice %dot_general3A_31 {offsets = [0, 0], sizes = [2000, 16], strides = [1, 1]} : vector<2000x64xf32> to vector<2000x16xf32>
    %mul3A_81 = vector.broadcast %slice3A_79 : vector<1x1xf32> to vector<2000x16xf32>
    %mul3A_82 = arith.mulf %mul3A_81, %slice3A_80 : vector<2000x16xf32>
    %slice3A_83 = vector.extract_strided_slice %get3A_26 {offsets = [2, 1], sizes = [1, 1], strides = [1, 1]} : vector<4x4xf32> to vector<1x1xf32>
    %slice3A_84 = vector.extract_strided_slice %dot_general3A_31 {offsets = [0, 16], sizes = [2000, 16], strides = [1, 1]} : vector<2000x64xf32> to vector<2000x16xf32>
    %mul3A_85 = vector.broadcast %slice3A_83 : vector<1x1xf32> to vector<2000x16xf32>
    %mul3A_86 = arith.mulf %mul3A_85, %slice3A_84 : vector<2000x16xf32>
    %add3A_87 = arith.addf %mul3A_82, %mul3A_86 : vector<2000x16xf32>
    %slice3A_88 = vector.extract_strided_slice %get3A_26 {offsets = [2, 2], sizes = [1, 1], strides = [1, 1]} : vector<4x4xf32> to vector<1x1xf32>
    %slice3A_89 = vector.extract_strided_slice %dot_general3A_31 {offsets = [0, 32], sizes = [2000, 16], strides = [1, 1]} : vector<2000x64xf32> to vector<2000x16xf32>
    %mul3A_90 = vector.broadcast %slice3A_88 : vector<1x1xf32> to vector<2000x16xf32>
    %mul3A_91 = arith.mulf %mul3A_90, %slice3A_89 : vector<2000x16xf32>
    %add3A_92 = arith.addf %add3A_87, %mul3A_91 : vector<2000x16xf32>
    %slice3A_93 = vector.extract_strided_slice %get3A_26 {offsets = [2, 3], sizes = [1, 1], strides = [1, 1]} : vector<4x4xf32> to vector<1x1xf32>
    %slice3A_94 = vector.extract_strided_slice %dot_general3A_31 {offsets = [0, 48], sizes = [2000, 16], strides = [1, 1]} : vector<2000x64xf32> to vector<2000x16xf32>
    %mul3A_95 = vector.broadcast %slice3A_93 : vector<1x1xf32> to vector<2000x16xf32>
    %mul3A_96 = arith.mulf %mul3A_95, %slice3A_94 : vector<2000x16xf32>
    %add3A_97 = arith.addf %add3A_92, %mul3A_96 : vector<2000x16xf32>
    %swap3A_98 = arith.constant 2 : index
    %swap3A_99 = arith.constant 0 : index
    %swap3A_100 = arith.constant 0 : index
    %swap3A_101 = vector.load %arg4[%swap3A_98, %swap3A_99, %swap3A_100] : memref<4x2000x16xf32, #tpu.memory_space<vmem>>, vector<1x2000x16xf32>
    %swap3A_102 = vector.shape_cast %swap3A_101 : vector<1x2000x16xf32> to vector<2000x16xf32>
    %swap3A_103 = vector.shape_cast %add3A_97 : vector<2000x16xf32> to vector<1x2000x16xf32>
    tpu.vector_store %arg4[%swap3A_98, %swap3A_99, %swap3A_100], %swap3A_103 {strides = array<i32>} : memref<4x2000x16xf32, #tpu.memory_space<vmem>>, vector<1x2000x16xf32>,
    %slice3A_104 = vector.extract_strided_slice %get3A_26 {offsets = [3, 0], sizes = [1, 1], strides = [1, 1]} : vector<4x4xf32> to vector<1x1xf32>
    %slice3A_105 = vector.extract_strided_slice %dot_general3A_31 {offsets = [0, 0], sizes = [2000, 16], strides = [1, 1]} : vector<2000x64xf32> to vector<2000x16xf32>
    %mul3A_106 = vector.broadcast %slice3A_104 : vector<1x1xf32> to vector<2000x16xf32>
    %mul3A_107 = arith.mulf %mul3A_106, %slice3A_105 : vector<2000x16xf32>
    %slice3A_108 = vector.extract_strided_slice %get3A_26 {offsets = [3, 1], sizes = [1, 1], strides = [1, 1]} : vector<4x4xf32> to vector<1x1xf32>
    %slice3A_109 = vector.extract_strided_slice %dot_general3A_31 {offsets = [0, 16], sizes = [2000, 16], strides = [1, 1]} : vector<2000x64xf32> to vector<2000x16xf32>
    %mul3A_110 = vector.broadcast %slice3A_108 : vector<1x1xf32> to vector<2000x16xf32>
    %mul3A_111 = arith.mulf %mul3A_110, %slice3A_109 : vector<2000x16xf32>
    %add3A_112 = arith.addf %mul3A_107, %mul3A_111 : vector<2000x16xf32>
    %slice3A_113 = vector.extract_strided_slice %get3A_26 {offsets = [3, 2], sizes = [1, 1], strides = [1, 1]} : vector<4x4xf32> to vector<1x1xf32>
    %slice3A_114 = vector.extract_strided_slice %dot_general3A_31 {offsets = [0, 32], sizes = [2000, 16], strides = [1, 1]} : vector<2000x64xf32> to vector<2000x16xf32>
    %mul3A_115 = vector.broadcast %slice3A_113 : vector<1x1xf32> to vector<2000x16xf32>
    %mul3A_116 = arith.mulf %mul3A_115, %slice3A_114 : vector<2000x16xf32>
    %add3A_117 = arith.addf %add3A_112, %mul3A_116 : vector<2000x16xf32>
    %slice3A_118 = vector.extract_strided_slice %get3A_26 {offsets = [3, 3], sizes = [1, 1], strides = [1, 1]} : vector<4x4xf32> to vector<1x1xf32>
    %slice3A_119 = vector.extract_strided_slice %dot_general3A_31 {offsets = [0, 48], sizes = [2000, 16], strides = [1, 1]} : vector<2000x64xf32> to vector<2000x16xf32>
    %mul3A_120 = vector.broadcast %slice3A_118 : vector<1x1xf32> to vector<2000x16xf32>
    %mul3A_121 = arith.mulf %mul3A_120, %slice3A_119 : vector<2000x16xf32>
    %add3A_122 = arith.addf %add3A_117, %mul3A_121 : vector<2000x16xf32>
    %swap3A_123 = arith.constant 3 : index
    %swap3A_124 = arith.constant 0 : index
    %swap3A_125 = arith.constant 0 : index
    %swap3A_126 = vector.load %arg4[%swap3A_123, %swap3A_124, %swap3A_125] : memref<4x2000x16xf32, #tpu.memory_space<vmem>>, vector<1x2000x16xf32>
    %swap3A_127 = vector.shape_cast %swap3A_126 : vector<1x2000x16xf32> to vector<2000x16xf32>
    %swap3A_128 = vector.shape_cast %add3A_122 : vector<2000x16xf32> to vector<1x2000x16xf32>
    tpu.vector_store %arg4[%swap3A_123, %swap3A_124, %swap3A_125], %swap3A_128 {strides = array<i32>} : memref<4x2000x16xf32, #tpu.memory_space<vmem>>, vector<1x2000x16xf32>,
    return
  }
  func.func @transform_0(%arg0: i32) -> (i32, i32, i32) {
    %c0_i32 = arith.constant 0 : i32
    %c0_i32_0 = arith.constant 0 : i32
    %c0_i32_1 = arith.constant 0 : i32
    return %c0_i32, %arg0, %c0_i32_0 : i32, i32, i32
  }
  func.func @transform_1(%arg0: i32) -> (i32, i32) {
    %c0_i32 = arith.constant 0 : i32
    %c0_i32_0 = arith.constant 0 : i32
    %c0_i32_1 = arith.constant 0 : i32
    return %c0_i32, %c0_i32_0 : i32, i32
  }
  func.func @transform_2(%arg0: i32) -> (i32, i32) {
    %c0_i32 = arith.constant 0 : i32
    %c0_i32_0 = arith.constant 0 : i32
    %c0_i32_1 = arith.constant 0 : i32
    return %c0_i32, %c0_i32_0 : i32, i32
  }
  func.func @transform_3(%arg0: i32) -> (i32, i32, i32) {
    %c0_i32 = arith.constant 0 : i32
    %c0_i32_0 = arith.constant 0 : i32
    %c0_i32_1 = arith.constant 0 : i32
    return %c0_i32, %arg0, %c0_i32_0 : i32, i32, i32
  }
}

module attributes {stable_mosaic.version = 14 : i64} {
  func.func @_softmax_body(%arg0: i32, %arg1: memref<2x2000x16xf32, #tpu.memory_space<vmem>>, %arg2: memref<2000x16xf32, #tpu.memory_space<vmem>>) attributes {dimension_semantics = [#tpu.dimension_semantics<arbitrary>], iteration_bounds = array<i64: 5>, scalar_prefetch = 0 : i64, scratch_operands = 0 : i64, tpu.core_type = #tpu.core_type<tc>, window_params = [{transform_indices = @transform_0, window_bounds = array<i64: 2, 2000, 16>}, {transform_indices = @transform_1, window_bounds = array<i64: 2000, 16>}]} {
    %get3A = arith.constant 0 : index
    %get3A_0 = arith.constant 0 : index
    %get3A_1 = arith.constant 0 : index
    %get3A_2 = vector.load %arg1[%get3A, %get3A_0, %get3A_1] : memref<2x2000x16xf32, #tpu.memory_space<vmem>>, vector<1x2000x16xf32>
    %get3A_3 = vector.shape_cast %get3A_2 : vector<1x2000x16xf32> to vector<2000x16xf32>
    %get3A_4 = arith.constant 1 : index
    %get3A_5 = arith.constant 0 : index
    %get3A_6 = arith.constant 0 : index
    %get3A_7 = vector.load %arg1[%get3A_4, %get3A_5, %get3A_6] : memref<2x2000x16xf32, #tpu.memory_space<vmem>>, vector<1x2000x16xf32>
    %get3A_8 = vector.shape_cast %get3A_7 : vector<1x2000x16xf32> to vector<2000x16xf32>
    %add3A = arith.addf %get3A_3, %get3A_8 : vector<2000x16xf32>
    %reduce_max3A = arith.constant dense<0xFF800000> : vector<2000xf32>
    %reduce_max3A_9 = vector.multi_reduction <maximumf>, %add3A, %reduce_max3A [1] : vector<2000x16xf32> to vector<2000xf32>
    %broadcast_in_dim3A = vector.shape_cast %reduce_max3A_9 : vector<2000xf32> to vector<2000x1xf32>
    %sub3A = vector.broadcast %broadcast_in_dim3A : vector<2000x1xf32> to vector<2000x16xf32>
    %sub3A_10 = arith.subf %add3A, %sub3A : vector<2000x16xf32>
    %exp3A = math.exp %sub3A_10 : vector<2000x16xf32>
    %reduce_sum3A = arith.constant dense<0.000000e+00> : vector<2000xf32>
    %reduce_sum3A_11 = vector.multi_reduction <add>, %exp3A, %reduce_sum3A [1] : vector<2000x16xf32> to vector<2000xf32>
    %broadcast_in_dim3A_12 = vector.shape_cast %reduce_sum3A_11 : vector<2000xf32> to vector<2000x1xf32>
    %div3A = vector.broadcast %broadcast_in_dim3A_12 : vector<2000x1xf32> to vector<2000x16xf32>
    %div3A_13 = arith.divf %exp3A, %div3A : vector<2000x16xf32>
    %swap3A = arith.constant 0 : index
    %swap3A_14 = arith.constant 0 : index
    %swap3A_15 = vector.load %arg2[%swap3A, %swap3A_14] : memref<2000x16xf32, #tpu.memory_space<vmem>>, vector<2000x16xf32>
    tpu.vector_store %arg2[%swap3A, %swap3A_14], %div3A_13 {strides = array<i32>} : memref<2000x16xf32, #tpu.memory_space<vmem>>, vector<2000x16xf32>,
    return
  }
  func.func @transform_0(%arg0: i32) -> (i32, i32, i32) {
    %c0_i32 = arith.constant 0 : i32
    %c0_i32_0 = arith.constant 0 : i32
    %c0_i32_1 = arith.constant 0 : i32
    return %c0_i32, %arg0, %c0_i32_0 : i32, i32, i32
  }
  func.func @transform_1(%arg0: i32) -> (i32, i32) {
    %c0_i32 = arith.constant 0 : i32
    %c0_i32_0 = arith.constant 0 : i32
    return %arg0, %c0_i32 : i32, i32
  }
}

</mosaic_0001>

<sc_bundles>
// kernel: kernel.10.cloned.1.call-start
scs
__scs_entry_jumppad:
0x0: {  	(pc) =	sbr.rel $0x88, $3  }
0x1: {  	(tag) =	ssettag $0x0;
	lr =	simm.s32 $0x1  }
0x2: {  	[smem:$0x3F9A] =	sst lr;
	_ =	strace $0xD0000000  }
0x3: {  	_ = 	snop  }
0x4: {  	_ = 	snop  }
0x5: {  	_ = 	snop  }
0x6: {  	_ = 	snop  }
0x7: {  	_ = 	snop  }
__scs_overlays_trampoline_lowered:
0x8: {  	[smem:$0x3FA9] =	sst s0  }
0x9: {  	[smem:$0x3FAA] =	sst s1  }
0xa: {  	[smem:$0x3FAB] =	sst s2  }
0xb: {  	[smem:$0x3FAC] =	sst s3  }
0xc: {  	[smem:$0x3FAD] =	sst s4  }
0xd: {  	[smem:$0x3FAE] =	sst s5  }
0xe: {  	[smem:$0x3FAF] =	sst s6  }
0xf: {  	[smem:$0x3FB0] =	sst s7  }
0x10: {  	[smem:$0x3FB1] =	sst s8  }
0x11: {  	[smem:$0x3FB2] =	sst s9;
	s0 =	simm.s32 @!p0 $0x0  }
0x12: {  	s1 =	sld [smem:$0x3F98];
	s0 =	simm.s32 @p0 $0x1  }
0x13: {  	[smem:$0x3FB3] =	sst s0;
	s0 =	simm.s32 @!p1 $0x0  }
0x14: {  	s2 =	sld [smem:$0x3F97];
	s0 =	simm.s32 @p1 $0x1  }
0x15: {  	[smem:$0x3FB4] =	sst s0;
	s0 =	simm.s32 @!p2 $0x0  }
0x16: {  	s3 =	sld [smem:$0x3FDB];
	s0 =	simm.s32 @p2 $0x1  }
0x17: {  	s4 =	simm.s32 $0x1BF5;
	[smem:$0x3FB6] =	sst s0  }
0x18: {  	s0 =	sld [smem:$0x3F99];
	_ =	swait.ge [sflag:s4], $0x0  }
0x19: {  	s7 =	sld [smem:$0x3F9A]  }
0x1a: {  	s8 =	sadd.s32 $0xFFFFE003, lr  }
0x1b: {  	s9 =	sadd.s32 $0xFFFFFEF7, lr;
	s5 =	simm.s32 $0xFFFFFFFF;
	p2 =	slt.u32 s8, $0xFFFFF086  }
0x1c: {  	p1 =	slt.u32 s9, $0xF7A;
	s5 =	simm.s32 @!p2 $0x0  }
0x1d: {  	s5 =	simm.s32 @p1 $0x1;
	p0 =	seq.s32 s7, s2  }
0x1e: {  	s7 =	smul.u32 @!p0 $0xF7A, s2;
	p2 =	seq.s32 @!p0 s5, $0x0  }
0x1f: {  	s9 =	smul.u32 $0xF7A, s1;
	s8 =	simm.s32 @!p0 $0x1BF5;
	p2 =	por !p2, p0  }
0x20: {  	[sflag:s8] =	ssyncset.s32 @!p0 $0xFFFFF086;
	s6 =	sadd.s32 @!p0 s3, s7;
	s7 =	simm.s32 @!p0 $0x108  }
0x21: {  	s3 =	sadd.s32 s3, s9;
	s6 =	sadd.s32 @!p0 $0x88, s6;
	s7 =	simm.s32 @p2 $0x1082  }
0x22: {  	[simem:s7], [sflag:s8] =	dma.local @!p0 [hbm:s6], $0xF7A  }
0x23: {  	s9 =	sor.u32 $0xD0000000, s2;
	s6 =	simm.s32 $0x108;
	_ =	swait.ge @!p0 [sflag:s8], $0x0  }
0x24: {  	s3 =	sadd.s32 $0x88, s3;
	s6 =	simm.s32 @!p1 $0x1082;
	[sflag:s4] =	ssyncset.s32 $0xFFFFF086  }
0x25: {  	[simem:s6], [sflag:s4] =	dma.local [hbm:s3], $0xF7A  }
0x26: {  	[smem:$0x3F9A] =	sst s1;
	(tag) =	ssettag s2;
	_ =	strace s9  }
0x27: {  	s1 =	sld [smem:$0x3FAA]  }
0x28: {  	s2 =	sld [smem:$0x3FAB]  }
0x29: {  	s4 =	sld [smem:$0x3FAD]  }
0x2a: {  	p0 =	seq.s32 s5, $0x0;
	s5 =	sld [smem:$0x3FAE]  }
0x2b: {  	s6 =	sld [smem:$0x3FAF]  }
0x2c: {  	s7 =	sld [smem:$0x3FB0]  }
0x2d: {  	s3 =	simm.s32 $0x108;
	s8 =	sld [smem:$0x3FB1]  }
0x2e: {  	s3 =	simm.s32 @!p0 $0x1082;
	s9 =	sld [smem:$0x3FB2]  }
0x2f: {  	lr =	sadd.s32 s0, s3;
	s0 =	sld [smem:$0x3FA9]  }
0x30: {  	s3 =	sld [smem:$0x3FAC]  }
0x31: {  	[smem:$0x3FB5] =	sst s10  }
0x32: {  	s10 =	sld [smem:$0x3FB3];
	_ =	sdelay $0x3  }
0x33: {  	p0 =	seq.s32 s10, $0x1;
	s10 =	sld [smem:$0x3FB5];
	_ =	sdelay $0x3  }
0x34: {  	[smem:$0x3FB5] =	sst s10  }
0x35: {  	s10 =	sld [smem:$0x3FB4];
	_ =	sdelay $0x3  }
0x36: {  	p1 =	seq.s32 s10, $0x1;
	s10 =	sld [smem:$0x3FB5];
	_ =	sdelay $0x3  }
0x37: {  	[smem:$0x3FB5] =	sst s10  }
0x38: {  	s10 =	sld [smem:$0x3FB6]  }
0x39: {  	_ = 	snop;
	(pc) =	sbr.ind lr, $3  }
0x3a: {  	_ = 	snop  }
0x3b: {  	_ = 	snop  }
0x3c: {  	p2 =	seq.s32 s10, $0x1;
	s10 =	sld [smem:$0x3FB5]  }
0x3d: {  	_ =	shalt  }
0x3e: {  	_ =	shalt  }
0x3f: {  	_ =	shalt  }
0x40: {  	_ =	shalt  }
0x41: {  	_ =	shalt  }
0x42: {  	_ =	shalt  }
0x43: {  	_ =	shalt  }
0x44: {  	_ =	shalt  }
0x45: {  	_ =	shalt  }
0x46: {  	_ =	shalt  }
0x47: {  	_ =	shalt  }
0x48: {  	_ =	shalt  }
0x49: {  	_ =	shalt  }
0x4a: {  	_ =	shalt  }
0x4b: {  	_ =	shalt  }
0x4c: {  	_ =	shalt  }
0x4d: {  	_ =	shalt  }
0x4e: {  	_ =	shalt  }
0x4f: {  	_ =	shalt  }
0x50: {  	_ =	shalt  }
0x51: {  	_ =	shalt  }
0x52: {  	_ =	shalt  }
0x53: {  	_ =	shalt  }
0x54: {  	_ =	shalt  }
0x55: {  	_ =	shalt  }
0x56: {  	_ =	shalt  }
0x57: {  	_ =	shalt  }
0x58: {  	_ =	shalt  }
0x59: {  	_ =	shalt  }
0x5a: {  	_ =	shalt  }
0x5b: {  	_ =	shalt  }
0x5c: {  	_ =	shalt  }
0x5d: {  	_ =	shalt  }
0x5e: {  	_ =	shalt  }
0x5f: {  	_ =	shalt  }
0x60: {  	_ =	shalt  }
0x61: {  	_ =	shalt  }
0x62: {  	_ =	shalt  }
0x63: {  	_ =	shalt  }
0x64: {  	_ =	shalt  }
0x65: {  	_ =	shalt  }
0x66: {  	_ =	shalt  }
0x67: {  	_ =	shalt  }
0x68: {  	_ =	shalt  }
0x69: {  	_ =	shalt  }
0x6a: {  	_ =	shalt  }
0x6b: {  	_ =	shalt  }
0x6c: {  	_ =	shalt  }
0x6d: {  	_ =	shalt  }
0x6e: {  	_ =	shalt  }
0x6f: {  	_ =	shalt  }
0x70: {  	_ =	shalt  }
0x71: {  	_ =	shalt  }
0x72: {  	_ =	shalt  }
0x73: {  	_ =	shalt  }
0x74: {  	_ =	shalt  }
0x75: {  	_ =	shalt  }
0x76: {  	_ =	shalt  }
0x77: {  	_ =	shalt  }
0x78: {  	_ =	shalt  }
0x79: {  	_ =	shalt  }
0x7a: {  	_ =	shalt  }
0x7b: {  	_ =	shalt  }
0x7c: {  	_ =	shalt  }
0x7d: {  	_ =	shalt  }
0x7e: {  	_ =	shalt  }
0x7f: {  	_ =	shalt  }
0x80: {  	_ =	shalt  }
0x81: {  	_ =	shalt  }
0x82: {  	_ =	shalt  }
0x83: {  	_ =	shalt  }
0x84: {  	_ =	shalt  }
0x85: {  	_ =	shalt  }
0x86: {  	_ =	shalt  }
0x87: {  	_ =	shalt  }
.Lfunc_end0:
.L_simem_size_0:
called_computation.2_lowered:
.L_overlay_start_0:
0x88: {  	s2 =	sld [smem:$0x3FD9]  }
0x89: {  	s3 =	sld [smem:$0x3FFE];
	_ =	sdelay $0x1  }
0x8a: {  	s1 =	srdreg.scid  }
0x8b: {  	s0 =	sand.u32 $0x1, s1  }
0x8c: {  	s17 =	sshll.u32 s0, $0xA;
	s2 =	sadd.s32 s3, s2  }
0x8d: {  	s2 =	sadd.s32 s2, s17  }
0x8e: {  	[smem:$0x3FC1] =	sst s2  }
0x8f: {  	_ = 	snop  }
0x90: {  	s2 =	sld [smem:$0x3FC7]  }
0x91: {  	s18 =	sld [smem:$0x3FD0];
	(tm) =	ssettm $0x1  }
0x92: {  	s4 =	sld [smem:$0x3FFB];
	_ =	sdelay $0x3  }
0x93: {  	_ =	strace s4  }
0x94: {  	s4 =	sld [smem:$0x3FFC];
	_ =	sdelay $0x3  }
0x95: {  	_ =	strace s4  }
0x96: {  	s4 =	sld [smem:$0x3FFD];
	_ =	sdelay $0x3  }
0x97: {  	_ =	strace s4  }
0x98: {  	_ =	strace $0x8FFFFFFF  }
0x99: {  	s19 =	sld [smem:$0x3FDB];
	_ =	sdelay $0x1  }
0x9a: {  	s5 =	simm.s32 $_scs_section_size  }
0x9b: {  	s6 =	simm.s32 $_size__tile_overlayer_lowered;
	s7 =	simm.s32 $_tile_overlayer_lowered  }
0x9c: {  	s22 =	simm.s32 $0x1BFF;
	s21 =	sshll.u32 s7, $0x1;
	s4 =	sadd.s32 s5, s19  }
0x9d: {  	s8 =	simm.s32 $0x0;
	s20 =	sshll.u32 s6, $0x1;
	s6 =	sadd.s32 s21, s4  }
0x9e: {  	[timem:s8], [sflag:s22] =	dma.local [hbm:s6], s20  }
0x9f: {  	_ =	swait.ge [sflag:s22], s20  }
0xa0: {  	s5 =	ssub.s32 $0x0, s20;
	[sflag:s22] =	ssyncset.done $0x0  }
0xa1: {  	[sflag:s22] =	ssyncadd.s32 s5;
	_ =	sdelay $0x1  }
0xa2: {  	s23 =	simm.s32 $0x1B8B  }
0xa3: {  	_ =	swait.ge [sflag:s23], $0x1  }
0xa4: {  	[sflag:s23] =	ssyncset.done $0x0  }
0xa5: {  	s25 =	simm.s32 $0x1B8E;
	s24 =	sld [smem:$0x3FFE];
	[sflag:s23] =	ssyncadd.s32 $0xFFFFFFFF  }
0xa6: {  	s26 =	simm.s32 $execute0_lowered;
	[smem:$0x3FD2] =	sst s25  }
0xa7: {  	s6 =	sshll.u32 s26, $0x1;
	_ =	strace $0x8000004C;
	[dreg:$0x1] =	wrdreg $0xFFFFFFFF  }
0xa8: {  	s28 =	simm.s32 $_size_execute0_lowered;
	s4 =	sadd.s32 s4, s6;
	[dreg:$0x0] =	wrdreg $0x0  }
0xa9: {  	s6 =	sshll.u32 s28, $0x1;
	[dreg:$0x2] =	wrdreg s4  }
0xaa: {  	[dreg:$0x3] =	wrdreg s6  }
0xab: {  	[dreg:$0x4] =	wrdreg $0xC0  }
0xac: {  	_ =	task [dreg:s8], $0x5FFFF  }
0xad: {  	[dreg:$0x1] =	wrdreg $0xFFFFFFFF  }
0xae: {  	[dreg:$0x0] =	wrdreg $0x60  }
0xaf: {  	[dreg:$0x2] =	wrdreg s24  }
0xb0: {  	[dreg:$0x3] =	wrdreg s18  }
0xb1: {  	[dreg:$0x4] =	wrdreg s2  }
0xb2: {  	[dreg:$0x5] =	wrdreg $0xDC000  }
0xb3: {  	[dreg:$0x6] =	wrdreg $0x9  }
0xb4: {  	_ =	task.clear_ibuf [dreg:s8], $0x7FFFF;
	_ =	strace $0x9000004C  }
0xb5: {  	s29 =	simm.s32 $0x9;
	_ =	strace $0x8000004E  }
0xb6: {  	_ =	swait.ge [sflag:s29], $0x1  }
0xb7: {  	[sflag:s29] =	ssyncadd.s32 $0xFFFFFFFF  }
0xb8: {  	_ =	strace $0x9000004E  }
0xb9: {  	_ =	sfence  }
0xba: {  	s30 =	sld [smem:$0x0];
	_ =	sdelay $0x2  }
0xbb: {  	s31 =	sshll.u32 s1, $0xD;
	s1 =	sshrl.u32 s1, $0x2  }
0xbc: {  	s3 =	sand.u32 $0x4000, s31;
	s1 =	sadd.s32 s1, s30  }
0xbd: {  	s0 =	sor.u32 s3, s0;
	s1 =	sshll.u32 s1, $0x11  }
0xbe: {  	s0 =	sor.u32 s1, s0  }
0xbf: {  	s0 =	sadd.s32 $0x8F2B, s0  }
0xc0: {  	[sflag:s0] =	ssyncadd.remote.s32 $0x1  }
0xc1: {  	_ =	sfence.sel $0xFFFF  }
0xc2: {  	[dreg:$0x0] =	wrdreg $0xFFFFFFFF;
	(pc) =	sbr.abs _section_cstart, $3  }
0xc3: {  	[dreg:$0x1] =	wrdreg $0xFFFFFFFF  }
0xc4: {  	_ =	task.clear_ibuf [dreg:s8], $0x2FFFF;
	_ =	strace $0x9FFFFFFF  }
0xc5: {  	(tm) =	ssettm $0x7FFFFFFF  }
tec
execute0_lowered:
.L_overlay_start_1:
0x0: {  	(tag) =	ssettag $0x1  }
0x1: {  	s0 =	rddreg [dreg:$0x0]  }
0x2: {  	s1 =	rddreg [dreg:$0x1];
	s2 =	srdreg.scid  }
0x3: {  	s7 =	rddreg [dreg:$0x2];
	s12 =	stileid.u32  }
0x4: {  	s3 =	simm.s32 $0x0;
	s14 =	simm.s32 $0xB400;
	s15 =	simm.s32 $0x500  }
0x5: {  	s17 =	simm.s32 $0x6400;
	s18 =	simm.s32 $0x1;
	s19 =	simm.s32 $0x5000  }
0x6: {  	s20 =	simm.s32 $0x4100;
	s21 =	simm.s32 $0x5500;
	s22 =	simm.s32 $0x4600  }
0x7: {  	s23 =	simm.s32 $0x5A00;
	s24 =	simm.s32 $0x4B00;
	s8 =	smul.u32 $0x1388, s12  }
0x8: {  	s5 =	sand.u32 $0x1, s2;
	s2 =	rddreg [dreg:$0x3];
	s9 =	smul.u32 $0x2800, s12  }
0x9: {  	[smem:$0x7FF] =	sst s3;
	s4 =	sadd.s32 $0x1000, s0;
	s6 =	smul.u32 $0x13880, s5  }
0xa: {  	s31 =	sor.u32 $0x2710, s12;
	s10 =	smul.u32 $0x28000, s5;
	s5 =	ssub.s32 $0x2, s5  }
0xb: {  	_ =	strace $0x8000004D;
	s30 =	sshrl.u32 s5, $0x1;
	s6 =	sadd.s32 s8, s6  }
0xc: {  	s25 =	sadd.s32 s9, s10;
	s11 =	ssub.s32 s5, s30;
	s8 =	sadd.s32 s9, s2  }
0xd: {  	v0 =	vlaneseq.u32;
	s26 =	sshrl.u32 s6, $0x3;
	s28 =	sshrl.u32 s25, $0x3;
	s10 =	smax.u32 s11, $0x1  }
0xe: {  	v1 =	vmul.u32 $0xFFFFFFFF, v0;
	s11 =	simm.s32 $0x2;
	s25 =	simm.s32 $0x5F00;
	s29 =	sadd.s32 s26, s0  }
0xf: {  	s0 =	sadd.s32 s28, s0;
	s6 =	sadd.s32 s1, s26;
	s7 =	sadd.s32 s7, s26  }
0x10: {  	v2 =	vimm.f32 $0.0e+00;
	v0 =	vmov s31;
	v1 =	vadd.s32 $0x1388, v1;
	s26 =	simm.s32 $0x0;
	s5 =	sadd.s32 $0x272000, s29;
	s9 =	sadd.s32 $0x14A00, s0  }
.LBB2_1:
0x11: {  	[tilespmem:s3], [sflag:$0x2] =	stream.linear.gather [hbm4b:s5+s3], $0x1388, $0x38;
	[tilespmem:$0x10400] =	vst v63  }
0x12: {  	_ =	swait.ge [sflag:s11], $0x1388  }
0x13: {  	[sflag:s11] =	ssyncset.done $0x0  }
0x14: {  	s0 =	simm.s32 $0x1400;
	[sflag:s11] =	ssyncadd.s32 $0xFFFFEC78  }
0x15: {  	[tilespmem:s0], [sflag:$0x2] =	stream.linear.gather [hbm4b:s6+s3], $0x1388, $0x38;
	[tilespmem:$0x10400] =	vst v63  }
0x16: {  	_ =	swait.ge [sflag:s11], $0x1388  }
0x17: {  	[sflag:s11] =	ssyncset.done $0x0  }
0x18: {  	s13 =	simm.s32 $0x2800;
	[sflag:s11] =	ssyncadd.s32 $0xFFFFEC78  }
0x19: {  	[tilespmem:s13], [sflag:$0x2] =	stream.linear.gather [hbm4b:s7+s3], $0x1388, $0x38;
	[tilespmem:$0x10400] =	vst v63  }
0x1a: {  	_ =	swait.ge [sflag:s11], $0x1388  }
0x1b: {  	[sflag:s11] =	ssyncset.done $0x0  }
0x1c: {  	s28 =	simm.s32 $0x2820;
	[sflag:s11] =	ssyncadd.s32 $0xFFFFEC78  }
0x1d: {  	s29 =	simm.s32 $0x1420;
	v3 =	vld [tilespmem:s28+$0xFFFFFFE0]  }
0x1e: {  	s0 =	simm.s32 $0x20;
	v4 =	vld [tilespmem:s29+$0xFFFFFFE0]  }
0x1f: {  	v5 =	vld [tilespmem:s0+$0xFFFFFFE0]  }
0x20: {  	s1 =	simm.s32 $0x0  }
0x21: {  	s12 =	sand.u32 $0xF, s3;
	s30 =	simm.s32 $0x0;
	s1 =	smul.u32 $0x500, s1  }
0x22: {  	v6 =	vmov s30;
	s12 =	smul.u32 $0x50, s12;
	v3 =	vmul.u32 $0x2710, v3  }
0x23: {  	vm0 =	vlt.u32 v6, v1  }
0x24: {  	s30 =	sadd.s32 s12, s1;
	v4 =	vsel vm0, v4, v0;
	v3 =	vadd.s32 v5, v3  }
0x25: {  	[tilespmem:s30+$0x5000] =	vst v4;
	v3 =	vnsel vm0, $0x0, v3  }
0x26: {  	[tilespmem:s30+$0x3C00] =	vst v3  }
0x27: {  	v3 =	vld [tilespmem:s28+$0xFFFFFFF0]  }
0x28: {  	v4 =	vld [tilespmem:s0+$0xFFFFFFF0]  }
0x29: {  	v5 =	vld [tilespmem:s29+$0xFFFFFFF0];
	_ =	sdelay $0x1  }
0x2a: {  	s16 =	simm.s32 $0x10  }
0x2b: {  	v6 =	vmov s16;
	v3 =	vmul.u32 $0x2710, v3  }
0x2c: {  	vm0 =	vlt.u32 v6, v1  }
0x2d: {  	v3 =	vadd.s32 v4, v3;
	v4 =	vsel vm0, v5, v0  }
0x2e: {  	v3 =	vnsel vm0, $0x0, v3;
	[tilespmem:s30+$0x5010] =	vst v4  }
0x2f: {  	[tilespmem:s30+$0x3C10] =	vst v3  }
0x30: {  	v3 =	vld [tilespmem:s28+$0x0]  }
0x31: {  	v4 =	vld [tilespmem:s0+$0x0]  }
0x32: {  	v5 =	vld [tilespmem:s29+$0x0];
	_ =	sdelay $0x1  }
0x33: {  	s12 =	simm.s32 $0x20  }
0x34: {  	v6 =	vmov s12;
	v3 =	vmul.u32 $0x2710, v3  }
0x35: {  	vm0 =	vlt.u32 v6, v1  }
0x36: {  	v3 =	vadd.s32 v4, v3;
	v4 =	vsel vm0, v5, v0  }
0x37: {  	v3 =	vnsel vm0, $0x0, v3;
	[tilespmem:s30+$0x5020] =	vst v4  }
0x38: {  	[tilespmem:s30+$0x3C20] =	vst v3  }
0x39: {  	v3 =	vld [tilespmem:s28+$0x10]  }
0x3a: {  	v4 =	vld [tilespmem:s0+$0x10]  }
0x3b: {  	v5 =	vld [tilespmem:s29+$0x10];
	_ =	sdelay $0x1  }
0x3c: {  	s13 =	simm.s32 $0x30  }
0x3d: {  	v6 =	vmov s13;
	v3 =	vmul.u32 $0x2710, v3  }
0x3e: {  	vm0 =	vlt.u32 v6, v1  }
0x3f: {  	v3 =	vadd.s32 v4, v3;
	v4 =	vsel vm0, v5, v0  }
0x40: {  	v3 =	vnsel vm0, $0x0, v3;
	[tilespmem:s30+$0x5030] =	vst v4  }
0x41: {  	[tilespmem:s30+$0x3C30] =	vst v3  }
0x42: {  	v5 =	vld [tilespmem:s28+$0x20]  }
0x43: {  	v3 =	vld [tilespmem:s0+$0x20]  }
0x44: {  	v4 =	vld [tilespmem:s29+$0x20];
	_ =	sdelay $0x1  }
0x45: {  	s16 =	simm.s32 $0x40  }
0x46: {  	v6 =	vmov s16;
	v5 =	vmul.u32 $0x2710, v5  }
0x47: {  	s31 =	simm.s32 $0x90;
	s1 =	simm.s32 $0x70;
	vm0 =	vlt.u32 v6, v1;
	s0 =	simm.s32 $0x0  }
.LBB2_2:
0x48: {  	v3 =	vadd.s32 v3, v5;
	v4 =	vsel vm0, v4, v0;
	s0 =	sadd.s32 $0x1, s0;
	s28 =	sadd.s32 $0x50, s28;
	s29 =	sadd.s32 $0x50, s29  }
0x49: {  	p0 =	sne.s32 s31, $0x13F0;
	s12 =	smov.u32 s31;
	s31 =	sadd.s32 $0x50, s31;
	v3 =	vnsel vm0, $0x0, v3;
	[tilespmem:s30+$0x5040] =	vst v4  }
0x4a: {  	[tilespmem:s30+$0x3C40] =	vst v3  }
0x4b: {  	v3 =	vld [tilespmem:s28+$0xFFFFFFE0]  }
0x4c: {  	v4 =	vld [tilespmem:s29+$0xFFFFFFE0]  }
0x4d: {  	v5 =	vld [tilespmem:s1+$0xFFFFFFE0]  }
0x4e: {  	s13 =	sand.u32 $0xF, s0;
	s16 =	sadd.s32 $0xFFFFFFC0, s12;
	s30 =	sshrl.u32 s0, $0x4  }
0x4f: {  	v6 =	vmov s16;
	s16 =	smul.u32 $0x500, s30  }
0x50: {  	s13 =	smul.u32 $0x50, s13;
	vm0 =	vlt.u32 v6, v1;
	v3 =	vmul.u32 $0x2710, v3  }
0x51: {  	v4 =	vsel vm0, v4, v0  }
0x52: {  	s30 =	sadd.s32 s13, s16;
	v3 =	vadd.s32 v5, v3  }
0x53: {  	v3 =	vnsel vm0, $0x0, v3;
	[tilespmem:s30+$0x5000] =	vst v4  }
0x54: {  	[tilespmem:s30+$0x3C00] =	vst v3  }
0x55: {  	v3 =	vld [tilespmem:s28+$0xFFFFFFF0]  }
0x56: {  	v4 =	vld [tilespmem:s1+$0xFFFFFFF0]  }
0x57: {  	v5 =	vld [tilespmem:s29+$0xFFFFFFF0];
	_ =	sdelay $0x1  }
0x58: {  	s13 =	sadd.s32 $0xFFFFFFD0, s12  }
0x59: {  	v6 =	vmov s13;
	v3 =	vmul.u32 $0x2710, v3  }
0x5a: {  	vm0 =	vlt.u32 v6, v1  }
0x5b: {  	v3 =	vadd.s32 v4, v3;
	v4 =	vsel vm0, v5, v0  }
0x5c: {  	v3 =	vnsel vm0, $0x0, v3;
	[tilespmem:s30+$0x5010] =	vst v4  }
0x5d: {  	[tilespmem:s30+$0x3C10] =	vst v3  }
0x5e: {  	v3 =	vld [tilespmem:s28+$0x0]  }
0x5f: {  	v4 =	vld [tilespmem:s1+$0x0]  }
0x60: {  	v5 =	vld [tilespmem:s29+$0x0];
	_ =	sdelay $0x1  }
0x61: {  	s13 =	sadd.s32 $0xFFFFFFE0, s12  }
0x62: {  	v6 =	vmov s13;
	v3 =	vmul.u32 $0x2710, v3  }
0x63: {  	vm0 =	vlt.u32 v6, v1  }
0x64: {  	v3 =	vadd.s32 v4, v3;
	v4 =	vsel vm0, v5, v0  }
0x65: {  	v3 =	vnsel vm0, $0x0, v3;
	[tilespmem:s30+$0x5020] =	vst v4  }
0x66: {  	[tilespmem:s30+$0x3C20] =	vst v3  }
0x67: {  	v3 =	vld [tilespmem:s28+$0x10]  }
0x68: {  	v4 =	vld [tilespmem:s1+$0x10]  }
0x69: {  	v5 =	vld [tilespmem:s29+$0x10];
	_ =	sdelay $0x1  }
0x6a: {  	s13 =	sadd.s32 $0xFFFFFFF0, s12  }
0x6b: {  	v6 =	vmov s13;
	v3 =	vmul.u32 $0x2710, v3  }
0x6c: {  	vm0 =	vlt.u32 v6, v1  }
0x6d: {  	v3 =	vadd.s32 v4, v3;
	v4 =	vsel vm0, v5, v0  }
0x6e: {  	v3 =	vnsel vm0, $0x0, v3;
	[tilespmem:s30+$0x5030] =	vst v4  }
0x6f: {  	[tilespmem:s30+$0x3C30] =	vst v3  }
0x70: {  	v5 =	vld [tilespmem:s28+$0x20]  }
0x71: {  	v3 =	vld [tilespmem:s1+$0x20]  }
.Ltmp0:
0x72: {  	v4 =	vld [tilespmem:s29+$0x20];
	(pc) =	sbr.rel @p0 .LBB2_2-.Ltmp0, $3  }
0x73: {  	_ =	sdelay $0x1  }
0x74: {  	v6 =	vmov s12;
	v5 =	vmul.u32 $0x2710, v5  }
0x75: {  	vm0 =	vlt.u32 v6, v1;
	s1 =	sadd.s32 $0x50, s1  }
0x76: {  	v3 =	vadd.s32 v3, v5;
	v4 =	vsel vm0, v4, v0  }
0x77: {  	v3 =	vnsel vm0, $0x0, v3;
	[tilespmem:s30+$0x5040] =	vst v4  }
0x78: {  	s0 =	simm.s32 $0x40;
	s1 =	simm.s32 $0x0;
	[tilespmem:s30+$0x3C40] =	vst v3  }
.LBB2_4:
0x79: {  	p0 =	sne.s32 s0, $0x9FC0;
	[tilespmem:s1+$0xB400] =	vst v2;
	s1 =	smov.u32 s0;
	s0 =	sadd.s32 $0x40, s0  }
.Ltmp1:
0x7a: {  	(pc) =	sbr.rel @p0 .LBB2_4-.Ltmp1, $2  }
0x7b: {  	_ =	sdelay $0x2  }
0x7c: {  	s1 =	sshra.s32 s1, $0x2  }
0x7d: {  	[tilespmem:s1+$0xB400] =	vst v2  }
0x7e: {  	[spmem:s8] =	stream.linear.scatter [tilespmem:s14], [sflag:$0x2], $0x2800, $0x38;
	[tilespmem:$0x10400] =	vst v63  }
0x7f: {  	_ =	swait.ge [sflag:s11], $0x2800  }
0x80: {  	[sflag:s11] =	ssyncset.done $0x0  }
0x81: {  	[sflag:s11] =	ssyncadd.s32 $0xFFFFD800  }
0x82: {  	s0 =	simm.s32 $0x3C00;
	[bflag:$0x0] =	sbarrier.arrive $0xFFFF  }
0x83: {  	[tilespmem:s17], [sflag:$0x1] =	stream.indirect.gather [hbm4b:s4+s15], $0x10, s0, s15, $0xb8;
	[tilespmem:$0x10400] =	vst v63  }
0x84: {  	_ =	swait.ge [sflag:s18], $0x5000  }
0x85: {  	[sflag:s18] =	ssyncset.done $0x0  }
0x86: {  	[sflag:s18] =	ssyncadd.s32 $0xFFFFB000  }
0x87: {  	[spmem:s2] =	stream.indirect.scatter.add.f32 [tilespmem:s17], [sflag:$0x2], $0x10, s19, s15, $0xb8;
	[tilespmem:$0x10400] =	vst v63  }
0x88: {  	_ =	swait.ge [sflag:s11], $0x5000  }
0x89: {  	[sflag:s11] =	ssyncset.done $0x0  }
0x8a: {  	[sflag:s11] =	ssyncadd.s32 $0xFFFFB000  }
0x8b: {  	[tilespmem:s17], [sflag:$0x1] =	stream.indirect.gather [hbm4b:s4+s15], $0x10, s20, s15, $0xb8;
	[tilespmem:$0x10400] =	vst v63  }
0x8c: {  	_ =	swait.ge [sflag:s18], $0x5000  }
0x8d: {  	[sflag:s18] =	ssyncset.done $0x0  }
0x8e: {  	[sflag:s18] =	ssyncadd.s32 $0xFFFFB000  }
0x8f: {  	[spmem:s2] =	stream.indirect.scatter.add.f32 [tilespmem:s17], [sflag:$0x2], $0x10, s21, s15, $0xb8;
	[tilespmem:$0x10400] =	vst v63  }
0x90: {  	_ =	swait.ge [sflag:s11], $0x5000  }
0x91: {  	[sflag:s11] =	ssyncset.done $0x0  }
0x92: {  	[sflag:s11] =	ssyncadd.s32 $0xFFFFB000  }
0x93: {  	[tilespmem:s17], [sflag:$0x1] =	stream.indirect.gather [hbm4b:s4+s15], $0x10, s22, s15, $0xb8;
	[tilespmem:$0x10400] =	vst v63  }
0x94: {  	_ =	swait.ge [sflag:s18], $0x5000  }
0x95: {  	[sflag:s18] =	ssyncset.done $0x0  }
0x96: {  	[sflag:s18] =	ssyncadd.s32 $0xFFFFB000  }
0x97: {  	[spmem:s2] =	stream.indirect.scatter.add.f32 [tilespmem:s17], [sflag:$0x2], $0x10, s23, s15, $0xb8;
	[tilespmem:$0x10400] =	vst v63  }
0x98: {  	_ =	swait.ge [sflag:s11], $0x5000  }
0x99: {  	[sflag:s11] =	ssyncset.done $0x0  }
0x9a: {  	[sflag:s11] =	ssyncadd.s32 $0xFFFFB000  }
0x9b: {  	[tilespmem:s17], [sflag:$0x1] =	stream.indirect.gather [hbm4b:s4+s15], $0x10, s24, s15, $0xb8;
	[tilespmem:$0x10400] =	vst v63  }
0x9c: {  	_ =	swait.ge [sflag:s18], $0x5000  }
0x9d: {  	[sflag:s18] =	ssyncset.done $0x0  }
0x9e: {  	[sflag:s18] =	ssyncadd.s32 $0xFFFFB000  }
0x9f: {  	[spmem:s2] =	stream.indirect.scatter.add.f32 [tilespmem:s17], [sflag:$0x2], $0x10, s25, s15, $0xb8;
	[tilespmem:$0x10400] =	vst v63  }
0xa0: {  	_ =	swait.ge [sflag:s11], $0x5000  }
0xa1: {  	[sflag:s11] =	ssyncset.done $0x0  }
0xa2: {  	[sflag:s11] =	ssyncadd.s32 $0xFFFFB000  }
0xa3: {  	[bflag:$0x0] =	sbarrier.arrive $0xFFFF  }
0xa4: {  	[tilespmem:s14], [sflag:$0x2] =	stream.linear.gather [spmem:s8], $0x2800, $0x38;
	[tilespmem:$0x10400] =	vst v63  }
0xa5: {  	s26 =	sadd.s32 $0x1, s26;
	_ =	swait.ge [sflag:s11], $0x2800  }
0xa6: {  	p0 =	sne.s32 s26, s10;
	[sflag:s11] =	ssyncset.done $0x0  }
.Ltmp2:
0xa7: {  	[sflag:s11] =	ssyncadd.s32 $0xFFFFD800;
	(pc) =	sbr.rel @p0 .LBB2_1-.Ltmp2, $4  }
0xa8: {  	[hbm4b:s9+s3] =	stream.linear.scatter [tilespmem:s14], [sflag:$0x2], $0x2800, $0x38;
	[tilespmem:$0x10400] =	vst v63  }
0xa9: {  	_ =	swait.ge [sflag:s11], $0x2800  }
0xaa: {  	[sflag:s11] =	ssyncset.done $0x0  }
0xab: {  	[sflag:s11] =	ssyncadd.s32 $0xFFFFD800  }
0xac: {  	_ =	sfence.sel $0x180000  }
0xad: {  	[bflag:$0x0] =	sbarrier.arrive $0xFFFF  }
0xae: {  	_ =	strace $0x9000004D  }
0xaf: {  	s0 =	stileid.u32;
	[bflag:$0x2] =	sbarrier.arrive $0xFFFF  }
0xb0: {  	p0 =	sne.s32 s0, $0x0;
	s0 =	rddreg [dreg:$0x4]  }
0xb1: {  	s0 =	sadd.s32 @!p0 $0x100000, s0  }
0xb2: {  	[sflag:s0] =	ssyncadd.tile.s32 @!p0 $0x1;
	_ =	shalt  }
.Lfunc_end2:
_tile_overlayer_lowered:
.L_overlay_start_2:
0xb3: {  	(tag) =	ssettag $0x2  }
0xb4: {  	s0 =	rddreg [dreg:$0x0];
	s2 =	stileid.u32  }
0xb5: {  	s1 =	rddreg [dreg:$0x1];
	p0 =	sne.s32 s2, $0x0  }
0xb6: {  	s3 =	rddreg [dreg:$0x2];
	[bflag:$0x3] =	sbarrier.arrive $0xFFFF;
	s2 =	simm.s32 @!p0 $0x1C02  }
0xb7: {  	[timem:s3], [sflag:s2] =	dma.local @!p0 [hbm:s0], s1  }
0xb8: {  	s0 =	simm.s32 @!p0 $0x2  }
0xb9: {  	_ =	swait.ge @!p0 [sflag:s0], s1  }
0xba: {  	s1 =	ssub.s32 @!p0 $0x0, s1;
	[sflag:s0] =	ssyncset.done @!p0 $0x0  }
0xbb: {  	[sflag:s0] =	ssyncadd.s32 @!p0 s1  }
0xbc: {  	[bflag:$0x3] =	sbarrier.arrive $0xFFFF  }
0xbd: {  	_ =	shalt  }

// kernel: kernel.7.cloned.1.call-start
scs
__scs_entry_jumppad:
0x0: {  	(pc) =	sbr.rel $0x88, $3  }
0x1: {  	(tag) =	ssettag $0x0;
	lr =	simm.s32 $0x1  }
0x2: {  	[smem:$0x3F9A] =	sst lr;
	_ =	strace $0xD0000000  }
0x3: {  	_ = 	snop  }
0x4: {  	_ = 	snop  }
0x5: {  	_ = 	snop  }
0x6: {  	_ = 	snop  }
0x7: {  	_ = 	snop  }
__scs_overlays_trampoline_lowered:
0x8: {  	[smem:$0x3FA9] =	sst s0  }
0x9: {  	[smem:$0x3FAA] =	sst s1  }
0xa: {  	[smem:$0x3FAB] =	sst s2  }
0xb: {  	[smem:$0x3FAC] =	sst s3  }
0xc: {  	[smem:$0x3FAD] =	sst s4  }
0xd: {  	[smem:$0x3FAE] =	sst s5  }
0xe: {  	[smem:$0x3FAF] =	sst s6  }
0xf: {  	[smem:$0x3FB0] =	sst s7  }
0x10: {  	[smem:$0x3FB1] =	sst s8  }
0x11: {  	[smem:$0x3FB2] =	sst s9;
	s0 =	simm.s32 @!p0 $0x0  }
0x12: {  	s1 =	sld [smem:$0x3F98];
	s0 =	simm.s32 @p0 $0x1  }
0x13: {  	[smem:$0x3FB3] =	sst s0;
	s0 =	simm.s32 @!p1 $0x0  }
0x14: {  	s2 =	sld [smem:$0x3F97];
	s0 =	simm.s32 @p1 $0x1  }
0x15: {  	[smem:$0x3FB4] =	sst s0;
	s0 =	simm.s32 @!p2 $0x0  }
0x16: {  	s3 =	sld [smem:$0x3FDB];
	s0 =	simm.s32 @p2 $0x1  }
0x17: {  	s4 =	simm.s32 $0x1BF5;
	[smem:$0x3FB6] =	sst s0  }
0x18: {  	s0 =	sld [smem:$0x3F99];
	_ =	swait.ge [sflag:s4], $0x0  }
0x19: {  	s7 =	sld [smem:$0x3F9A]  }
0x1a: {  	s8 =	sadd.s32 $0xFFFFE003, lr  }
0x1b: {  	s9 =	sadd.s32 $0xFFFFFEF7, lr;
	s5 =	simm.s32 $0xFFFFFFFF;
	p2 =	slt.u32 s8, $0xFFFFF086  }
0x1c: {  	p1 =	slt.u32 s9, $0xF7A;
	s5 =	simm.s32 @!p2 $0x0  }
0x1d: {  	s5 =	simm.s32 @p1 $0x1;
	p0 =	seq.s32 s7, s2  }
0x1e: {  	s7 =	smul.u32 @!p0 $0xF7A, s2;
	p2 =	seq.s32 @!p0 s5, $0x0  }
0x1f: {  	s9 =	smul.u32 $0xF7A, s1;
	s8 =	simm.s32 @!p0 $0x1BF5;
	p2 =	por !p2, p0  }
0x20: {  	[sflag:s8] =	ssyncset.s32 @!p0 $0xFFFFF086;
	s6 =	sadd.s32 @!p0 s3, s7;
	s7 =	simm.s32 @!p0 $0x108  }
0x21: {  	s3 =	sadd.s32 s3, s9;
	s6 =	sadd.s32 @!p0 $0x88, s6;
	s7 =	simm.s32 @p2 $0x1082  }
0x22: {  	[simem:s7], [sflag:s8] =	dma.local @!p0 [hbm:s6], $0xF7A  }
0x23: {  	s9 =	sor.u32 $0xD0000000, s2;
	s6 =	simm.s32 $0x108;
	_ =	swait.ge @!p0 [sflag:s8], $0x0  }
0x24: {  	s3 =	sadd.s32 $0x88, s3;
	s6 =	simm.s32 @!p1 $0x1082;
	[sflag:s4] =	ssyncset.s32 $0xFFFFF086  }
0x25: {  	[simem:s6], [sflag:s4] =	dma.local [hbm:s3], $0xF7A  }
0x26: {  	[smem:$0x3F9A] =	sst s1;
	(tag) =	ssettag s2;
	_ =	strace s9  }
0x27: {  	s1 =	sld [smem:$0x3FAA]  }
0x28: {  	s2 =	sld [smem:$0x3FAB]  }
0x29: {  	s4 =	sld [smem:$0x3FAD]  }
0x2a: {  	p0 =	seq.s32 s5, $0x0;
	s5 =	sld [smem:$0x3FAE]  }
0x2b: {  	s6 =	sld [smem:$0x3FAF]  }
0x2c: {  	s7 =	sld [smem:$0x3FB0]  }
0x2d: {  	s3 =	simm.s32 $0x108;
	s8 =	sld [smem:$0x3FB1]  }
0x2e: {  	s3 =	simm.s32 @!p0 $0x1082;
	s9 =	sld [smem:$0x3FB2]  }
0x2f: {  	lr =	sadd.s32 s0, s3;
	s0 =	sld [smem:$0x3FA9]  }
0x30: {  	s3 =	sld [smem:$0x3FAC]  }
0x31: {  	[smem:$0x3FB5] =	sst s10  }
0x32: {  	s10 =	sld [smem:$0x3FB3];
	_ =	sdelay $0x3  }
0x33: {  	p0 =	seq.s32 s10, $0x1;
	s10 =	sld [smem:$0x3FB5];
	_ =	sdelay $0x3  }
0x34: {  	[smem:$0x3FB5] =	sst s10  }
0x35: {  	s10 =	sld [smem:$0x3FB4];
	_ =	sdelay $0x3  }
0x36: {  	p1 =	seq.s32 s10, $0x1;
	s10 =	sld [smem:$0x3FB5];
	_ =	sdelay $0x3  }
0x37: {  	[smem:$0x3FB5] =	sst s10  }
0x38: {  	s10 =	sld [smem:$0x3FB6]  }
0x39: {  	_ = 	snop;
	(pc) =	sbr.ind lr, $3  }
0x3a: {  	_ = 	snop  }
0x3b: {  	_ = 	snop  }
0x3c: {  	p2 =	seq.s32 s10, $0x1;
	s10 =	sld [smem:$0x3FB5]  }
0x3d: {  	_ =	shalt  }
0x3e: {  	_ =	shalt  }
0x3f: {  	_ =	shalt  }
0x40: {  	_ =	shalt  }
0x41: {  	_ =	shalt  }
0x42: {  	_ =	shalt  }
0x43: {  	_ =	shalt  }
0x44: {  	_ =	shalt  }
0x45: {  	_ =	shalt  }
0x46: {  	_ =	shalt  }
0x47: {  	_ =	shalt  }
0x48: {  	_ =	shalt  }
0x49: {  	_ =	shalt  }
0x4a: {  	_ =	shalt  }
0x4b: {  	_ =	shalt  }
0x4c: {  	_ =	shalt  }
0x4d: {  	_ =	shalt  }
0x4e: {  	_ =	shalt  }
0x4f: {  	_ =	shalt  }
0x50: {  	_ =	shalt  }
0x51: {  	_ =	shalt  }
0x52: {  	_ =	shalt  }
0x53: {  	_ =	shalt  }
0x54: {  	_ =	shalt  }
0x55: {  	_ =	shalt  }
0x56: {  	_ =	shalt  }
0x57: {  	_ =	shalt  }
0x58: {  	_ =	shalt  }
0x59: {  	_ =	shalt  }
0x5a: {  	_ =	shalt  }
0x5b: {  	_ =	shalt  }
0x5c: {  	_ =	shalt  }
0x5d: {  	_ =	shalt  }
0x5e: {  	_ =	shalt  }
0x5f: {  	_ =	shalt  }
0x60: {  	_ =	shalt  }
0x61: {  	_ =	shalt  }
0x62: {  	_ =	shalt  }
0x63: {  	_ =	shalt  }
0x64: {  	_ =	shalt  }
0x65: {  	_ =	shalt  }
0x66: {  	_ =	shalt  }
0x67: {  	_ =	shalt  }
0x68: {  	_ =	shalt  }
0x69: {  	_ =	shalt  }
0x6a: {  	_ =	shalt  }
0x6b: {  	_ =	shalt  }
0x6c: {  	_ =	shalt  }
0x6d: {  	_ =	shalt  }
0x6e: {  	_ =	shalt  }
0x6f: {  	_ =	shalt  }
0x70: {  	_ =	shalt  }
0x71: {  	_ =	shalt  }
0x72: {  	_ =	shalt  }
0x73: {  	_ =	shalt  }
0x74: {  	_ =	shalt  }
0x75: {  	_ =	shalt  }
0x76: {  	_ =	shalt  }
0x77: {  	_ =	shalt  }
0x78: {  	_ =	shalt  }
0x79: {  	_ =	shalt  }
0x7a: {  	_ =	shalt  }
0x7b: {  	_ =	shalt  }
0x7c: {  	_ =	shalt  }
0x7d: {  	_ =	shalt  }
0x7e: {  	_ =	shalt  }
0x7f: {  	_ =	shalt  }
0x80: {  	_ =	shalt  }
0x81: {  	_ =	shalt  }
0x82: {  	_ =	shalt  }
0x83: {  	_ =	shalt  }
0x84: {  	_ =	shalt  }
0x85: {  	_ =	shalt  }
0x86: {  	_ =	shalt  }
0x87: {  	_ =	shalt  }
.Lfunc_end0:
.L_simem_size_0:
called_computation.1_lowered:
.L_overlay_start_0:
0x88: {  	s2 =	sld [smem:$0x3FD9]  }
0x89: {  	s3 =	sld [smem:$0x3FFE];
	_ =	sdelay $0x1  }
0x8a: {  	s1 =	srdreg.scid  }
0x8b: {  	s0 =	sand.u32 $0x1, s1  }
0x8c: {  	s17 =	sshll.u32 s0, $0xA;
	s2 =	sadd.s32 s3, s2  }
0x8d: {  	s2 =	sadd.s32 s2, s17  }
0x8e: {  	[smem:$0x3FC1] =	sst s2  }
0x8f: {  	_ = 	snop  }
0x90: {  	s2 =	sld [smem:$0x3FC7]  }
0x91: {  	s18 =	sld [smem:$0x3FD0];
	(tm) =	ssettm $0x1  }
0x92: {  	s4 =	sld [smem:$0x3FFB];
	_ =	sdelay $0x3  }
0x93: {  	_ =	strace s4  }
0x94: {  	s4 =	sld [smem:$0x3FFC];
	_ =	sdelay $0x3  }
0x95: {  	_ =	strace s4  }
0x96: {  	s4 =	sld [smem:$0x3FFD];
	_ =	sdelay $0x3  }
0x97: {  	_ =	strace s4  }
0x98: {  	_ =	strace $0x8FFFFFFF  }
0x99: {  	s19 =	sld [smem:$0x3FDB];
	_ =	sdelay $0x1  }
0x9a: {  	s5 =	simm.s32 $_scs_section_size  }
0x9b: {  	s6 =	simm.s32 $_size__tile_overlayer_lowered;
	s7 =	simm.s32 $_tile_overlayer_lowered  }
0x9c: {  	s22 =	simm.s32 $0x1BFF;
	s21 =	sshll.u32 s7, $0x1;
	s4 =	sadd.s32 s5, s19  }
0x9d: {  	s8 =	simm.s32 $0x0;
	s20 =	sshll.u32 s6, $0x1;
	s6 =	sadd.s32 s21, s4  }
0x9e: {  	[timem:s8], [sflag:s22] =	dma.local [hbm:s6], s20  }
0x9f: {  	_ =	swait.ge [sflag:s22], s20  }
0xa0: {  	s5 =	ssub.s32 $0x0, s20;
	[sflag:s22] =	ssyncset.done $0x0  }
0xa1: {  	[sflag:s22] =	ssyncadd.s32 s5;
	_ =	sdelay $0x1  }
0xa2: {  	s23 =	simm.s32 $0x1B8B  }
0xa3: {  	_ =	swait.ge [sflag:s23], $0x1  }
0xa4: {  	[sflag:s23] =	ssyncset.done $0x0  }
0xa5: {  	s25 =	simm.s32 $0x1B8E;
	s24 =	sld [smem:$0x3FFE];
	[sflag:s23] =	ssyncadd.s32 $0xFFFFFFFF  }
0xa6: {  	s26 =	simm.s32 $execute0_lowered;
	[smem:$0x3FD2] =	sst s25  }
0xa7: {  	s6 =	sshll.u32 s26, $0x1;
	_ =	strace $0x80000049;
	[dreg:$0x1] =	wrdreg $0xFFFFFFFF  }
0xa8: {  	s28 =	simm.s32 $_size_execute0_lowered;
	s4 =	sadd.s32 s4, s6;
	[dreg:$0x0] =	wrdreg $0x0  }
0xa9: {  	s6 =	sshll.u32 s28, $0x1;
	[dreg:$0x2] =	wrdreg s4  }
0xaa: {  	[dreg:$0x3] =	wrdreg s6  }
0xab: {  	[dreg:$0x4] =	wrdreg $0xC0  }
0xac: {  	_ =	task [dreg:s8], $0x5FFFF  }
0xad: {  	[dreg:$0x1] =	wrdreg $0xFFFFFFFF  }
0xae: {  	[dreg:$0x0] =	wrdreg $0x60  }
0xaf: {  	[dreg:$0x2] =	wrdreg s24  }
0xb0: {  	[dreg:$0x3] =	wrdreg s18  }
0xb1: {  	[dreg:$0x4] =	wrdreg s2  }
0xb2: {  	[dreg:$0x5] =	wrdreg $0x134400  }
0xb3: {  	[dreg:$0x6] =	wrdreg $0x9  }
0xb4: {  	_ =	task.clear_ibuf [dreg:s8], $0x7FFFF;
	_ =	strace $0x90000049  }
0xb5: {  	s29 =	simm.s32 $0x9;
	_ =	strace $0x8000004B  }
0xb6: {  	_ =	swait.ge [sflag:s29], $0x1  }
0xb7: {  	[sflag:s29] =	ssyncadd.s32 $0xFFFFFFFF  }
0xb8: {  	_ =	strace $0x9000004B  }
0xb9: {  	_ =	sfence  }
0xba: {  	s30 =	sld [smem:$0x0];
	_ =	sdelay $0x2  }
0xbb: {  	s31 =	sshll.u32 s1, $0xD;
	s1 =	sshrl.u32 s1, $0x2  }
0xbc: {  	s3 =	sand.u32 $0x4000, s31;
	s1 =	sadd.s32 s1, s30  }
0xbd: {  	s0 =	sor.u32 s3, s0;
	s1 =	sshll.u32 s1, $0x11  }
0xbe: {  	s0 =	sor.u32 s1, s0  }
0xbf: {  	s0 =	sadd.s32 $0x8F2B, s0  }
0xc0: {  	[sflag:s0] =	ssyncadd.remote.s32 $0x1  }
0xc1: {  	_ =	sfence.sel $0xFFFF  }
0xc2: {  	[dreg:$0x0] =	wrdreg $0xFFFFFFFF;
	(pc) =	sbr.abs _section_cstart, $3  }
0xc3: {  	[dreg:$0x1] =	wrdreg $0xFFFFFFFF  }
0xc4: {  	_ =	task.clear_ibuf [dreg:s8], $0x2FFFF;
	_ =	strace $0x9FFFFFFF  }
0xc5: {  	(tm) =	ssettm $0x7FFFFFFF  }
tec
execute0_lowered:
.L_overlay_start_1:
0x0: {  	(tag) =	ssettag $0x1  }
0x1: {  	s0 =	rddreg [dreg:$0x0]  }
0x2: {  	s1 =	rddreg [dreg:$0x1]  }
0x3: {  	s5 =	rddreg [dreg:$0x2]  }
0x4: {  	s2 =	rddreg [dreg:$0x3]  }
0x5: {  	s3 =	simm.s32 $0x0;
	s18 =	stileid.u32;
	s4 =	srdreg.scid  }
0x6: {  	s28 =	simm.s32 $0x11440;
	s29 =	simm.s32 $0xA0;
	s30 =	simm.s32 $0xEC40  }
0x7: {  	s31 =	simm.s32 $0x1;
	[smem:$0x7FF] =	sst s3;
	s6 =	smul.u32 $0x4E2, s18  }
0x8: {  	s7 =	sand.u32 $0x1, s4;
	s4 =	sadd.s32 $0x139800, s0;
	s11 =	smul.u32 $0xA000, s18  }
0x9: {  	_ =	strace $0x8000004A;
	s8 =	ssub.s32 $0x2, s7;
	s26 =	smul.u32 $0x140000, s7  }
0xa: {  	s9 =	sadd.s32 s6, s0;
	s10 =	sshrl.u32 s8, $0x1;
	s0 =	sadd.s32 $0x1000, s0  }
0xb: {  	s1 =	sadd.s32 s1, s6;
	s13 =	sadd.s32 s5, s6;
	s5 =	sadd.s32 $0x2000, s11  }
0xc: {  	s22 =	sadd.s32 $0x8000, s11;
	s8 =	ssub.s32 s8, s10;
	[dreg:$0x6] =	wrdreg s1  }
0xd: {  	s9 =	sadd.s32 $0x272000, s9;
	[dreg:$0x7] =	wrdreg s13;
	s1 =	sshll.u32 s7, $0x1  }
0xe: {  	s14 =	sadd.s32 s11, s26;
	s7 =	sadd.s32 $0x4000, s11;
	s15 =	sadd.s32 s26, s5  }
0xf: {  	s20 =	sadd.s32 $0xA0000, s26;
	s10 =	sadd.s32 s26, s22;
	[dreg:$0x5] =	wrdreg s9  }
0x10: {  	s9 =	sadd.s32 $0x6000, s11;
	s6 =	sshrl.u32 s14, $0x3;
	s12 =	sadd.s32 s26, s7  }
0x11: {  	s21 =	sadd.s32 s11, s20;
	s23 =	sadd.s32 s5, s20;
	s10 =	sshrl.u32 s10, $0x3  }
0x12: {  	s24 =	sadd.s32 s7, s20;
	s6 =	sadd.s32 s0, s6;
	s13 =	sadd.s32 s26, s9  }
0x13: {  	s16 =	sshrl.u32 s12, $0x3;
	s14 =	sshrl.u32 s21, $0x3;
	s10 =	sadd.s32 s0, s10  }
0x14: {  	s25 =	sadd.s32 s9, s20;
	s26 =	sor.u32 $0x2800, s18;
	s18 =	sadd.s32 s11, s2  }
0x15: {  	s21 =	sadd.s32 s9, s2;
	[dreg:$0x8] =	wrdreg s6;
	s6 =	sshrl.u32 s15, $0x3  }
0x16: {  	s17 =	sshrl.u32 s13, $0x3;
	s15 =	sshrl.u32 s23, $0x3;
	[dreg:$0xc] =	wrdreg s10  }
0x17: {  	s13 =	sadd.s32 s0, s14;
	s10 =	sshrl.u32 s24, $0x3;
	s23 =	smax.u32 s8, $0x1  }
0x18: {  	s24 =	simm.s32 $0x2;
	s6 =	sadd.s32 s0, s6;
	s19 =	sadd.s32 s0, s17  }
0x19: {  	s14 =	sadd.s32 s0, s15;
	s15 =	sadd.s32 s0, s10;
	[dreg:$0x9] =	wrdreg s6  }
0x1a: {  	s6 =	sadd.s32 s0, s16;
	[dreg:$0xb] =	wrdreg s19;
	s16 =	sshrl.u32 s25, $0x3  }
0x1b: {  	s19 =	sadd.s32 s5, s2;
	[dreg:$0xa] =	wrdreg s6;
	s6 =	sadd.s32 s22, s20  }
0x1c: {  	v0 =	vmov s1;
	s16 =	sadd.s32 s0, s16;
	s20 =	sadd.s32 s7, s2;
	s6 =	sshrl.u32 s6, $0x3  }
0x1d: {  	v3 =	vimm.f32 $0.0e+00;
	v2 =	vor.u32 $0x1, v0;
	v1 =	vmov s26;
	s22 =	sadd.s32 s22, s2;
	s17 =	sadd.s32 s0, s6;
	s0 =	simm.s32 $0x0  }
.LBB2_1:
0x1e: {  	s1 =	rddreg [dreg:$0x5]  }
0x1f: {  	[tilespmem:s3], [sflag:$0x2] =	stream.linear.gather [hbm4b:s1+s3], $0x2710, $0x38;
	[tilespmem:$0x1D480] =	vst v63  }
0x20: {  	_ =	swait.ge [sflag:s24], $0x2710  }
0x21: {  	[sflag:s24] =	ssyncset.done $0x0  }
0x22: {  	s5 =	simm.s32 $0x2760;
	s12 =	rddreg [dreg:$0x6];
	[sflag:s24] =	ssyncadd.s32 $0xFFFFD8F0  }
0x23: {  	[tilespmem:s5], [sflag:$0x2] =	stream.linear.gather [hbm4b:s12+s3], $0x2710, $0x38;
	[tilespmem:$0x1D480] =	vst v63  }
0x24: {  	_ =	swait.ge [sflag:s24], $0x2710  }
0x25: {  	[sflag:s24] =	ssyncset.done $0x0  }
0x26: {  	s26 =	simm.s32 $0x4EC0;
	s25 =	rddreg [dreg:$0x7];
	[sflag:s24] =	ssyncadd.s32 $0xFFFFD8F0  }
0x27: {  	[tilespmem:s26], [sflag:$0x2] =	stream.linear.gather [hbm4b:s25+s3], $0x2710, $0x38;
	[tilespmem:$0x1D480] =	vst v63  }
0x28: {  	_ =	swait.ge [sflag:s24], $0x2710  }
0x29: {  	[sflag:s24] =	ssyncset.done $0x0  }
0x2a: {  	s26 =	simm.s32 $0x4F10;
	[sflag:s24] =	ssyncadd.s32 $0xFFFFD8F0  }
0x2b: {  	v4 =	vld [tilespmem:s26+$0xFFFFFFB0]  }
0x2c: {  	s5 =	simm.s32 $0x50  }
0x2d: {  	v5 =	vld [tilespmem:s5+$0xFFFFFFB0];
	_ =	sdelay $0x2  }
0x2e: {  	v4 =	vmul.u32 $0x2710, v4  }
0x2f: {  	s6 =	simm.s32 $0x27B0  }
0x30: {  	v6 =	vld [tilespmem:s6+$0xFFFFFFB0];
	v4 =	vadd.s32 v5, v4  }
0x31: {  	v4 =	vshll.u32 v4, $0x2  }
0x32: {  	s1 =	simm.s32 $0x9E10;
	v5 =	vor.u32 v0, v4  }
0x33: {  	v4 =	vor.u32 v2, v4;
	[tilespmem:s1+$0xFFFFD810] =	vst v5  }
0x34: {  	s25 =	simm.s32 $0xC530;
	[tilespmem:s1+$0xFFFFFF70] =	vst v4  }
0x35: {  	[tilespmem:s25+$0xFFFFFFB0] =	vst v6  }
0x36: {  	v4 =	vld [tilespmem:s26+$0xFFFFFFC0];
	_ =	sdelay $0x1  }
0x37: {  	v5 =	vld [tilespmem:s5+$0xFFFFFFC0];
	_ =	sdelay $0x2  }
0x38: {  	v4 =	vmul.u32 $0x2710, v4;
	_ =	sdelay $0x1  }
0x39: {  	v6 =	vld [tilespmem:s6+$0xFFFFFFC0];
	v4 =	vadd.s32 v5, v4  }
0x3a: {  	v4 =	vshll.u32 v4, $0x2  }
0x3b: {  	v5 =	vor.u32 v0, v4  }
0x3c: {  	v4 =	vor.u32 v2, v4;
	[tilespmem:s1+$0xFFFFD820] =	vst v5  }
0x3d: {  	[tilespmem:s1+$0xFFFFFF80] =	vst v4  }
0x3e: {  	[tilespmem:s25+$0xFFFFFFC0] =	vst v6  }
0x3f: {  	v4 =	vld [tilespmem:s26+$0xFFFFFFD0];
	_ =	sdelay $0x1  }
0x40: {  	v5 =	vld [tilespmem:s5+$0xFFFFFFD0];
	_ =	sdelay $0x2  }
0x41: {  	v4 =	vmul.u32 $0x2710, v4;
	_ =	sdelay $0x1  }
0x42: {  	v6 =	vld [tilespmem:s6+$0xFFFFFFD0];
	v4 =	vadd.s32 v5, v4  }
0x43: {  	v4 =	vshll.u32 v4, $0x2  }
0x44: {  	v5 =	vor.u32 v0, v4  }
0x45: {  	v4 =	vor.u32 v2, v4;
	[tilespmem:s1+$0xFFFFD830] =	vst v5  }
0x46: {  	[tilespmem:s1+$0xFFFFFF90] =	vst v4  }
0x47: {  	[tilespmem:s25+$0xFFFFFFD0] =	vst v6  }
0x48: {  	v4 =	vld [tilespmem:s26+$0xFFFFFFE0];
	_ =	sdelay $0x1  }
0x49: {  	v5 =	vld [tilespmem:s5+$0xFFFFFFE0];
	_ =	sdelay $0x2  }
0x4a: {  	v4 =	vmul.u32 $0x2710, v4;
	_ =	sdelay $0x1  }
0x4b: {  	v6 =	vld [tilespmem:s6+$0xFFFFFFE0];
	v4 =	vadd.s32 v5, v4  }
0x4c: {  	v4 =	vshll.u32 v4, $0x2  }
0x4d: {  	v5 =	vor.u32 v0, v4  }
0x4e: {  	v4 =	vor.u32 v2, v4;
	[tilespmem:s1+$0xFFFFD840] =	vst v5  }
0x4f: {  	[tilespmem:s1+$0xFFFFFFA0] =	vst v4  }
0x50: {  	[tilespmem:s25+$0xFFFFFFE0] =	vst v6  }
0x51: {  	v4 =	vld [tilespmem:s26+$0xFFFFFFF0];
	_ =	sdelay $0x1  }
0x52: {  	v5 =	vld [tilespmem:s5+$0xFFFFFFF0];
	_ =	sdelay $0x2  }
0x53: {  	v4 =	vmul.u32 $0x2710, v4;
	_ =	sdelay $0x1  }
0x54: {  	v6 =	vld [tilespmem:s6+$0xFFFFFFF0];
	v4 =	vadd.s32 v5, v4  }
0x55: {  	v4 =	vshll.u32 v4, $0x2  }
0x56: {  	v5 =	vor.u32 v0, v4  }
0x57: {  	v4 =	vor.u32 v2, v4;
	[tilespmem:s1+$0xFFFFD850] =	vst v5  }
0x58: {  	[tilespmem:s1+$0xFFFFFFB0] =	vst v4  }
0x59: {  	[tilespmem:s25+$0xFFFFFFF0] =	vst v6  }
0x5a: {  	v4 =	vld [tilespmem:s26+$0x0];
	_ =	sdelay $0x1  }
0x5b: {  	v5 =	vld [tilespmem:s5+$0x0];
	_ =	sdelay $0x2  }
0x5c: {  	v4 =	vmul.u32 $0x2710, v4;
	_ =	sdelay $0x1  }
0x5d: {  	v6 =	vld [tilespmem:s6+$0x0];
	v4 =	vadd.s32 v5, v4  }
0x5e: {  	v4 =	vshll.u32 v4, $0x2  }
0x5f: {  	p0 =	por $0x1, $0x1;
	v5 =	vor.u32 v0, v4  }
0x60: {  	v4 =	vor.u32 v2, v4;
	v5 =	vpsel !p0, $0x0, v5  }
0x61: {  	v4 =	vpsel !p0, $0x0, v4;
	[tilespmem:s1+$0xFFFFD860] =	vst v5  }
0x62: {  	[tilespmem:s1+$0xFFFFFFC0] =	vst v4;
	v4 =	vpsel p0, v6, v1  }
0x63: {  	[tilespmem:s25+$0x0] =	vst v4  }
0x64: {  	v4 =	vld [tilespmem:s26+$0x10];
	_ =	sdelay $0x1  }
0x65: {  	v5 =	vld [tilespmem:s5+$0x10];
	_ =	sdelay $0x2  }
0x66: {  	v4 =	vmul.u32 $0x2710, v4;
	_ =	sdelay $0x1  }
0x67: {  	v6 =	vld [tilespmem:s6+$0x10];
	v4 =	vadd.s32 v5, v4  }
0x68: {  	v4 =	vshll.u32 v4, $0x2  }
0x69: {  	p4 =	por $0x1, $0x1;
	v5 =	vor.u32 v0, v4  }
0x6a: {  	v4 =	vor.u32 v2, v4;
	v5 =	vpsel !p4, $0x0, v5  }
0x6b: {  	v4 =	vpsel !p4, $0x0, v4;
	[tilespmem:s1+$0xFFFFD870] =	vst v5  }
0x6c: {  	[tilespmem:s1+$0xFFFFFFD0] =	vst v4;
	v4 =	vpsel p4, v6, v1  }
0x6d: {  	[tilespmem:s25+$0x10] =	vst v4  }
0x6e: {  	v4 =	vld [tilespmem:s26+$0x20];
	_ =	sdelay $0x1  }
0x6f: {  	v5 =	vld [tilespmem:s5+$0x20];
	_ =	sdelay $0x2  }
0x70: {  	v4 =	vmul.u32 $0x2710, v4;
	_ =	sdelay $0x1  }
0x71: {  	v6 =	vld [tilespmem:s6+$0x20];
	v4 =	vadd.s32 v5, v4  }
0x72: {  	v4 =	vshll.u32 v4, $0x2  }
0x73: {  	p5 =	por $0x1, $0x1;
	v5 =	vor.u32 v0, v4  }
0x74: {  	v4 =	vor.u32 v2, v4;
	v5 =	vpsel !p5, $0x0, v5  }
0x75: {  	v4 =	vpsel !p5, $0x0, v4;
	[tilespmem:s1+$0xFFFFD880] =	vst v5  }
0x76: {  	[tilespmem:s1+$0xFFFFFFE0] =	vst v4;
	v4 =	vpsel p5, v6, v1  }
0x77: {  	[tilespmem:s25+$0x20] =	vst v4  }
0x78: {  	v4 =	vld [tilespmem:s26+$0x30];
	_ =	sdelay $0x1  }
0x79: {  	v5 =	vld [tilespmem:s5+$0x30];
	_ =	sdelay $0x2  }
0x7a: {  	v4 =	vmul.u32 $0x2710, v4;
	_ =	sdelay $0x1  }
0x7b: {  	v6 =	vld [tilespmem:s6+$0x30];
	v4 =	vadd.s32 v5, v4  }
0x7c: {  	v4 =	vshll.u32 v4, $0x2  }
0x7d: {  	p6 =	por $0x1, $0x1;
	v5 =	vor.u32 v0, v4  }
0x7e: {  	v4 =	vor.u32 v2, v4;
	v5 =	vpsel !p6, $0x0, v5  }
0x7f: {  	v4 =	vpsel !p6, $0x0, v4;
	[tilespmem:s1+$0xFFFFD890] =	vst v5  }
0x80: {  	[tilespmem:s1+$0xFFFFFFF0] =	vst v4;
	v4 =	vpsel p6, v6, v1  }
0x81: {  	s7 =	simm.s32 $0x90;
	s8 =	simm.s32 $0x130;
	[tilespmem:s25+$0x30] =	vst v4  }
0x82: {  	s10 =	simm.s32 $0xC5D0;
	s11 =	simm.s32 $0x9EB0;
	s9 =	simm.s32 $0x27B0;
	v4 =	vld [tilespmem:s26+$0x40]  }
.LBB2_2:
0x83: {  	v5 =	vld [tilespmem:s5+$0x40];
	s5 =	sadd.s32 $0xA0, s5  }
0x84: {  	s26 =	sadd.s32 $0xA0, s26;
	s6 =	sadd.s32 $0xA0, s6;
	s12 =	smov.u32 s8  }
0x85: {  	p0 =	sne.s32 s8, $0x2750;
	s8 =	sadd.s32 $0xA0, s8;
	v6 =	vld [tilespmem:s9+$0x40];
	s9 =	smov.u32 s6  }
0x86: {  	_ =	sdelay $0x1  }
0x87: {  	v4 =	vmul.u32 $0x2710, v4;
	_ =	sdelay $0x1  }
0x88: {  	v4 =	vadd.s32 v5, v4  }
0x89: {  	v4 =	vshll.u32 v4, $0x2  }
0x8a: {  	p1 =	slt.u32 s7, $0x2710;
	s7 =	smov.u32 s12;
	v5 =	vor.u32 v0, v4;
	v4 =	vor.u32 v2, v4  }
0x8b: {  	v5 =	vpsel !p1, $0x0, v5;
	v4 =	vpsel !p1, $0x0, v4  }
0x8c: {  	[tilespmem:s1+$0xFFFFD8A0] =	vst v5  }
0x8d: {  	[tilespmem:s1+$0x0] =	vst v4;
	v4 =	vpsel p1, v6, v1;
	s1 =	smov.u32 s11  }
0x8e: {  	[tilespmem:s25+$0x40] =	vst v4;
	s25 =	smov.u32 s10  }
0x8f: {  	v4 =	vld [tilespmem:s26+$0xFFFFFFB0]  }
0x90: {  	v5 =	vld [tilespmem:s5+$0xFFFFFFB0];
	_ =	sdelay $0x3  }
0x91: {  	v4 =	vmul.u32 $0x2710, v4  }
0x92: {  	v6 =	vld [tilespmem:s6+$0xFFFFFFB0]  }
0x93: {  	v4 =	vadd.s32 v5, v4  }
0x94: {  	v4 =	vshll.u32 v4, $0x2  }
0x95: {  	v5 =	vor.u32 v0, v4;
	v4 =	vor.u32 v2, v4  }
0x96: {  	[tilespmem:s11+$0xFFFFD810] =	vst v5  }
0x97: {  	[tilespmem:s11+$0xFFFFFF70] =	vst v4  }
0x98: {  	[tilespmem:s10+$0xFFFFFFB0] =	vst v6  }
0x99: {  	v4 =	vld [tilespmem:s26+$0xFFFFFFC0];
	_ =	sdelay $0x1  }
0x9a: {  	v5 =	vld [tilespmem:s5+$0xFFFFFFC0];
	_ =	sdelay $0x2  }
0x9b: {  	v4 =	vmul.u32 $0x2710, v4;
	_ =	sdelay $0x1  }
0x9c: {  	v6 =	vld [tilespmem:s6+$0xFFFFFFC0];
	v4 =	vadd.s32 v5, v4  }
0x9d: {  	v4 =	vshll.u32 v4, $0x2  }
0x9e: {  	v5 =	vor.u32 v0, v4;
	v4 =	vor.u32 v2, v4  }
0x9f: {  	[tilespmem:s11+$0xFFFFD820] =	vst v5  }
0xa0: {  	[tilespmem:s11+$0xFFFFFF80] =	vst v4  }
0xa1: {  	[tilespmem:s10+$0xFFFFFFC0] =	vst v6  }
0xa2: {  	v4 =	vld [tilespmem:s26+$0xFFFFFFD0];
	_ =	sdelay $0x1  }
0xa3: {  	v5 =	vld [tilespmem:s5+$0xFFFFFFD0];
	_ =	sdelay $0x2  }
0xa4: {  	v4 =	vmul.u32 $0x2710, v4;
	_ =	sdelay $0x1  }
0xa5: {  	v6 =	vld [tilespmem:s6+$0xFFFFFFD0];
	v4 =	vadd.s32 v5, v4  }
0xa6: {  	v4 =	vshll.u32 v4, $0x2  }
0xa7: {  	v5 =	vor.u32 v0, v4;
	v4 =	vor.u32 v2, v4  }
0xa8: {  	[tilespmem:s11+$0xFFFFD830] =	vst v5  }
0xa9: {  	[tilespmem:s11+$0xFFFFFF90] =	vst v4  }
0xaa: {  	[tilespmem:s10+$0xFFFFFFD0] =	vst v6  }
0xab: {  	v4 =	vld [tilespmem:s26+$0xFFFFFFE0];
	_ =	sdelay $0x1  }
0xac: {  	v5 =	vld [tilespmem:s5+$0xFFFFFFE0];
	_ =	sdelay $0x2  }
0xad: {  	v4 =	vmul.u32 $0x2710, v4;
	_ =	sdelay $0x1  }
0xae: {  	v6 =	vld [tilespmem:s6+$0xFFFFFFE0];
	v4 =	vadd.s32 v5, v4  }
0xaf: {  	v4 =	vshll.u32 v4, $0x2  }
0xb0: {  	v5 =	vor.u32 v0, v4;
	v4 =	vor.u32 v2, v4  }
0xb1: {  	[tilespmem:s11+$0xFFFFD840] =	vst v5  }
0xb2: {  	[tilespmem:s11+$0xFFFFFFA0] =	vst v4  }
0xb3: {  	[tilespmem:s10+$0xFFFFFFE0] =	vst v6  }
0xb4: {  	v4 =	vld [tilespmem:s26+$0xFFFFFFF0];
	_ =	sdelay $0x1  }
0xb5: {  	v5 =	vld [tilespmem:s5+$0xFFFFFFF0];
	_ =	sdelay $0x2  }
0xb6: {  	v4 =	vmul.u32 $0x2710, v4;
	_ =	sdelay $0x1  }
0xb7: {  	v6 =	vld [tilespmem:s6+$0xFFFFFFF0];
	v4 =	vadd.s32 v5, v4  }
0xb8: {  	v4 =	vshll.u32 v4, $0x2  }
0xb9: {  	v5 =	vor.u32 v0, v4;
	v4 =	vor.u32 v2, v4  }
0xba: {  	[tilespmem:s11+$0xFFFFD850] =	vst v5  }
0xbb: {  	[tilespmem:s11+$0xFFFFFFB0] =	vst v4  }
0xbc: {  	[tilespmem:s10+$0xFFFFFFF0] =	vst v6  }
0xbd: {  	v4 =	vld [tilespmem:s26+$0x0]  }
0xbe: {  	v5 =	vld [tilespmem:s5+$0x0];
	_ =	sdelay $0x3  }
0xbf: {  	v4 =	vmul.u32 $0x2710, v4;
	_ =	sdelay $0x1  }
0xc0: {  	v6 =	vld [tilespmem:s6+$0x0];
	v4 =	vadd.s32 v5, v4  }
0xc1: {  	s12 =	sadd.s32 $0xFFFFFFC0, s7;
	v4 =	vshll.u32 v4, $0x2  }
0xc2: {  	p1 =	slt.u32 s12, $0x2710;
	v5 =	vor.u32 v0, v4;
	v4 =	vor.u32 v2, v4  }
0xc3: {  	v5 =	vpsel !p1, $0x0, v5;
	v4 =	vpsel !p1, $0x0, v4  }
0xc4: {  	[tilespmem:s11+$0xFFFFD860] =	vst v5  }
0xc5: {  	[tilespmem:s11+$0xFFFFFFC0] =	vst v4;
	v4 =	vpsel p1, v6, v1  }
0xc6: {  	[tilespmem:s10+$0x0] =	vst v4  }
0xc7: {  	v4 =	vld [tilespmem:s26+$0x10]  }
0xc8: {  	v5 =	vld [tilespmem:s5+$0x10]  }
0xc9: {  	v6 =	vld [tilespmem:s6+$0x10];
	_ =	sdelay $0x2  }
0xca: {  	v4 =	vmul.u32 $0x2710, v4;
	_ =	sdelay $0x1  }
0xcb: {  	v4 =	vadd.s32 v5, v4  }
0xcc: {  	s12 =	sadd.s32 $0xFFFFFFD0, s7;
	v4 =	vshll.u32 v4, $0x2  }
0xcd: {  	p1 =	slt.u32 s12, $0x2710;
	v5 =	vor.u32 v0, v4;
	v4 =	vor.u32 v2, v4  }
0xce: {  	v5 =	vpsel !p1, $0x0, v5;
	v4 =	vpsel !p1, $0x0, v4  }
0xcf: {  	[tilespmem:s11+$0xFFFFD870] =	vst v5  }
0xd0: {  	[tilespmem:s11+$0xFFFFFFD0] =	vst v4;
	v4 =	vpsel p1, v6, v1  }
0xd1: {  	[tilespmem:s10+$0x10] =	vst v4  }
0xd2: {  	v4 =	vld [tilespmem:s26+$0x20]  }
0xd3: {  	v5 =	vld [tilespmem:s5+$0x20]  }
0xd4: {  	v6 =	vld [tilespmem:s6+$0x20];
	_ =	sdelay $0x2  }
0xd5: {  	v4 =	vmul.u32 $0x2710, v4;
	_ =	sdelay $0x1  }
0xd6: {  	v4 =	vadd.s32 v5, v4  }
0xd7: {  	s12 =	sadd.s32 $0xFFFFFFE0, s7;
	v4 =	vshll.u32 v4, $0x2  }
0xd8: {  	p1 =	slt.u32 s12, $0x2710;
	v5 =	vor.u32 v0, v4;
	v4 =	vor.u32 v2, v4  }
0xd9: {  	v5 =	vpsel !p1, $0x0, v5;
	v4 =	vpsel !p1, $0x0, v4  }
0xda: {  	[tilespmem:s11+$0xFFFFD880] =	vst v5  }
0xdb: {  	[tilespmem:s11+$0xFFFFFFE0] =	vst v4;
	v4 =	vpsel p1, v6, v1  }
0xdc: {  	[tilespmem:s10+$0x20] =	vst v4  }
0xdd: {  	v4 =	vld [tilespmem:s26+$0x30]  }
0xde: {  	v5 =	vld [tilespmem:s5+$0x30]  }
0xdf: {  	v6 =	vld [tilespmem:s6+$0x30];
	_ =	sdelay $0x2  }
0xe0: {  	v4 =	vmul.u32 $0x2710, v4;
	_ =	sdelay $0x1  }
0xe1: {  	v4 =	vadd.s32 v5, v4  }
0xe2: {  	s12 =	sadd.s32 $0xFFFFFFF0, s7;
	v4 =	vshll.u32 v4, $0x2  }
0xe3: {  	p1 =	slt.u32 s12, $0x2710;
	v5 =	vor.u32 v0, v4;
	v4 =	vor.u32 v2, v4  }
.Ltmp0:
0xe4: {  	v5 =	vpsel !p1, $0x0, v5;
	v4 =	vpsel !p1, $0x0, v4;
	(pc) =	sbr.rel @p0 .LBB2_2-.Ltmp0, $4  }
0xe5: {  	[tilespmem:s11+$0xFFFFD890] =	vst v5  }
0xe6: {  	[tilespmem:s11+$0xFFFFFFF0] =	vst v4;
	v4 =	vpsel p1, v6, v1  }
0xe7: {  	[tilespmem:s10+$0x30] =	vst v4  }
0xe8: {  	s11 =	sadd.s32 $0xA0, s11;
	s10 =	sadd.s32 $0xA0, s10;
	v4 =	vld [tilespmem:s26+$0x40]  }
0xe9: {  	_ = 	snop  }
0xea: {  	v5 =	vld [tilespmem:s5+$0x40];
	_ =	sdelay $0x2  }
0xeb: {  	v4 =	vmul.u32 $0x2710, v4;
	_ =	sdelay $0x1  }
0xec: {  	v6 =	vld [tilespmem:s9+$0x40];
	v4 =	vadd.s32 v5, v4  }
0xed: {  	v4 =	vshll.u32 v4, $0x2  }
0xee: {  	p0 =	slt.u32 s7, $0x2710;
	v5 =	vor.u32 v0, v4  }
0xef: {  	v4 =	vor.u32 v2, v4;
	v5 =	vpsel !p0, $0x0, v5  }
0xf0: {  	v4 =	vpsel !p0, $0x0, v4;
	[tilespmem:s1+$0xFFFFD8A0] =	vst v5  }
0xf1: {  	[tilespmem:s1+$0x0] =	vst v4;
	v4 =	vpsel p0, v6, v1  }
0xf2: {  	s5 =	simm.s32 $0x100;
	s1 =	simm.s32 $0x0;
	[tilespmem:s25+$0x40] =	vst v4  }
.LBB2_4:
0xf3: {  	p0 =	sne.s32 s5, $0x7F00;
	[tilespmem:s1+$0x11470] =	vst v3;
	s6 =	smov.u32 s5;
	s5 =	sadd.s32 $0x100, s5  }
.Ltmp1:
0xf4: {  	[tilespmem:s1+$0x11460] =	vst v3;
	(pc) =	sbr.rel @p0 .LBB2_4-.Ltmp1, $3  }
0xf5: {  	[tilespmem:s1+$0x11440] =	vst v3  }
0xf6: {  	[tilespmem:s1+$0x11450] =	vst v3;
	_ =	sdelay $0x1  }
0xf7: {  	s1 =	sshra.s32 s6, $0x2  }
0xf8: {  	[tilespmem:s1+$0x11470] =	vst v3  }
0xf9: {  	[tilespmem:s1+$0x11460] =	vst v3  }
0xfa: {  	[tilespmem:s1+$0x11440] =	vst v3  }
0xfb: {  	[tilespmem:s1+$0x11450] =	vst v3  }
0xfc: {  	[spmem:s18] =	stream.linear.scatter [tilespmem:s28], [sflag:$0x2], $0x2000, $0x38;
	[tilespmem:$0x1D480] =	vst v63  }
0xfd: {  	_ =	swait.ge [sflag:s24], $0x2000  }
0xfe: {  	[sflag:s24] =	ssyncset.done $0x0  }
0xff: {  	[sflag:s24] =	ssyncadd.s32 $0xFFFFE000  }
0x100: {  	[spmem:s19] =	stream.linear.scatter [tilespmem:s28], [sflag:$0x2], $0x2000, $0x38;
	[tilespmem:$0x1D480] =	vst v63  }
0x101: {  	_ =	swait.ge [sflag:s24], $0x2000  }
0x102: {  	[sflag:s24] =	ssyncset.done $0x0  }
0x103: {  	[sflag:s24] =	ssyncadd.s32 $0xFFFFE000  }
0x104: {  	[spmem:s20] =	stream.linear.scatter [tilespmem:s28], [sflag:$0x2], $0x2000, $0x38;
	[tilespmem:$0x1D480] =	vst v63  }
0x105: {  	_ =	swait.ge [sflag:s24], $0x2000  }
0x106: {  	[sflag:s24] =	ssyncset.done $0x0  }
0x107: {  	[sflag:s24] =	ssyncadd.s32 $0xFFFFE000  }
0x108: {  	[spmem:s21] =	stream.linear.scatter [tilespmem:s28], [sflag:$0x2], $0x2000, $0x38;
	[tilespmem:$0x1D480] =	vst v63  }
0x109: {  	_ =	swait.ge [sflag:s24], $0x2000  }
0x10a: {  	[sflag:s24] =	ssyncset.done $0x0  }
0x10b: {  	[sflag:s24] =	ssyncadd.s32 $0xFFFFE000  }
0x10c: {  	[spmem:s22] =	stream.linear.scatter [tilespmem:s28], [sflag:$0x2], $0x2000, $0x38;
	[tilespmem:$0x1D480] =	vst v63  }
0x10d: {  	_ =	swait.ge [sflag:s24], $0x2000  }
0x10e: {  	[sflag:s24] =	ssyncset.done $0x0  }
0x10f: {  	[sflag:s24] =	ssyncadd.s32 $0xFFFFE000  }
0x110: {  	s25 =	simm.s32 $0x7620;
	[bflag:$0x0] =	sbarrier.arrive $0xFFFF  }
0x111: {  	[tilespmem:s30], [sflag:$0x1] =	stream.indirect.gather [hbm4b:s4+s29], $0x40, s25, s29, $0xb8;
	[tilespmem:$0x1D480] =	vst v63  }
0x112: {  	_ =	swait.ge [sflag:s31], $0x2800  }
0x113: {  	[sflag:s31] =	ssyncset.done $0x0  }
0x114: {  	s26 =	simm.s32 $0xC4E0;
	[sflag:s31] =	ssyncadd.s32 $0xFFFFD800  }
0x115: {  	[spmem:s2] =	stream.indirect.scatter.add.f32 [tilespmem:s30], [sflag:$0x2], $0x40, s26, s29, $0xb8;
	[tilespmem:$0x1D480] =	vst v63  }
0x116: {  	_ =	swait.ge [sflag:s24], $0x2800  }
0x117: {  	s5 =	simm.s32 $0x500;
	s1 =	simm.s32 $0xA0;
	[sflag:s24] =	ssyncset.done $0x0  }
.LBB2_6:
0x118: {  	s6 =	sadd.s32 $0x7620, s1  }
0x119: {  	[sflag:s24] =	ssyncadd.s32 $0xFFFFD800;
	s7 =	smov.u32 s5;
	s8 =	sadd.s32 $0x280, s5  }
0x11a: {  	[tilespmem:s30], [sflag:$0x1] =	stream.indirect.gather [hbm4b:s4+s29], $0x40, s6, s29, $0xb8;
	[tilespmem:$0x1D480] =	vst v63  }
0x11b: {  	p0 =	sne.s32 s5, $0x9B00;
	_ =	swait.ge [sflag:s31], $0x2800  }
.Ltmp2:
0x11c: {  	[sflag:s31] =	ssyncset.done $0x0;
	(pc) =	sbr.rel @p0 .LBB2_6-.Ltmp2, $4  }
0x11d: {  	s1 =	sadd.s32 $0xC4E0, s1;
	[sflag:s31] =	ssyncadd.s32 $0xFFFFD800  }
0x11e: {  	[spmem:s2] =	stream.indirect.scatter.add.f32 [tilespmem:s30], [sflag:$0x2], $0x40, s1, s29, $0xb8;
	[tilespmem:$0x1D480] =	vst v63  }
0x11f: {  	_ =	swait.ge [sflag:s24], $0x2800  }
0x120: {  	s5 =	smov.u32 s8;
	s1 =	sshra.s32 s7, $0x2;
	[sflag:s24] =	ssyncset.done $0x0  }
0x121: {  	s5 =	sadd.s32 $0x7620, s1;
	[sflag:s24] =	ssyncadd.s32 $0xFFFFD800  }
0x122: {  	[tilespmem:s30], [sflag:$0x1] =	stream.indirect.gather [hbm4b:s4+s29], $0x40, s5, s29, $0xb8;
	[tilespmem:$0x1D480] =	vst v63  }
0x123: {  	_ =	swait.ge [sflag:s31], $0x2800  }
0x124: {  	[sflag:s31] =	ssyncset.done $0x0  }
0x125: {  	s8 =	sadd.s32 $0xC4E0, s1;
	[sflag:s31] =	ssyncadd.s32 $0xFFFFD800  }
0x126: {  	[spmem:s2] =	stream.indirect.scatter.add.f32 [tilespmem:s30], [sflag:$0x2], $0x40, s8, s29, $0xb8;
	[tilespmem:$0x1D480] =	vst v63  }
0x127: {  	_ =	swait.ge [sflag:s24], $0x2800  }
0x128: {  	[sflag:s24] =	ssyncset.done $0x0  }
0x129: {  	[sflag:s24] =	ssyncadd.s32 $0xFFFFD800  }
0x12a: {  	[bflag:$0x0] =	sbarrier.arrive $0xFFFF  }
0x12b: {  	[tilespmem:s28], [sflag:$0x2] =	stream.linear.gather [spmem:s18], $0x2000, $0x38;
	[tilespmem:$0x1D480] =	vst v63  }
0x12c: {  	_ =	swait.ge [sflag:s24], $0x2000  }
0x12d: {  	[sflag:s24] =	ssyncset.done $0x0  }
0x12e: {  	s9 =	simm.s32 $0x0;
	s10 =	rddreg [dreg:$0x8];
	[sflag:s24] =	ssyncadd.s32 $0xFFFFE000  }
0x12f: {  	[hbm4b:s10+s9] =	stream.linear.scatter [tilespmem:s28], [sflag:$0x2], $0x2000, $0x38;
	[tilespmem:$0x1D480] =	vst v63  }
0x130: {  	_ =	swait.ge [sflag:s24], $0x2000  }
0x131: {  	[sflag:s24] =	ssyncset.done $0x0  }
0x132: {  	[sflag:s24] =	ssyncadd.s32 $0xFFFFE000  }
0x133: {  	[tilespmem:s28], [sflag:$0x2] =	stream.linear.gather [spmem:s19], $0x2000, $0x38;
	[tilespmem:$0x1D480] =	vst v63  }
0x134: {  	_ =	swait.ge [sflag:s24], $0x2000  }
0x135: {  	[sflag:s24] =	ssyncset.done $0x0  }
0x136: {  	s11 =	rddreg [dreg:$0x9];
	[sflag:s24] =	ssyncadd.s32 $0xFFFFE000  }
0x137: {  	[hbm4b:s11+s9] =	stream.linear.scatter [tilespmem:s28], [sflag:$0x2], $0x2000, $0x38;
	[tilespmem:$0x1D480] =	vst v63  }
0x138: {  	_ =	swait.ge [sflag:s24], $0x2000  }
0x139: {  	[sflag:s24] =	ssyncset.done $0x0  }
0x13a: {  	[sflag:s24] =	ssyncadd.s32 $0xFFFFE000  }
0x13b: {  	[tilespmem:s28], [sflag:$0x2] =	stream.linear.gather [spmem:s20], $0x2000, $0x38;
	[tilespmem:$0x1D480] =	vst v63  }
0x13c: {  	_ =	swait.ge [sflag:s24], $0x2000  }
0x13d: {  	[sflag:s24] =	ssyncset.done $0x0  }
0x13e: {  	s12 =	rddreg [dreg:$0xa];
	[sflag:s24] =	ssyncadd.s32 $0xFFFFE000  }
0x13f: {  	[hbm4b:s12+s9] =	stream.linear.scatter [tilespmem:s28], [sflag:$0x2], $0x2000, $0x38;
	[tilespmem:$0x1D480] =	vst v63  }
0x140: {  	_ =	swait.ge [sflag:s24], $0x2000  }
0x141: {  	[sflag:s24] =	ssyncset.done $0x0  }
0x142: {  	[sflag:s24] =	ssyncadd.s32 $0xFFFFE000  }
0x143: {  	[tilespmem:s28], [sflag:$0x2] =	stream.linear.gather [spmem:s21], $0x2000, $0x38;
	[tilespmem:$0x1D480] =	vst v63  }
0x144: {  	_ =	swait.ge [sflag:s24], $0x2000  }
0x145: {  	[sflag:s24] =	ssyncset.done $0x0  }
0x146: {  	s25 =	rddreg [dreg:$0xb];
	[sflag:s24] =	ssyncadd.s32 $0xFFFFE000  }
0x147: {  	[hbm4b:s25+s9] =	stream.linear.scatter [tilespmem:s28], [sflag:$0x2], $0x2000, $0x38;
	[tilespmem:$0x1D480] =	vst v63  }
0x148: {  	_ =	swait.ge [sflag:s24], $0x2000  }
0x149: {  	[sflag:s24] =	ssyncset.done $0x0  }
0x14a: {  	[sflag:s24] =	ssyncadd.s32 $0xFFFFE000  }
0x14b: {  	[tilespmem:s28], [sflag:$0x2] =	stream.linear.gather [spmem:s22], $0x2000, $0x38;
	[tilespmem:$0x1D480] =	vst v63  }
0x14c: {  	_ =	swait.ge [sflag:s24], $0x2000  }
0x14d: {  	[sflag:s24] =	ssyncset.done $0x0  }
0x14e: {  	s26 =	rddreg [dreg:$0xc];
	[sflag:s24] =	ssyncadd.s32 $0xFFFFE000  }
0x14f: {  	[hbm4b:s26+s9] =	stream.linear.scatter [tilespmem:s28], [sflag:$0x2], $0x2000, $0x38;
	[tilespmem:$0x1D480] =	vst v63  }
0x150: {  	_ =	swait.ge [sflag:s24], $0x2000  }
0x151: {  	[sflag:s24] =	ssyncset.done $0x0  }
0x152: {  	s1 =	simm.s32 $0x0;
	s5 =	simm.s32 $0x100;
	[sflag:s24] =	ssyncadd.s32 $0xFFFFE000  }
.LBB2_8:
0x153: {  	p0 =	sne.s32 s5, $0x7F00;
	[tilespmem:s1+$0x11470] =	vst v3;
	s6 =	smov.u32 s5;
	s5 =	sadd.s32 $0x100, s5  }
.Ltmp3:
0x154: {  	[tilespmem:s1+$0x11460] =	vst v3;
	(pc) =	sbr.rel @p0 .LBB2_8-.Ltmp3, $3  }
0x155: {  	[tilespmem:s1+$0x11440] =	vst v3  }
0x156: {  	[tilespmem:s1+$0x11450] =	vst v3;
	_ =	sdelay $0x1  }
0x157: {  	s1 =	sshra.s32 s6, $0x2  }
0x158: {  	[tilespmem:s1+$0x11470] =	vst v3  }
0x159: {  	[tilespmem:s1+$0x11460] =	vst v3  }
0x15a: {  	[tilespmem:s1+$0x11440] =	vst v3  }
0x15b: {  	[tilespmem:s1+$0x11450] =	vst v3  }
0x15c: {  	[spmem:s18] =	stream.linear.scatter [tilespmem:s28], [sflag:$0x2], $0x2000, $0x38;
	[tilespmem:$0x1D480] =	vst v63  }
0x15d: {  	_ =	swait.ge [sflag:s24], $0x2000  }
0x15e: {  	[sflag:s24] =	ssyncset.done $0x0  }
0x15f: {  	[sflag:s24] =	ssyncadd.s32 $0xFFFFE000  }
0x160: {  	[spmem:s19] =	stream.linear.scatter [tilespmem:s28], [sflag:$0x2], $0x2000, $0x38;
	[tilespmem:$0x1D480] =	vst v63  }
0x161: {  	_ =	swait.ge [sflag:s24], $0x2000  }
0x162: {  	[sflag:s24] =	ssyncset.done $0x0  }
0x163: {  	[sflag:s24] =	ssyncadd.s32 $0xFFFFE000  }
0x164: {  	[spmem:s20] =	stream.linear.scatter [tilespmem:s28], [sflag:$0x2], $0x2000, $0x38;
	[tilespmem:$0x1D480] =	vst v63  }
0x165: {  	_ =	swait.ge [sflag:s24], $0x2000  }
0x166: {  	[sflag:s24] =	ssyncset.done $0x0  }
0x167: {  	[sflag:s24] =	ssyncadd.s32 $0xFFFFE000  }
0x168: {  	[spmem:s21] =	stream.linear.scatter [tilespmem:s28], [sflag:$0x2], $0x2000, $0x38;
	[tilespmem:$0x1D480] =	vst v63  }
0x169: {  	_ =	swait.ge [sflag:s24], $0x2000  }
0x16a: {  	[sflag:s24] =	ssyncset.done $0x0  }
0x16b: {  	[sflag:s24] =	ssyncadd.s32 $0xFFFFE000  }
0x16c: {  	[spmem:s22] =	stream.linear.scatter [tilespmem:s28], [sflag:$0x2], $0x2000, $0x38;
	[tilespmem:$0x1D480] =	vst v63  }
0x16d: {  	_ =	swait.ge [sflag:s24], $0x2000  }
0x16e: {  	[sflag:s24] =	ssyncset.done $0x0  }
0x16f: {  	[sflag:s24] =	ssyncadd.s32 $0xFFFFE000  }
0x170: {  	s25 =	simm.s32 $0x9D80;
	[bflag:$0x0] =	sbarrier.arrive $0xFFFF  }
0x171: {  	[tilespmem:s30], [sflag:$0x1] =	stream.indirect.gather [hbm4b:s4+s29], $0x40, s25, s29, $0xb8;
	[tilespmem:$0x1D480] =	vst v63  }
0x172: {  	_ =	swait.ge [sflag:s31], $0x2800  }
0x173: {  	[sflag:s31] =	ssyncset.done $0x0  }
0x174: {  	s26 =	simm.s32 $0xC4E0;
	[sflag:s31] =	ssyncadd.s32 $0xFFFFD800  }
0x175: {  	[spmem:s2] =	stream.indirect.scatter.add.f32 [tilespmem:s30], [sflag:$0x2], $0x40, s26, s29, $0xb8;
	[tilespmem:$0x1D480] =	vst v63  }
0x176: {  	_ =	swait.ge [sflag:s24], $0x2800  }
0x177: {  	s5 =	simm.s32 $0x500;
	s1 =	simm.s32 $0xA0;
	[sflag:s24] =	ssyncset.done $0x0  }
.LBB2_10:
0x178: {  	s6 =	sadd.s32 $0x9D80, s1  }
0x179: {  	[sflag:s24] =	ssyncadd.s32 $0xFFFFD800;
	s7 =	smov.u32 s5;
	s8 =	sadd.s32 $0x280, s5  }
0x17a: {  	[tilespmem:s30], [sflag:$0x1] =	stream.indirect.gather [hbm4b:s4+s29], $0x40, s6, s29, $0xb8;
	[tilespmem:$0x1D480] =	vst v63  }
0x17b: {  	p0 =	sne.s32 s5, $0x9B00;
	_ =	swait.ge [sflag:s31], $0x2800  }
.Ltmp4:
0x17c: {  	[sflag:s31] =	ssyncset.done $0x0;
	(pc) =	sbr.rel @p0 .LBB2_10-.Ltmp4, $4  }
0x17d: {  	s1 =	sadd.s32 $0xC4E0, s1;
	[sflag:s31] =	ssyncadd.s32 $0xFFFFD800  }
0x17e: {  	[spmem:s2] =	stream.indirect.scatter.add.f32 [tilespmem:s30], [sflag:$0x2], $0x40, s1, s29, $0xb8;
	[tilespmem:$0x1D480] =	vst v63  }
0x17f: {  	_ =	swait.ge [sflag:s24], $0x2800  }
0x180: {  	s5 =	smov.u32 s8;
	s1 =	sshra.s32 s7, $0x2;
	[sflag:s24] =	ssyncset.done $0x0  }
0x181: {  	s5 =	sadd.s32 $0x9D80, s1;
	[sflag:s24] =	ssyncadd.s32 $0xFFFFD800  }
0x182: {  	[tilespmem:s30], [sflag:$0x1] =	stream.indirect.gather [hbm4b:s4+s29], $0x40, s5, s29, $0xb8;
	[tilespmem:$0x1D480] =	vst v63  }
0x183: {  	_ =	swait.ge [sflag:s31], $0x2800  }
0x184: {  	[sflag:s31] =	ssyncset.done $0x0  }
0x185: {  	s26 =	sadd.s32 $0xC4E0, s1;
	[sflag:s31] =	ssyncadd.s32 $0xFFFFD800  }
0x186: {  	[spmem:s2] =	stream.indirect.scatter.add.f32 [tilespmem:s30], [sflag:$0x2], $0x40, s26, s29, $0xb8;
	[tilespmem:$0x1D480] =	vst v63  }
0x187: {  	_ =	swait.ge [sflag:s24], $0x2800  }
0x188: {  	[sflag:s24] =	ssyncset.done $0x0  }
0x189: {  	[sflag:s24] =	ssyncadd.s32 $0xFFFFD800  }
0x18a: {  	[bflag:$0x0] =	sbarrier.arrive $0xFFFF  }
0x18b: {  	[tilespmem:s28], [sflag:$0x2] =	stream.linear.gather [spmem:s18], $0x2000, $0x38;
	[tilespmem:$0x1D480] =	vst v63  }
0x18c: {  	_ =	swait.ge [sflag:s24], $0x2000  }
0x18d: {  	[sflag:s24] =	ssyncset.done $0x0  }
0x18e: {  	[sflag:s24] =	ssyncadd.s32 $0xFFFFE000  }
0x18f: {  	[hbm4b:s13+s3] =	stream.linear.scatter [tilespmem:s28], [sflag:$0x2], $0x2000, $0x38;
	[tilespmem:$0x1D480] =	vst v63  }
0x190: {  	_ =	swait.ge [sflag:s24], $0x2000  }
0x191: {  	[sflag:s24] =	ssyncset.done $0x0  }
0x192: {  	[sflag:s24] =	ssyncadd.s32 $0xFFFFE000  }
0x193: {  	[tilespmem:s28], [sflag:$0x2] =	stream.linear.gather [spmem:s19], $0x2000, $0x38;
	[tilespmem:$0x1D480] =	vst v63  }
0x194: {  	_ =	swait.ge [sflag:s24], $0x2000  }
0x195: {  	[sflag:s24] =	ssyncset.done $0x0  }
0x196: {  	[sflag:s24] =	ssyncadd.s32 $0xFFFFE000  }
0x197: {  	[hbm4b:s14+s3] =	stream.linear.scatter [tilespmem:s28], [sflag:$0x2], $0x2000, $0x38;
	[tilespmem:$0x1D480] =	vst v63  }
0x198: {  	_ =	swait.ge [sflag:s24], $0x2000  }
0x199: {  	[sflag:s24] =	ssyncset.done $0x0  }
0x19a: {  	[sflag:s24] =	ssyncadd.s32 $0xFFFFE000  }
0x19b: {  	[tilespmem:s28], [sflag:$0x2] =	stream.linear.gather [spmem:s20], $0x2000, $0x38;
	[tilespmem:$0x1D480] =	vst v63  }
0x19c: {  	_ =	swait.ge [sflag:s24], $0x2000  }
0x19d: {  	[sflag:s24] =	ssyncset.done $0x0  }
0x19e: {  	[sflag:s24] =	ssyncadd.s32 $0xFFFFE000  }
0x19f: {  	[hbm4b:s15+s3] =	stream.linear.scatter [tilespmem:s28], [sflag:$0x2], $0x2000, $0x38;
	[tilespmem:$0x1D480] =	vst v63  }
0x1a0: {  	_ =	swait.ge [sflag:s24], $0x2000  }
0x1a1: {  	[sflag:s24] =	ssyncset.done $0x0  }
0x1a2: {  	[sflag:s24] =	ssyncadd.s32 $0xFFFFE000  }
0x1a3: {  	[tilespmem:s28], [sflag:$0x2] =	stream.linear.gather [spmem:s21], $0x2000, $0x38;
	[tilespmem:$0x1D480] =	vst v63  }
0x1a4: {  	_ =	swait.ge [sflag:s24], $0x2000  }
0x1a5: {  	[sflag:s24] =	ssyncset.done $0x0  }
0x1a6: {  	[sflag:s24] =	ssyncadd.s32 $0xFFFFE000  }
0x1a7: {  	[hbm4b:s16+s3] =	stream.linear.scatter [tilespmem:s28], [sflag:$0x2], $0x2000, $0x38;
	[tilespmem:$0x1D480] =	vst v63  }
0x1a8: {  	_ =	swait.ge [sflag:s24], $0x2000  }
0x1a9: {  	[sflag:s24] =	ssyncset.done $0x0  }
0x1aa: {  	[sflag:s24] =	ssyncadd.s32 $0xFFFFE000  }
0x1ab: {  	[tilespmem:s28], [sflag:$0x2] =	stream.linear.gather [spmem:s22], $0x2000, $0x38;
	[tilespmem:$0x1D480] =	vst v63  }
0x1ac: {  	s0 =	sadd.s32 $0x1, s0;
	_ =	swait.ge [sflag:s24], $0x2000  }
0x1ad: {  	p0 =	sne.s32 s0, s23;
	[sflag:s24] =	ssyncset.done $0x0  }
.Ltmp5:
0x1ae: {  	[sflag:s24] =	ssyncadd.s32 $0xFFFFE000;
	(pc) =	sbr.rel @p0 .LBB2_1-.Ltmp5, $4  }
0x1af: {  	[hbm4b:s17+s3] =	stream.linear.scatter [tilespmem:s28], [sflag:$0x2], $0x2000, $0x38;
	[tilespmem:$0x1D480] =	vst v63  }
0x1b0: {  	_ =	swait.ge [sflag:s24], $0x2000  }
0x1b1: {  	[sflag:s24] =	ssyncset.done $0x0  }
0x1b2: {  	[sflag:s24] =	ssyncadd.s32 $0xFFFFE000  }
0x1b3: {  	_ =	sfence.sel $0x180000  }
0x1b4: {  	[bflag:$0x0] =	sbarrier.arrive $0xFFFF  }
0x1b5: {  	_ =	strace $0x9000004A  }
0x1b6: {  	s0 =	stileid.u32;
	[bflag:$0x2] =	sbarrier.arrive $0xFFFF  }
0x1b7: {  	p0 =	sne.s32 s0, $0x0;
	s0 =	rddreg [dreg:$0x4]  }
0x1b8: {  	s0 =	sadd.s32 @!p0 $0x100000, s0  }
0x1b9: {  	[sflag:s0] =	ssyncadd.tile.s32 @!p0 $0x1;
	_ =	shalt  }
.Lfunc_end2:
_tile_overlayer_lowered:
.L_overlay_start_2:
0x1ba: {  	(tag) =	ssettag $0x2  }
0x1bb: {  	s0 =	rddreg [dreg:$0x0];
	s2 =	stileid.u32  }
0x1bc: {  	s1 =	rddreg [dreg:$0x1];
	p0 =	sne.s32 s2, $0x0  }
0x1bd: {  	s3 =	rddreg [dreg:$0x2];
	[bflag:$0x3] =	sbarrier.arrive $0xFFFF;
	s2 =	simm.s32 @!p0 $0x1C02  }
0x1be: {  	[timem:s3], [sflag:s2] =	dma.local @!p0 [hbm:s0], s1  }
0x1bf: {  	s0 =	simm.s32 @!p0 $0x2  }
0x1c0: {  	_ =	swait.ge @!p0 [sflag:s0], s1  }
0x1c1: {  	s1 =	ssub.s32 @!p0 $0x0, s1;
	[sflag:s0] =	ssyncset.done @!p0 $0x0  }
0x1c2: {  	[sflag:s0] =	ssyncadd.s32 @!p0 s1  }
0x1c3: {  	[bflag:$0x3] =	sbarrier.arrive $0xFFFF  }
0x1c4: {  	_ =	shalt  }

// kernel: sparse-core-data-format-call.cloned.1.call-start
scs
called_computation_lowered:
.L_overlay_start_0:
0x0: {  	s1 =	sld [smem:$0x3FD9]  }
0x1: {  	s2 =	sld [smem:$0x3FFE];
	_ =	sdelay $0x1  }
0x2: {  	s3 =	srdreg.scid  }
0x3: {  	s0 =	sand.u32 $0x1, s3  }
0x4: {  	s17 =	sshll.u32 s0, $0xA;
	s1 =	sadd.s32 s2, s1  }
0x5: {  	s1 =	sadd.s32 s1, s17  }
0x6: {  	[smem:$0x3FC1] =	sst s1  }
0x7: {  	_ = 	snop  }
0x8: {  	(tm) =	ssettm $0x1  }
0x9: {  	s18 =	sld [smem:$0x3FFB];
	_ =	sdelay $0x3  }
0xa: {  	_ =	strace s18  }
0xb: {  	s1 =	sld [smem:$0x3FFC];
	_ =	sdelay $0x3  }
0xc: {  	_ =	strace s1  }
0xd: {  	s1 =	sld [smem:$0x3FFD];
	_ =	sdelay $0x3  }
0xe: {  	_ =	strace s1  }
0xf: {  	_ =	strace $0x8FFFFFFF  }
0x10: {  	s19 =	sld [smem:$0x3FDB];
	_ =	sdelay $0x1  }
0x11: {  	s20 =	simm.s32 $_scs_section_size  }
0x12: {  	s4 =	simm.s32 $_size__tile_overlayer_lowered;
	s5 =	simm.s32 $_tile_overlayer_lowered  }
0x13: {  	s23 =	simm.s32 $0x1BFF;
	s22 =	sshll.u32 s5, $0x1;
	s1 =	sadd.s32 s20, s19  }
0x14: {  	s6 =	simm.s32 $0x0;
	s21 =	sshll.u32 s4, $0x1;
	s4 =	sadd.s32 s22, s1  }
0x15: {  	[timem:s6], [sflag:s23] =	dma.local [hbm:s4], s21  }
0x16: {  	_ =	swait.ge [sflag:s23], s21  }
0x17: {  	s2 =	ssub.s32 $0x0, s21;
	[sflag:s23] =	ssyncset.done $0x0  }
0x18: {  	[sflag:s23] =	ssyncadd.s32 s2;
	_ =	sdelay $0x1  }
0x19: {  	s24 =	simm.s32 $0x1B8B  }
0x1a: {  	_ =	swait.ge [sflag:s24], $0x1  }
0x1b: {  	[sflag:s24] =	ssyncset.done $0x0  }
0x1c: {  	s26 =	simm.s32 $0x1B8E;
	s25 =	sld [smem:$0x3FFE];
	[sflag:s24] =	ssyncadd.s32 $0xFFFFFFFF  }
0x1d: {  	s27 =	simm.s32 $execute0_lowered;
	[smem:$0x3FD2] =	sst s26  }
0x1e: {  	s4 =	sshll.u32 s27, $0x1;
	_ =	strace $0x80000046;
	[dreg:$0x1] =	wrdreg $0xFFFFFFFF  }
0x1f: {  	s28 =	simm.s32 $_size_execute0_lowered;
	s1 =	sadd.s32 s1, s4;
	[dreg:$0x0] =	wrdreg $0x0  }
0x20: {  	s4 =	sshll.u32 s28, $0x1;
	[dreg:$0x2] =	wrdreg s1  }
0x21: {  	[dreg:$0x3] =	wrdreg s4  }
0x22: {  	[dreg:$0x4] =	wrdreg $0xC0  }
0x23: {  	_ =	task [dreg:s6], $0x5FFFF  }
0x24: {  	[dreg:$0x1] =	wrdreg $0xFFFFFFFF  }
0x25: {  	[dreg:$0x0] =	wrdreg $0x60  }
0x26: {  	[dreg:$0x2] =	wrdreg s25  }
0x27: {  	[dreg:$0x3] =	wrdreg $0x9  }
0x28: {  	_ =	task.clear_ibuf [dreg:s6], $0x4FFFF;
	_ =	strace $0x90000046  }
0x29: {  	s29 =	simm.s32 $0x9;
	_ =	strace $0x80000048  }
0x2a: {  	_ =	swait.ge [sflag:s29], $0x1  }
0x2b: {  	[sflag:s29] =	ssyncadd.s32 $0xFFFFFFFF  }
0x2c: {  	_ =	strace $0x90000048  }
0x2d: {  	_ =	sfence  }
0x2e: {  	s30 =	sld [smem:$0x0];
	_ =	sdelay $0x2  }
0x2f: {  	s31 =	sshll.u32 s3, $0xD;
	s3 =	sshrl.u32 s3, $0x2  }
0x30: {  	s2 =	sand.u32 $0x4000, s31;
	s1 =	sadd.s32 s3, s30  }
0x31: {  	s0 =	sor.u32 s2, s0;
	s1 =	sshll.u32 s1, $0x11  }
0x32: {  	s0 =	sor.u32 s1, s0  }
0x33: {  	s0 =	sadd.s32 $0x8F2B, s0  }
0x34: {  	[sflag:s0] =	ssyncadd.remote.s32 $0x1  }
0x35: {  	_ =	sfence.sel $0xFFFF  }
0x36: {  	[dreg:$0x0] =	wrdreg $0xFFFFFFFF;
	(pc) =	sbr.abs _section_cstart, $3  }
0x37: {  	[dreg:$0x1] =	wrdreg $0xFFFFFFFF  }
0x38: {  	_ =	task.clear_ibuf [dreg:s6], $0x2FFFF;
	_ =	strace $0x9FFFFFFF  }
0x39: {  	(tm) =	ssettm $0x7FFFFFFF  }
tec
execute0_lowered:
.L_overlay_start_1:
0x0: {  	(tag) =	ssettag $0x1  }
0x1: {  	s0 =	srdreg.scid  }
0x2: {  	s1 =	sshll.u32 s0, $0x4  }
0x3: {  	s4 =	rddreg [dreg:$0x0];
	s0 =	stileid.u32;
	s1 =	sand.u32 $0x10, s1  }
0x4: {  	s7 =	simm.s32 $0x1;
	s8 =	simm.s32 $0x2;
	s1 =	sor.u32 s0, s1  }
0x5: {  	s9 =	simm.s32 $0x0;
	s12 =	simm.s32 $0x0;
	s2 =	sshll.u32 s1, $0x3  }
0x6: {  	s11 =	simm.s32 $0x0;
	s3 =	sadd.s32 $0x1000, s4;
	s6 =	ssub.s32 $0x1388, s2  }
.Ltmp0:
0x7: {  	s4 =	sadd.s32 $0x139800, s4;
	s5 =	sand.u32 $0xF8, s6;
	(pc) =	sbr.rel .LBB1_1-.Ltmp0, $4  }
0x8: {  	s1 =	rddreg [dreg:$0x1];
	_ =	strace $0x80000047;
	p0 =	sne.s32 s5, $0x0  }
0x9: {  	s6 =	sshrl.u32 s6, $0x8;
	s5 =	simm.s32 $0x1;
	s7 =	simm.s32 @!p0 $0x0  }
0xa: {  	s10 =	smov.u32 s2;
	[sflag:s5] =	ssyncpa.u1 $0x0;
	s6 =	sadd.s32 s7, s6  }
0xb: {  	[sflag:s8] =	ssyncpa.u1 $0x0;
	s8 =	simm.s32 $0x0;
	s7 =	sadd.s32 $0x1, s6  }
.LBB1_9:
0xc: {  	s14 =	sadd.s32 $0x100, s10  }
0xd: {  	p1 =	sgt.s32 s14, $0x1387  }
0xe: {  	s14 =	smov.u32 @p1 s2;
	p1 =	sne.s32 s11, s7  }
.Ltmp1:
0xf: {  	p0 =	slt.u32 s11, $0x2;
	(pc) =	sbr.rel @!p1 .LBB1_10-.Ltmp1, $4  }
0x10: {  	s13 =	simm.s32 @!p0 $0x2  }
0x11: {  	s15 =	sadd.s32 $0x1, s11;
	_ =	swait.ge @!p0 [sflag:s13], $0x4000  }
0x12: {  	s12 =	smov.u32 s10;
	s9 =	sadd.s32 $0x4000, s9;
	[sflag:s13] =	ssyncset.done @!p0 $0x0  }
0x13: {  	s11 =	smov.u32 s15;
	s10 =	smov.u32 s14;
	[sflag:s13] =	ssyncadd.s32 @!p0 $0xFFFFC000  }
.LBB1_1:
0x14: {  	p0 =	sge.u32 s11, s6  }
0x15: {  	s13 =	sxor.u32 @!p0 $0xFFFFFFFF, s11  }
0x16: {  	s31 =	sadd.s32 $0xFFFFFFFF, s11;
	s14 =	sshll.u32 @!p0 s10, $0x8;
	s13 =	sshll.u32 @!p0 s13, $0xE  }
0x17: {  	s15 =	simm.s32 @!p0 $0x0;
	s14 =	sadd.s32 @!p0 s3, s14;
	s13 =	sand.u32 @!p0 $0x4000, s13  }
0x18: {  	[tilespmem:s13], [sflag:$0x1] =	stream.linear.gather @!p0 [hbm4b:s14+s15], $0x4000, $0x38;
	[tilespmem:$0x10000] =	vst v63  }
0x19: {  	p0 =	sge.u32 s31, s6  }
.Ltmp2:
0x1a: {  	_ = 	snop;
	(pc) =	sbr.rel @p0 .LBB1_9-.Ltmp2, $1  }
0x1b: {  	_ =	sdelay $0x3  }
0x1c: {  	s13 =	sshll.u32 s9, $0x2;
	_ =	swait.ge [sflag:s5], $0x4000;
	s14 =	sshll.u32 s11, $0xE  }
0x1d: {  	s16 =	simm.s32 $0x0;
	s17 =	simm.s32 $0x0;
	s15 =	sand.u32 $0x10000, s13  }
0x1e: {  	[sflag:s5] =	ssyncset.done $0x0;
	s31 =	sand.u32 $0x4000, s14;
	s14 =	sshrl.u32 s15, $0x2  }
0x1f: {  	[sflag:s5] =	ssyncadd.s32 $0xFFFFC000;
	s13 =	sor.u32 $0x8000, s31;
	s15 =	sor.u32 $0x8000, s14  }
.LBB1_3:
0x20: {  	s18 =	sshra.s32 s16, $0x2  }
0x21: {  	v0 =	vmov s18;
	_ =	sdelay $0x3  }
0x22: {  	p1 =	por $0x1, $0x1;
	s18 =	simm.s32 $0x0  }
.LBB1_4:
0x23: {  	_ = 	snop  }
0x24: {  	s19 =	sshll.u32 s18, $0xA  }
0x25: {  	s19 =	sand.u32 $0x3FFFFC00, s19  }
0x26: {  	s19 =	sadd.s32 s19, s14  }
0x27: {  	v5 =	vld.idx.msk [tilespmem:v0+s19+$0x70 ss:$0x1], $0xffff  }
0x28: {  	v6 =	vld.idx.msk [tilespmem:v0+s19+$0x10 ss:$0x1], $0xffff  }
0x29: {  	v7 =	vld.idx.msk [tilespmem:v0+s19+$0x20 ss:$0x1], $0xffff  }
0x2a: {  	s31 =	sshll.u32 s18, $0x7;
	v1 =	vld.idx.msk [tilespmem:v0+s19+$0x30 ss:$0x1], $0xffff  }
0x2b: {  	s18 =	sand.u32 $0x3FFFFF80, s31;
	v2 =	vld.idx.msk [tilespmem:v0+s19+$0x40 ss:$0x1], $0xffff  }
0x2c: {  	s18 =	sadd.s32 s18, s15;
	v3 =	vld.idx.msk [tilespmem:v0+s19+$0x50 ss:$0x1], $0xffff  }
0x2d: {  	v4 =	vld.idx.msk [tilespmem:v0+s19+$0x60 ss:$0x1], $0xffff;
	[tilespmem:v0+s18+$0x70 ss:$0x1] =	vst.idx.msk $0xffff, v5  }
0x2e: {  	v5 =	vld.idx.msk [tilespmem:v0+s19+$0x0 ss:$0x1], $0xffff;
	[tilespmem:v0+s18+$0x10 ss:$0x1] =	vst.idx.msk $0xffff, v6;
	s19 =	sadd.s32 $0x80, s19  }
0x2f: {  	p0 =	por p1, p1;
	s20 =	simm.s32 $0x6;
	[tilespmem:v0+s18+$0x20 ss:$0x1] =	vst.idx.msk $0xffff, v7;
	v6 =	vld.idx.msk [tilespmem:v0+s19+$0x70 ss:$0x1], $0xffff  }
.LBB1_5:
0x30: {  	p1 =	sne.s32 s20, $0x1;
	v7 =	vld.idx.msk [tilespmem:v0+s19+$0x10 ss:$0x1], $0xffff;
	[tilespmem:v0+s18+$0x30 ss:$0x1] =	vst.idx.msk $0xffff, v1  }
0x31: {  	v8 =	vld.idx.msk [tilespmem:v0+s19+$0x20 ss:$0x1], $0xffff;
	[tilespmem:v0+s18+$0x40 ss:$0x1] =	vst.idx.msk $0xffff, v2  }
0x32: {  	v1 =	vld.idx.msk [tilespmem:v0+s19+$0x30 ss:$0x1], $0xffff;
	[tilespmem:v0+s18+$0x50 ss:$0x1] =	vst.idx.msk $0xffff, v3  }
.Ltmp3:
0x33: {  	v2 =	vld.idx.msk [tilespmem:v0+s19+$0x40 ss:$0x1], $0xffff;
	[tilespmem:v0+s18+$0x60 ss:$0x1] =	vst.idx.msk $0xffff, v4;
	(pc) =	sbr.rel @p1 .LBB1_5-.Ltmp3, $4  }
0x34: {  	v3 =	vld.idx.msk [tilespmem:v0+s19+$0x50 ss:$0x1], $0xffff;
	[tilespmem:v0+s18+$0x0 ss:$0x1] =	vst.idx.msk $0xffff, v5;
	s18 =	sadd.s32 $0x100, s18  }
0x35: {  	v4 =	vld.idx.msk [tilespmem:v0+s19+$0x60 ss:$0x1], $0xffff;
	[tilespmem:v0+s18+$0x70 ss:$0x1] =	vst.idx.msk $0xffff, v6  }
0x36: {  	v5 =	vld.idx.msk [tilespmem:v0+s19+$0x0 ss:$0x1], $0xffff;
	[tilespmem:v0+s18+$0x10 ss:$0x1] =	vst.idx.msk $0xffff, v7;
	s19 =	sadd.s32 $0x80, s19  }
0x37: {  	s20 =	sadd.s32 $0xFFFFFFFF, s20;
	v6 =	vld.idx.msk [tilespmem:v0+s19+$0x70 ss:$0x1], $0xffff;
	[tilespmem:v0+s18+$0x20 ss:$0x1] =	vst.idx.msk $0xffff, v8  }
0x38: {  	_ =	sdelay $0x3  }
0x39: {  	[tilespmem:v0+s18+$0x30 ss:$0x1] =	vst.idx.msk $0xffff, v1  }
0x3a: {  	v1 =	vld.idx.msk [tilespmem:v0+s19+$0x10 ss:$0x1], $0xffff;
	[tilespmem:v0+s18+$0x40 ss:$0x1] =	vst.idx.msk $0xffff, v2  }
0x3b: {  	v2 =	vld.idx.msk [tilespmem:v0+s19+$0x20 ss:$0x1], $0xffff;
	[tilespmem:v0+s18+$0x50 ss:$0x1] =	vst.idx.msk $0xffff, v3  }
0x3c: {  	v61 =	vld.idx.msk [tilespmem:v0+s19+$0x40 ss:$0x1], $0xffff;
	[tilespmem:v0+s18+$0x60 ss:$0x1] =	vst.idx.msk $0xffff, v4  }
0x3d: {  	s31 =	sadd.s32 $0x100, s18;
	v62 =	vld.idx.msk [tilespmem:v0+s19+$0x50 ss:$0x1], $0xffff;
	[tilespmem:v0+s18+$0x0 ss:$0x1] =	vst.idx.msk $0xffff, v5  }
0x3e: {  	v63 =	vld.idx.msk [tilespmem:v0+s19+$0x60 ss:$0x1], $0xffff;
	[tilespmem:v0+s31+$0x70 ss:$0x1] =	vst.idx.msk $0xffff, v6  }
0x3f: {  	v3 =	vld.idx.msk [tilespmem:v0+s19+$0x30 ss:$0x1], $0xffff;
	[tilespmem:v0+s31+$0x10 ss:$0x1] =	vst.idx.msk $0xffff, v1  }
0x40: {  	v1 =	vld.idx.msk [tilespmem:v0+s19+$0x0 ss:$0x1], $0xffff;
	[tilespmem:v0+s31+$0x20 ss:$0x1] =	vst.idx.msk $0xffff, v2  }
.Ltmp4:
0x41: {  	[tilespmem:v0+s31+$0x40 ss:$0x1] =	vst.idx.msk $0xffff, v61;
	(pc) =	sbr.rel @p0 .LBB1_4-.Ltmp4, $4  }
0x42: {  	[tilespmem:v0+s31+$0x50 ss:$0x1] =	vst.idx.msk $0xffff, v62  }
0x43: {  	[tilespmem:v0+s31+$0x60 ss:$0x1] =	vst.idx.msk $0xffff, v63  }
0x44: {  	[tilespmem:v0+s31+$0x30 ss:$0x1] =	vst.idx.msk $0xffff, v3  }
0x45: {  	p1 =	por $0x0, $0x0;
	s18 =	simm.s32 $0x1;
	[tilespmem:v0+s31+$0x0 ss:$0x1] =	vst.idx.msk $0xffff, v1  }
0x46: {  	s17 =	sadd.s32 $0x1, s17  }
0x47: {  	p0 =	sne.s32 s17, $0x8  }
.Ltmp5:
0x48: {  	_ = 	snop;
	(pc) =	sbr.rel @p0 .LBB1_3-.Ltmp5, $2  }
0x49: {  	_ =	sdelay $0x2  }
0x4a: {  	s16 =	sadd.s32 $0x2000, s16  }
.Ltmp6:
0x4b: {  	(pc) =	sbr.rel .LBB1_9-.Ltmp6, $4  }
0x4c: {  	_ = 	snop  }
0x4d: {  	s12 =	sshll.u32 s12, $0x8  }
0x4e: {  	s12 =	sadd.s32 s4, s12  }
0x4f: {  	[hbm4b:s12+s8] =	stream.linear.scatter [tilespmem:s13], [sflag:$0x2], $0x4000, $0x38;
	[tilespmem:$0x10000] =	vst v63  }
.LBB1_10:
0x50: {  	_ =	sfence.sel $0x180000  }
0x51: {  	s2 =	simm.s32 $0x1;
	[bflag:$0x0] =	sbarrier.arrive $0xFFFF  }
0x52: {  	s31 =	simm.s32 $0x2;
	[sflag:s2] =	ssyncpa.u1 $0x1  }
0x53: {  	[sflag:s31] =	ssyncpa.u1 $0x1  }
0x54: {  	p0 =	sne.s32 s0, $0x0;
	_ =	strace $0x90000047  }
0x55: {  	s0 =	sadd.s32 @!p0 $0x100000, s1;
	[bflag:$0x2] =	sbarrier.arrive $0xFFFF  }
0x56: {  	[sflag:s0] =	ssyncadd.tile.s32 @!p0 $0x1;
	_ =	shalt  }
.Lfunc_end1:
_tile_overlayer_lowered:
.L_overlay_start_2:
0x57: {  	(tag) =	ssettag $0x2  }
0x58: {  	s0 =	rddreg [dreg:$0x0];
	s2 =	stileid.u32  }
0x59: {  	s1 =	rddreg [dreg:$0x1];
	p0 =	sne.s32 s2, $0x0  }
0x5a: {  	s3 =	rddreg [dreg:$0x2];
	[bflag:$0x3] =	sbarrier.arrive $0xFFFF;
	s2 =	simm.s32 @!p0 $0x1C01  }
0x5b: {  	[timem:s3], [sflag:s2] =	dma.local @!p0 [hbm:s0], s1  }
0x5c: {  	s0 =	simm.s32 @!p0 $0x1  }
0x5d: {  	_ =	swait.ge @!p0 [sflag:s0], s1  }
0x5e: {  	s1 =	ssub.s32 @!p0 $0x0, s1;
	[sflag:s0] =	ssyncset.done @!p0 $0x0  }
0x5f: {  	[sflag:s0] =	ssyncadd.s32 @!p0 s1  }
0x60: {  	[bflag:$0x3] =	sbarrier.arrive $0xFFFF  }
0x61: {  	_ =	shalt  }

</sc_bundles>
